<compile_context>
chip_gen: v7x
topology: tpu7x:2x2x1
jax: 0.10.2.dev20260603
libtpu: 0.0.44.dev20260713+nightly
codegen_flags: <defaults>
</compile_context>

<pallas_src>
import functools

import jax
import jax.numpy as jnp
from jax import lax
from jax.experimental import pallas as pl
from jax.experimental.pallas import tpu as pltpu
from jax.experimental.pallas import tpu_sc as plsc

_NUM_OBJS = 1000
_NUM_RELS = 64
_BATCH = 16384
_L = 16


@functools.lru_cache(maxsize=None)
def _build(num_cores: int, num_subcores: int):
    nw = num_cores * num_subcores
    bpw = _BATCH // nw
    mesh = plsc.VectorSubcoreMesh(
        core_axis_name="c", subcore_axis_name="s",
        num_cores=num_cores, num_subcores=num_subcores)

    @functools.partial(
        pl.kernel,
        out_type=jax.ShapeDtypeStruct((_BATCH, _NUM_RELS), jnp.float32),
        mesh=mesh,
        scratch_types=[
            pltpu.VMEM((2 * bpw,), jnp.int32),
            pltpu.VMEM((bpw, _NUM_RELS), jnp.float32),
            pltpu.SemaphoreType.DMA,
        ],
        compiler_params=pltpu.CompilerParams(use_tc_tiling_on_sc=False),
    )
    def k(labels_hbm, table_hbm, out_hbm, lab_v, rows_v, sem):
        wid = lax.axis_index("s") * num_cores + lax.axis_index("c")
        base = wid * bpw
        pltpu.sync_copy(labels_hbm.at[pl.ds(base * 2, 2 * bpw)], lab_v)
        lane = lax.iota(jnp.int32, _L)
        half = lane < 8
        even2 = (lane & 7) * 2
        odd2 = even2 + 1
        copies = []
        for j in range(bpw // _L):
            a = lab_v[pl.ds(2 * _L * j, _L)]
            b = lab_v[pl.ds(2 * _L * j + _L, _L)]
            l0 = jnp.where(half,
                           a.at[even2].get(mode="promise_in_bounds"),
                           b.at[even2].get(mode="promise_in_bounds"))
            l1 = jnp.where(half,
                           a.at[odd2].get(mode="promise_in_bounds"),
                           b.at[odd2].get(mode="promise_in_bounds"))
            fused = l0 * _NUM_OBJS + l1
            copies.append(pltpu.async_copy(
                table_hbm.at[fused],
                rows_v.at[pl.ds(j * _L, _L)],
                sem))
        for cp in copies:
            cp.wait()
        pltpu.sync_copy(rows_v, out_hbm.at[pl.ds(base, bpw)])

    return k


def kernel(labels, obj_baseline):
    info = plsc.get_sparse_core_info()
    k = _build(info.num_cores, info.num_subcores)
    return k(labels.reshape(-1), obj_baseline)

# --- scband reference (transcript-rebuilt; emitter-appended) ---
"""Pipeline reference for scband-frequency-bias-25933012533724 (READ-ONLY COPY).

The authoritative reference and input builder live on the scoring server;
editing this copy changes nothing except your own understanding.
"""

import jax, jax.numpy as jnp
import numpy as np

NUM_OBJS = 1000
NUM_RELS = 64
BATCH = 16384


def setup_inputs(seed: int = 0) -> dict:
    key = jax.random.key(seed)
    k1, k2 = jax.random.split(key)
    labels = jax.random.randint(k1, (BATCH, 2), 0, NUM_OBJS, dtype=jnp.int64 if jax.config.jax_enable_x64 else jnp.int32)
    labels = labels.astype(jnp.int32)
    # obj_baseline weight: flattened pred_dist of shape [num_objs*num_objs, num_rels]
    obj_baseline = jax.random.uniform(k2, (NUM_OBJS * NUM_OBJS, NUM_RELS), dtype=jnp.float32)
    return {"labels": labels, "obj_baseline": obj_baseline}


def reference(labels, obj_baseline):
    # forward -> index_with_labels(labels)
    # idx = labels[:, 0] * num_objs + labels[:, 1]; ret = embedding_lookup(idx)
    idx = labels[:, 0] * NUM_OBJS + labels[:, 1]
    ret = jnp.take(obj_baseline, idx, axis=0)
    return ret

if __name__ == "__main__":
    import jax
    _d = setup_inputs()
    print(jax.jit(kernel)(*tuple(_d.values())))

</pallas_src>

<mosaic_0001>
#map = affine_map<(d0, d1) -> (0)>
#map1 = affine_map<(d0, d1) -> (0, 0)>
module attributes {stable_mosaic.version = 14 : i64} {
  func.func @k(%arg0: i32, %arg1: i32, %arg2: memref<32768xi32, #tpu.memory_space<hbm>>, %arg3: memref<1000000x64xf32, #tpu.memory_space<hbm>>, %arg4: memref<16384x64xf32, #tpu.memory_space<hbm>>, %arg5: memref<1024xi32, #tpu.memory_space<vmem>>, %arg6: memref<512x64xf32, #tpu.memory_space<vmem>>, %arg7: memref<!tpu.dma_semaphore, #tpu.memory_space<semaphore_mem>>) attributes {dimension_semantics = [#tpu.dimension_semantics<core_parallel>, #tpu.dimension_semantics<subcore_parallel>], iteration_bounds = array<i64: 2, 16>, scalar_prefetch = 0 : i64, scratch_operands = 3 : i64, tpu.core_type = #tpu.core_type<sc_vector_subcore>, window_params = [{transform_indices = #map}, {transform_indices = #map1}, {transform_indices = #map1}]} {
    %mul3A = arith.constant 2 : i32
    %mul3A_0 = arith.muli %arg1, %mul3A : i32
    %add3A = arith.addi %mul3A_0, %arg0 : i32
    %mul3A_1 = arith.constant 512 : i32
    %mul3A_2 = arith.muli %add3A, %mul3A_1 : i32
    %mul3A_3 = arith.constant 2 : i32
    %mul3A_4 = arith.muli %mul3A_2, %mul3A_3 : i32
    "tpu.region"() ({
      %run_scoped3A = tpu.sem_alloc : memref<!tpu.dma_semaphore, #tpu.memory_space<semaphore_mem>>
      %dma_start3A_2057 = tpu.memref_slice %arg2[%mul3A_4] : memref<32768xi32, #tpu.memory_space<hbm>> -> memref<1024xi32, #tpu.memory_space<hbm>>
      %dma_start3A_2058 = tpu.memref_slice %arg2[%mul3A_4] : memref<32768xi32, #tpu.memory_space<hbm>> -> memref<1024xi32, #tpu.memory_space<hbm>>
      tpu.enqueue_dma source(%dma_start3A_2058 : memref<1024xi32, #tpu.memory_space<hbm>>) target(%arg5 : memref<1024xi32, #tpu.memory_space<vmem>>) target_semaphore(%run_scoped3A : memref<!tpu.dma_semaphore, #tpu.memory_space<semaphore_mem>>)
      %dma_wait3A_2059 = tpu.memref_slice %arg2[%mul3A_4] : memref<32768xi32, #tpu.memory_space<hbm>> -> memref<1024xi32, #tpu.memory_space<hbm>>
      %dma_wait3A_2060 = tpu.memref_slice %arg2[%mul3A_4] : memref<32768xi32, #tpu.memory_space<hbm>> -> memref<1024xi32, #tpu.memory_space<hbm>>
      tpu.wait_dma2 semaphore(%run_scoped3A : memref<!tpu.dma_semaphore, #tpu.memory_space<semaphore_mem>>) src(%dma_wait3A_2060 : memref<1024xi32, #tpu.memory_space<hbm>>) dst(%arg5 : memref<1024xi32, #tpu.memory_space<vmem>>)
      tpu.yield
    }) : () -> ()
    %iota3A = tpu.iota {dimensions = array<i32: 0>} : vector<16xi32>
    %lt3A = arith.constant 8 : i32
    %lt3A_5 = vector.broadcast %lt3A : i32 to vector<16xi32>
    %lt3A_6 = arith.cmpi slt, %iota3A, %lt3A_5 : vector<16xi32>
    %and3A = arith.constant 7 : i32
    %and3A_7 = vector.broadcast %and3A : i32 to vector<16xi32>
    %and3A_8 = arith.andi %iota3A, %and3A_7 : vector<16xi32>
    %mul3A_9 = arith.constant 2 : i32
    %mul3A_10 = vector.broadcast %mul3A_9 : i32 to vector<16xi32>
    %mul3A_11 = arith.muli %and3A_8, %mul3A_10 : vector<16xi32>
    %add3A_12 = arith.constant 1 : i32
    %add3A_13 = vector.broadcast %add3A_12 : i32 to vector<16xi32>
    %add3A_14 = arith.addi %mul3A_11, %add3A_13 : vector<16xi32>
    %get3A = arith.constant 0 : index
    %get3A_15 = tpu.vector_load %arg5[%get3A] {strides = array<i32>} : memref<1024xi32, #tpu.memory_space<vmem>>, vector<16xi32>,
    %get3A_16 = vector.shape_cast %get3A_15 : vector<16xi32> to vector<16xi32>
    %get3A_17 = arith.constant 16 : index
    %get3A_18 = tpu.vector_load %arg5[%get3A_17] {strides = array<i32>} : memref<1024xi32, #tpu.memory_space<vmem>>, vector<16xi32>,
    %get3A_19 = vector.shape_cast %get3A_18 : vector<16xi32> to vector<16xi32>
    %lt3A_20 = arith.constant 0 : i32
    %lt3A_21 = vector.broadcast %lt3A_20 : i32 to vector<16xi32>
    %lt3A_22 = arith.cmpi slt, %mul3A_11, %lt3A_21 : vector<16xi32>
    %add3A_23 = arith.constant 16 : i32
    %add3A_24 = vector.broadcast %add3A_23 : i32 to vector<16xi32>
    %add3A_25 = arith.addi %mul3A_11, %add3A_24 : vector<16xi32>
    %select_n3A = arith.select %lt3A_22, %add3A_25, %mul3A_11 : vector<16xi1>, vector<16xi32>
    %broadcast_in_dim3A = vector.shape_cast %select_n3A : vector<16xi32> to vector<16x1xi32>
    %gather3A = vector.shape_cast %broadcast_in_dim3A : vector<16x1xi32> to vector<16xi32>
    %gather3A_26 = tpu.dynamic_gather %get3A_16[%gather3A] in [0] : vector<16xi32>, vector<16xi32> -> vector<16xi32>
    %lt3A_27 = arith.constant 0 : i32
    %lt3A_28 = vector.broadcast %lt3A_27 : i32 to vector<16xi32>
    %lt3A_29 = arith.cmpi slt, %mul3A_11, %lt3A_28 : vector<16xi32>
    %add3A_30 = arith.constant 16 : i32
    %add3A_31 = vector.broadcast %add3A_30 : i32 to vector<16xi32>
    %add3A_32 = arith.addi %mul3A_11, %add3A_31 : vector<16xi32>
    %select_n3A_33 = arith.select %lt3A_29, %add3A_32, %mul3A_11 : vector<16xi1>, vector<16xi32>
    %broadcast_in_dim3A_34 = vector.shape_cast %select_n3A_33 : vector<16xi32> to vector<16x1xi32>
    %gather3A_35 = vector.shape_cast %broadcast_in_dim3A_34 : vector<16x1xi32> to vector<16xi32>
    %gather3A_36 = tpu.dynamic_gather %get3A_19[%gather3A_35] in [0] : vector<16xi32>, vector<16xi32> -> vector<16xi32>
    %select_n3A_37 = arith.select %lt3A_6, %gather3A_26, %gather3A_36 : vector<16xi1>, vector<16xi32>
    %lt3A_38 = arith.constant 0 : i32
    %lt3A_39 = vector.broadcast %lt3A_38 : i32 to vector<16xi32>
    %lt3A_40 = arith.cmpi slt, %add3A_14, %lt3A_39 : vector<16xi32>
    %add3A_41 = arith.constant 16 : i32
    %add3A_42 = vector.broadcast %add3A_41 : i32 to vector<16xi32>
    %add3A_43 = arith.addi %add3A_14, %add3A_42 : vector<16xi32>
    %select_n3A_44 = arith.select %lt3A_40, %add3A_43, %add3A_14 : vector<16xi1>, vector<16xi32>
    %broadcast_in_dim3A_45 = vector.shape_cast %select_n3A_44 : vector<16xi32> to vector<16x1xi32>
    %gather3A_46 = vector.shape_cast %broadcast_in_dim3A_45 : vector<16x1xi32> to vector<16xi32>
    %gather3A_47 = tpu.dynamic_gather %get3A_16[%gather3A_46] in [0] : vector<16xi32>, vector<16xi32> -> vector<16xi32>
    %lt3A_48 = arith.constant 0 : i32
    %lt3A_49 = vector.broadcast %lt3A_48 : i32 to vector<16xi32>
    %lt3A_50 = arith.cmpi slt, %add3A_14, %lt3A_49 : vector<16xi32>
    %add3A_51 = arith.constant 16 : i32
    %add3A_52 = vector.broadcast %add3A_51 : i32 to vector<16xi32>
    %add3A_53 = arith.addi %add3A_14, %add3A_52 : vector<16xi32>
    %select_n3A_54 = arith.select %lt3A_50, %add3A_53, %add3A_14 : vector<16xi1>, vector<16xi32>
    %broadcast_in_dim3A_55 = vector.shape_cast %select_n3A_54 : vector<16xi32> to vector<16x1xi32>
    %gather3A_56 = vector.shape_cast %broadcast_in_dim3A_55 : vector<16x1xi32> to vector<16xi32>
    %gather3A_57 = tpu.dynamic_gather %get3A_19[%gather3A_56] in [0] : vector<16xi32>, vector<16xi32> -> vector<16xi32>
    %select_n3A_58 = arith.select %lt3A_6, %gather3A_47, %gather3A_57 : vector<16xi1>, vector<16xi32>
    %mul3A_59 = arith.constant 1000 : i32
    %mul3A_60 = vector.broadcast %mul3A_59 : i32 to vector<16xi32>
    %mul3A_61 = arith.muli %select_n3A_37, %mul3A_60 : vector<16xi32>
    %add3A_62 = arith.addi %mul3A_61, %select_n3A_58 : vector<16xi32>
    %dma_start3A = arith.constant 0 : i32
    %dma_start3A_63 = arith.constant 0 : i32
    %dma_start3A_64 = tpu.memref_slice %arg6[%dma_start3A, %dma_start3A_63] : memref<512x64xf32, #tpu.memory_space<vmem>> -> memref<16x64xf32, #tpu.memory_space<vmem>>
    %dma_start3A_65 = arith.constant 0 : i32
    %dma_start3A_66 = arith.constant 0 : i32
    %dma_start3A_67 = tpu.memref_slice %arg3[%dma_start3A_65, %dma_start3A_66] : memref<1000000x64xf32, #tpu.memory_space<hbm>> -> memref<1000000x64xf32, #tpu.memory_space<hbm>>
    tpu.enqueue_indirect_dma source(%dma_start3A_67 : memref<1000000x64xf32, #tpu.memory_space<hbm>>) target(%dma_start3A_64 : memref<16x64xf32, #tpu.memory_space<vmem>>) offsets(%add3A_62 : vector<16xi32>) semaphore(%arg7 : memref<!tpu.dma_semaphore, #tpu.memory_space<semaphore_mem>>)
    %get3A_68 = arith.constant 32 : index
    %get3A_69 = tpu.vector_load %arg5[%get3A_68] {strides = array<i32>} : memref<1024xi32, #tpu.memory_space<vmem>>, vector<16xi32>,
    %get3A_70 = vector.shape_cast %get3A_69 : vector<16xi32> to vector<16xi32>
    %get3A_71 = arith.constant 48 : index
    %get3A_72 = tpu.vector_load %arg5[%get3A_71] {strides = array<i32>} : memref<1024xi32, #tpu.memory_space<vmem>>, vector<16xi32>,
    %get3A_73 = vector.shape_cast %get3A_72 : vector<16xi32> to vector<16xi32>
    %lt3A_74 = arith.constant 0 : i32
    %lt3A_75 = vector.broadcast %lt3A_74 : i32 to vector<16xi32>
    %lt3A_76 = arith.cmpi slt, %mul3A_11, %lt3A_75 : vector<16xi32>
    %add3A_77 = arith.constant 16 : i32
    %add3A_78 = vector.broadcast %add3A_77 : i32 to vector<16xi32>
    %add3A_79 = arith.addi %mul3A_11, %add3A_78 : vector<16xi32>
    %select_n3A_80 = arith.select %lt3A_76, %add3A_79, %mul3A_11 : vector<16xi1>, vector<16xi32>
    %broadcast_in_dim3A_81 = vector.shape_cast %select_n3A_80 : vector<16xi32> to vector<16x1xi32>
    %gather3A_82 = vector.shape_cast %broadcast_in_dim3A_81 : vector<16x1xi32> to vector<16xi32>
    %gather3A_83 = tpu.dynamic_gather %get3A_70[%gather3A_82] in [0] : vector<16xi32>, vector<16xi32> -> vector<16xi32>
    %lt3A_84 = arith.constant 0 : i32
    %lt3A_85 = vector.broadcast %lt3A_84 : i32 to vector<16xi32>
    %lt3A_86 = arith.cmpi slt, %mul3A_11, %lt3A_85 : vector<16xi32>
    %add3A_87 = arith.constant 16 : i32
    %add3A_88 = vector.broadcast %add3A_87 : i32 to vector<16xi32>
    %add3A_89 = arith.addi %mul3A_11, %add3A_88 : vector<16xi32>
    %select_n3A_90 = arith.select %lt3A_86, %add3A_89, %mul3A_11 : vector<16xi1>, vector<16xi32>
    %broadcast_in_dim3A_91 = vector.shape_cast %select_n3A_90 : vector<16xi32> to vector<16x1xi32>
    %gather3A_92 = vector.shape_cast %broadcast_in_dim3A_91 : vector<16x1xi32> to vector<16xi32>
    %gather3A_93 = tpu.dynamic_gather %get3A_73[%gather3A_92] in [0] : vector<16xi32>, vector<16xi32> -> vector<16xi32>
    %select_n3A_94 = arith.select %lt3A_6, %gather3A_83, %gather3A_93 : vector<16xi1>, vector<16xi32>
    %lt3A_95 = arith.constant 0 : i32
    %lt3A_96 = vector.broadcast %lt3A_95 : i32 to vector<16xi32>
    %lt3A_97 = arith.cmpi slt, %add3A_14, %lt3A_96 : vector<16xi32>
    %add3A_98 = arith.constant 16 : i32
    %add3A_99 = vector.broadcast %add3A_98 : i32 to vector<16xi32>
    %add3A_100 = arith.addi %add3A_14, %add3A_99 : vector<16xi32>
    %select_n3A_101 = arith.select %lt3A_97, %add3A_100, %add3A_14 : vector<16xi1>, vector<16xi32>
    %broadcast_in_dim3A_102 = vector.shape_cast %select_n3A_101 : vector<16xi32> to vector<16x1xi32>
    %gather3A_103 = vector.shape_cast %broadcast_in_dim3A_102 : vector<16x1xi32> to vector<16xi32>
    %gather3A_104 = tpu.dynamic_gather %get3A_70[%gather3A_103] in [0] : vector<16xi32>, vector<16xi32> -> vector<16xi32>
    %lt3A_105 = arith.constant 0 : i32
    %lt3A_106 = vector.broadcast %lt3A_105 : i32 to vector<16xi32>
    %lt3A_107 = arith.cmpi slt, %add3A_14, %lt3A_106 : vector<16xi32>
    %add3A_108 = arith.constant 16 : i32
    %add3A_109 = vector.broadcast %add3A_108 : i32 to vector<16xi32>
    %add3A_110 = arith.addi %add3A_14, %add3A_109 : vector<16xi32>
    %select_n3A_111 = arith.select %lt3A_107, %add3A_110, %add3A_14 : vector<16xi1>, vector<16xi32>
    %broadcast_in_dim3A_112 = vector.shape_cast %select_n3A_111 : vector<16xi32> to vector<16x1xi32>
    %gather3A_113 = vector.shape_cast %broadcast_in_dim3A_112 : vector<16x1xi32> to vector<16xi32>
    %gather3A_114 = tpu.dynamic_gather %get3A_73[%gather3A_113] in [0] : vector<16xi32>, vector<16xi32> -> vector<16xi32>
    %select_n3A_115 = arith.select %lt3A_6, %gather3A_104, %gather3A_114 : vector<16xi1>, vector<16xi32>
    %mul3A_116 = arith.constant 1000 : i32
    %mul3A_117 = vector.broadcast %mul3A_116 : i32 to vector<16xi32>
    %mul3A_118 = arith.muli %select_n3A_94, %mul3A_117 : vector<16xi32>
    %add3A_119 = arith.addi %mul3A_118, %select_n3A_115 : vector<16xi32>
    %dma_start3A_120 = arith.constant 16 : i32
    %dma_start3A_121 = arith.constant 0 : i32
    %dma_start3A_122 = tpu.memref_slice %arg6[%dma_start3A_120, %dma_start3A_121] : memref<512x64xf32, #tpu.memory_space<vmem>> -> memref<16x64xf32, #tpu.memory_space<vmem>>
    %dma_start3A_123 = arith.constant 0 : i32
    %dma_start3A_124 = arith.constant 0 : i32
    %dma_start3A_125 = tpu.memref_slice %arg3[%dma_start3A_123, %dma_start3A_124] : memref<1000000x64xf32, #tpu.memory_space<hbm>> -> memref<1000000x64xf32, #tpu.memory_space<hbm>>
    tpu.enqueue_indirect_dma source(%dma_start3A_125 : memref<1000000x64xf32, #tpu.memory_space<hbm>>) target(%dma_start3A_122 : memref<16x64xf32, #tpu.memory_space<vmem>>) offsets(%add3A_119 : vector<16xi32>) semaphore(%arg7 : memref<!tpu.dma_semaphore, #tpu.memory_space<semaphore_mem>>)
    %get3A_126 = arith.constant 64 : index
    %get3A_127 = tpu.vector_load %arg5[%get3A_126] {strides = array<i32>} : memref<1024xi32, #tpu.memory_space<vmem>>, vector<16xi32>,
    %get3A_128 = vector.shape_cast %get3A_127 : vector<16xi32> to vector<16xi32>
    %get3A_129 = arith.constant 80 : index
    %get3A_130 = tpu.vector_load %arg5[%get3A_129] {strides = array<i32>} : memref<1024xi32, #tpu.memory_space<vmem>>, vector<16xi32>,
    %get3A_131 = vector.shape_cast %get3A_130 : vector<16xi32> to vector<16xi32>
    %lt3A_132 = arith.constant 0 : i32
    %lt3A_133 = vector.broadcast %lt3A_132 : i32 to vector<16xi32>
    %lt3A_134 = arith.cmpi slt, %mul3A_11, %lt3A_133 : vector<16xi32>
    %add3A_135 = arith.constant 16 : i32
    %add3A_136 = vector.broadcast %add3A_135 : i32 to vector<16xi32>
    %add3A_137 = arith.addi %mul3A_11, %add3A_136 : vector<16xi32>
    %select_n3A_138 = arith.select %lt3A_134, %add3A_137, %mul3A_11 : vector<16xi1>, vector<16xi32>
    %broadcast_in_dim3A_139 = vector.shape_cast %select_n3A_138 : vector<16xi32> to vector<16x1xi32>
    %gather3A_140 = vector.shape_cast %broadcast_in_dim3A_139 : vector<16x1xi32> to vector<16xi32>
    %gather3A_141 = tpu.dynamic_gather %get3A_128[%gather3A_140] in [0] : vector<16xi32>, vector<16xi32> -> vector<16xi32>
    %lt3A_142 = arith.constant 0 : i32
    %lt3A_143 = vector.broadcast %lt3A_142 : i32 to vector<16xi32>
    %lt3A_144 = arith.cmpi slt, %mul3A_11, %lt3A_143 : vector<16xi32>
    %add3A_145 = arith.constant 16 : i32
    %add3A_146 = vector.broadcast %add3A_145 : i32 to vector<16xi32>
    %add3A_147 = arith.addi %mul3A_11, %add3A_146 : vector<16xi32>
    %select_n3A_148 = arith.select %lt3A_144, %add3A_147, %mul3A_11 : vector<16xi1>, vector<16xi32>
    %broadcast_in_dim3A_149 = vector.shape_cast %select_n3A_148 : vector<16xi32> to vector<16x1xi32>
    %gather3A_150 = vector.shape_cast %broadcast_in_dim3A_149 : vector<16x1xi32> to vector<16xi32>
    %gather3A_151 = tpu.dynamic_gather %get3A_131[%gather3A_150] in [0] : vector<16xi32>, vector<16xi32> -> vector<16xi32>
    %select_n3A_152 = arith.select %lt3A_6, %gather3A_141, %gather3A_151 : vector<16xi1>, vector<16xi32>
    %lt3A_153 = arith.constant 0 : i32
    %lt3A_154 = vector.broadcast %lt3A_153 : i32 to vector<16xi32>
    %lt3A_155 = arith.cmpi slt, %add3A_14, %lt3A_154 : vector<16xi32>
    %add3A_156 = arith.constant 16 : i32
    %add3A_157 = vector.broadcast %add3A_156 : i32 to vector<16xi32>
    %add3A_158 = arith.addi %add3A_14, %add3A_157 : vector<16xi32>
    %select_n3A_159 = arith.select %lt3A_155, %add3A_158, %add3A_14 : vector<16xi1>, vector<16xi32>
    %broadcast_in_dim3A_160 = vector.shape_cast %select_n3A_159 : vector<16xi32> to vector<16x1xi32>
    %gather3A_161 = vector.shape_cast %broadcast_in_dim3A_160 : vector<16x1xi32> to vector<16xi32>
    %gather3A_162 = tpu.dynamic_gather %get3A_128[%gather3A_161] in [0] : vector<16xi32>, vector<16xi32> -> vector<16xi32>
    %lt3A_163 = arith.constant 0 : i32
    %lt3A_164 = vector.broadcast %lt3A_163 : i32 to vector<16xi32>
    %lt3A_165 = arith.cmpi slt, %add3A_14, %lt3A_164 : vector<16xi32>
    %add3A_166 = arith.constant 16 : i32
    %add3A_167 = vector.broadcast %add3A_166 : i32 to vector<16xi32>
    %add3A_168 = arith.addi %add3A_14, %add3A_167 : vector<16xi32>
    %select_n3A_169 = arith.select %lt3A_165, %add3A_168, %add3A_14 : vector<16xi1>, vector<16xi32>
    %broadcast_in_dim3A_170 = vector.shape_cast %select_n3A_169 : vector<16xi32> to vector<16x1xi32>
    %gather3A_171 = vector.shape_cast %broadcast_in_dim3A_170 : vector<16x1xi32> to vector<16xi32>
    %gather3A_172 = tpu.dynamic_gather %get3A_131[%gather3A_171] in [0] : vector<16xi32>, vector<16xi32> -> vector<16xi32>
    %select_n3A_173 = arith.select %lt3A_6, %gather3A_162, %gather3A_172 : vector<16xi1>, vector<16xi32>
    %mul3A_174 = arith.constant 1000 : i32
    %mul3A_175 = vector.broadcast %mul3A_174 : i32 to vector<16xi32>
    %mul3A_176 = arith.muli %select_n3A_152, %mul3A_175 : vector<16xi32>
    %add3A_177 = arith.addi %mul3A_176, %select_n3A_173 : vector<16xi32>
    %dma_start3A_178 = arith.constant 32 : i32
    %dma_start3A_179 = arith.constant 0 : i32
    %dma_start3A_180 = tpu.memref_slice %arg6[%dma_start3A_178, %dma_start3A_179] : memref<512x64xf32, #tpu.memory_space<vmem>> -> memref<16x64xf32, #tpu.memory_space<vmem>>
    %dma_start3A_181 = arith.constant 0 : i32
    %dma_start3A_182 = arith.constant 0 : i32
    %dma_start3A_183 = tpu.memref_slice %arg3[%dma_start3A_181, %dma_start3A_182] : memref<1000000x64xf32, #tpu.memory_space<hbm>> -> memref<1000000x64xf32, #tpu.memory_space<hbm>>
    tpu.enqueue_indirect_dma source(%dma_start3A_183 : memref<1000000x64xf32, #tpu.memory_space<hbm>>) target(%dma_start3A_180 : memref<16x64xf32, #tpu.memory_space<vmem>>) offsets(%add3A_177 : vector<16xi32>) semaphore(%arg7 : memref<!tpu.dma_semaphore, #tpu.memory_space<semaphore_mem>>)
    %get3A_184 = arith.constant 96 : index
    %get3A_185 = tpu.vector_load %arg5[%get3A_184] {strides = array<i32>} : memref<1024xi32, #tpu.memory_space<vmem>>, vector<16xi32>,
    %get3A_186 = vector.shape_cast %get3A_185 : vector<16xi32> to vector<16xi32>
    %get3A_187 = arith.constant 112 : index
    %get3A_188 = tpu.vector_load %arg5[%get3A_187] {strides = array<i32>} : memref<1024xi32, #tpu.memory_space<vmem>>, vector<16xi32>,
    %get3A_189 = vector.shape_cast %get3A_188 : vector<16xi32> to vector<16xi32>
    %lt3A_190 = arith.constant 0 : i32
    %lt3A_191 = vector.broadcast %lt3A_190 : i32 to vector<16xi32>
    %lt3A_192 = arith.cmpi slt, %mul3A_11, %lt3A_191 : vector<16xi32>
    %add3A_193 = arith.constant 16 : i32
    %add3A_194 = vector.broadcast %add3A_193 : i32 to vector<16xi32>
    %add3A_195 = arith.addi %mul3A_11, %add3A_194 : vector<16xi32>
    %select_n3A_196 = arith.select %lt3A_192, %add3A_195, %mul3A_11 : vector<16xi1>, vector<16xi32>
    %broadcast_in_dim3A_197 = vector.shape_cast %select_n3A_196 : vector<16xi32> to vector<16x1xi32>
    %gather3A_198 = vector.shape_cast %broadcast_in_dim3A_197 : vector<16x1xi32> to vector<16xi32>
    %gather3A_199 = tpu.dynamic_gather %get3A_186[%gather3A_198] in [0] : vector<16xi32>, vector<16xi32> -> vector<16xi32>
    %lt3A_200 = arith.constant 0 : i32
    %lt3A_201 = vector.broadcast %lt3A_200 : i32 to vector<16xi32>
    %lt3A_202 = arith.cmpi slt, %mul3A_11, %lt3A_201 : vector<16xi32>
    %add3A_203 = arith.constant 16 : i32
    %add3A_204 = vector.broadcast %add3A_203 : i32 to vector<16xi32>
    %add3A_205 = arith.addi %mul3A_11, %add3A_204 : vector<16xi32>
    %select_n3A_206 = arith.select %lt3A_202, %add3A_205, %mul3A_11 : vector<16xi1>, vector<16xi32>
    %broadcast_in_dim3A_207 = vector.shape_cast %select_n3A_206 : vector<16xi32> to vector<16x1xi32>
    %gather3A_208 = vector.shape_cast %broadcast_in_dim3A_207 : vector<16x1xi32> to vector<16xi32>
    %gather3A_209 = tpu.dynamic_gather %get3A_189[%gather3A_208] in [0] : vector<16xi32>, vector<16xi32> -> vector<16xi32>
    %select_n3A_210 = arith.select %lt3A_6, %gather3A_199, %gather3A_209 : vector<16xi1>, vector<16xi32>
    %lt3A_211 = arith.constant 0 : i32
    %lt3A_212 = vector.broadcast %lt3A_211 : i32 to vector<16xi32>
    %lt3A_213 = arith.cmpi slt, %add3A_14, %lt3A_212 : vector<16xi32>
    %add3A_214 = arith.constant 16 : i32
    %add3A_215 = vector.broadcast %add3A_214 : i32 to vector<16xi32>
    %add3A_216 = arith.addi %add3A_14, %add3A_215 : vector<16xi32>
    %select_n3A_217 = arith.select %lt3A_213, %add3A_216, %add3A_14 : vector<16xi1>, vector<16xi32>
    %broadcast_in_dim3A_218 = vector.shape_cast %select_n3A_217 : vector<16xi32> to vector<16x1xi32>
    %gather3A_219 = vector.shape_cast %broadcast_in_dim3A_218 : vector<16x1xi32> to vector<16xi32>
    %gather3A_220 = tpu.dynamic_gather %get3A_186[%gather3A_219] in [0] : vector<16xi32>, vector<16xi32> -> vector<16xi32>
    %lt3A_221 = arith.constant 0 : i32
    %lt3A_222 = vector.broadcast %lt3A_221 : i32 to vector<16xi32>
    %lt3A_223 = arith.cmpi slt, %add3A_14, %lt3A_222 : vector<16xi32>
    %add3A_224 = arith.constant 16 : i32
    %add3A_225 = vector.broadcast %add3A_224 : i32 to vector<16xi32>
    %add3A_226 = arith.addi %add3A_14, %add3A_225 : vector<16xi32>
    %select_n3A_227 = arith.select %lt3A_223, %add3A_226, %add3A_14 : vector<16xi1>, vector<16xi32>
    %broadcast_in_dim3A_228 = vector.shape_cast %select_n3A_227 : vector<16xi32> to vector<16x1xi32>
    %gather3A_229 = vector.shape_cast %broadcast_in_dim3A_228 : vector<16x1xi32> to vector<16xi32>
    %gather3A_230 = tpu.dynamic_gather %get3A_189[%gather3A_229] in [0] : vector<16xi32>, vector<16xi32> -> vector<16xi32>
    %select_n3A_231 = arith.select %lt3A_6, %gather3A_220, %gather3A_230 : vector<16xi1>, vector<16xi32>
    %mul3A_232 = arith.constant 1000 : i32
    %mul3A_233 = vector.broadcast %mul3A_232 : i32 to vector<16xi32>
    %mul3A_234 = arith.muli %select_n3A_210, %mul3A_233 : vector<16xi32>
    %add3A_235 = arith.addi %mul3A_234, %select_n3A_231 : vector<16xi32>
    %dma_start3A_236 = arith.constant 48 : i32
    %dma_start3A_237 = arith.constant 0 : i32
    %dma_start3A_238 = tpu.memref_slice %arg6[%dma_start3A_236, %dma_start3A_237] : memref<512x64xf32, #tpu.memory_space<vmem>> -> memref<16x64xf32, #tpu.memory_space<vmem>>
    %dma_start3A_239 = arith.constant 0 : i32
    %dma_start3A_240 = arith.constant 0 : i32
    %dma_start3A_241 = tpu.memref_slice %arg3[%dma_start3A_239, %dma_start3A_240] : memref<1000000x64xf32, #tpu.memory_space<hbm>> -> memref<1000000x64xf32, #tpu.memory_space<hbm>>
    tpu.enqueue_indirect_dma source(%dma_start3A_241 : memref<1000000x64xf32, #tpu.memory_space<hbm>>) target(%dma_start3A_238 : memref<16x64xf32, #tpu.memory_space<vmem>>) offsets(%add3A_235 : vector<16xi32>) semaphore(%arg7 : memref<!tpu.dma_semaphore, #tpu.memory_space<semaphore_mem>>)
    %get3A_242 = arith.constant 128 : index
    %get3A_243 = tpu.vector_load %arg5[%get3A_242] {strides = array<i32>} : memref<1024xi32, #tpu.memory_space<vmem>>, vector<16xi32>,
    %get3A_244 = vector.shape_cast %get3A_243 : vector<16xi32> to vector<16xi32>
    %get3A_245 = arith.constant 144 : index
    %get3A_246 = tpu.vector_load %arg5[%get3A_245] {strides = array<i32>} : memref<1024xi32, #tpu.memory_space<vmem>>, vector<16xi32>,
    %get3A_247 = vector.shape_cast %get3A_246 : vector<16xi32> to vector<16xi32>
    %lt3A_248 = arith.constant 0 : i32
    %lt3A_249 = vector.broadcast %lt3A_248 : i32 to vector<16xi32>
    %lt3A_250 = arith.cmpi slt, %mul3A_11, %lt3A_249 : vector<16xi32>
    %add3A_251 = arith.constant 16 : i32
    %add3A_252 = vector.broadcast %add3A_251 : i32 to vector<16xi32>
    %add3A_253 = arith.addi %mul3A_11, %add3A_252 : vector<16xi32>
    %select_n3A_254 = arith.select %lt3A_250, %add3A_253, %mul3A_11 : vector<16xi1>, vector<16xi32>
    %broadcast_in_dim3A_255 = vector.shape_cast %select_n3A_254 : vector<16xi32> to vector<16x1xi32>
    %gather3A_256 = vector.shape_cast %broadcast_in_dim3A_255 : vector<16x1xi32> to vector<16xi32>
    %gather3A_257 = tpu.dynamic_gather %get3A_244[%gather3A_256] in [0] : vector<16xi32>, vector<16xi32> -> vector<16xi32>
    %lt3A_258 = arith.constant 0 : i32
    %lt3A_259 = vector.broadcast %lt3A_258 : i32 to vector<16xi32>
    %lt3A_260 = arith.cmpi slt, %mul3A_11, %lt3A_259 : vector<16xi32>
    %add3A_261 = arith.constant 16 : i32
    %add3A_262 = vector.broadcast %add3A_261 : i32 to vector<16xi32>
    %add3A_263 = arith.addi %mul3A_11, %add3A_262 : vector<16xi32>
    %select_n3A_264 = arith.select %lt3A_260, %add3A_263, %mul3A_11 : vector<16xi1>, vector<16xi32>
    %broadcast_in_dim3A_265 = vector.shape_cast %select_n3A_264 : vector<16xi32> to vector<16x1xi32>
    %gather3A_266 = vector.shape_cast %broadcast_in_dim3A_265 : vector<16x1xi32> to vector<16xi32>
    %gather3A_267 = tpu.dynamic_gather %get3A_247[%gather3A_266] in [0] : vector<16xi32>, vector<16xi32> -> vector<16xi32>
    %select_n3A_268 = arith.select %lt3A_6, %gather3A_257, %gather3A_267 : vector<16xi1>, vector<16xi32>
    %lt3A_269 = arith.constant 0 : i32
    %lt3A_270 = vector.broadcast %lt3A_269 : i32 to vector<16xi32>
    %lt3A_271 = arith.cmpi slt, %add3A_14, %lt3A_270 : vector<16xi32>
    %add3A_272 = arith.constant 16 : i32
    %add3A_273 = vector.broadcast %add3A_272 : i32 to vector<16xi32>
    %add3A_274 = arith.addi %add3A_14, %add3A_273 : vector<16xi32>
    %select_n3A_275 = arith.select %lt3A_271, %add3A_274, %add3A_14 : vector<16xi1>, vector<16xi32>
    %broadcast_in_dim3A_276 = vector.shape_cast %select_n3A_275 : vector<16xi32> to vector<16x1xi32>
    %gather3A_277 = vector.shape_cast %broadcast_in_dim3A_276 : vector<16x1xi32> to vector<16xi32>
    %gather3A_278 = tpu.dynamic_gather %get3A_244[%gather3A_277] in [0] : vector<16xi32>, vector<16xi32> -> vector<16xi32>
    %lt3A_279 = arith.constant 0 : i32
    %lt3A_280 = vector.broadcast %lt3A_279 : i32 to vector<16xi32>
    %lt3A_281 = arith.cmpi slt, %add3A_14, %lt3A_280 : vector<16xi32>
    %add3A_282 = arith.constant 16 : i32
    %add3A_283 = vector.broadcast %add3A_282 : i32 to vector<16xi32>
    %add3A_284 = arith.addi %add3A_14, %add3A_283 : vector<16xi32>
    %select_n3A_285 = arith.select %lt3A_281, %add3A_284, %add3A_14 : vector<16xi1>, vector<16xi32>
    %broadcast_in_dim3A_286 = vector.shape_cast %select_n3A_285 : vector<16xi32> to vector<16x1xi32>
    %gather3A_287 = vector.shape_cast %broadcast_in_dim3A_286 : vector<16x1xi32> to vector<16xi32>
    %gather3A_288 = tpu.dynamic_gather %get3A_247[%gather3A_287] in [0] : vector<16xi32>, vector<16xi32> -> vector<16xi32>
    %select_n3A_289 = arith.select %lt3A_6, %gather3A_278, %gather3A_288 : vector<16xi1>, vector<16xi32>
    %mul3A_290 = arith.constant 1000 : i32
    %mul3A_291 = vector.broadcast %mul3A_290 : i32 to vector<16xi32>
    %mul3A_292 = arith.muli %select_n3A_268, %mul3A_291 : vector<16xi32>
    %add3A_293 = arith.addi %mul3A_292, %select_n3A_289 : vector<16xi32>
    %dma_start3A_294 = arith.constant 64 : i32
    %dma_start3A_295 = arith.constant 0 : i32
    %dma_start3A_296 = tpu.memref_slice %arg6[%dma_start3A_294, %dma_start3A_295] : memref<512x64xf32, #tpu.memory_space<vmem>> -> memref<16x64xf32, #tpu.memory_space<vmem>>
    %dma_start3A_297 = arith.constant 0 : i32
    %dma_start3A_298 = arith.constant 0 : i32
    %dma_start3A_299 = tpu.memref_slice %arg3[%dma_start3A_297, %dma_start3A_298] : memref<1000000x64xf32, #tpu.memory_space<hbm>> -> memref<1000000x64xf32, #tpu.memory_space<hbm>>
    tpu.enqueue_indirect_dma source(%dma_start3A_299 : memref<1000000x64xf32, #tpu.memory_space<hbm>>) target(%dma_start3A_296 : memref<16x64xf32, #tpu.memory_space<vmem>>) offsets(%add3A_293 : vector<16xi32>) semaphore(%arg7 : memref<!tpu.dma_semaphore, #tpu.memory_space<semaphore_mem>>)
    %get3A_300 = arith.constant 160 : index
    %get3A_301 = tpu.vector_load %arg5[%get3A_300] {strides = array<i32>} : memref<1024xi32, #tpu.memory_space<vmem>>, vector<16xi32>,
    %get3A_302 = vector.shape_cast %get3A_301 : vector<16xi32> to vector<16xi32>
    %get3A_303 = arith.constant 176 : index
    %get3A_304 = tpu.vector_load %arg5[%get3A_303] {strides = array<i32>} : memref<1024xi32, #tpu.memory_space<vmem>>, vector<16xi32>,
    %get3A_305 = vector.shape_cast %get3A_304 : vector<16xi32> to vector<16xi32>
    %lt3A_306 = arith.constant 0 : i32
    %lt3A_307 = vector.broadcast %lt3A_306 : i32 to vector<16xi32>
    %lt3A_308 = arith.cmpi slt, %mul3A_11, %lt3A_307 : vector<16xi32>
    %add3A_309 = arith.constant 16 : i32
    %add3A_310 = vector.broadcast %add3A_309 : i32 to vector<16xi32>
    %add3A_311 = arith.addi %mul3A_11, %add3A_310 : vector<16xi32>
    %select_n3A_312 = arith.select %lt3A_308, %add3A_311, %mul3A_11 : vector<16xi1>, vector<16xi32>
    %broadcast_in_dim3A_313 = vector.shape_cast %select_n3A_312 : vector<16xi32> to vector<16x1xi32>
    %gather3A_314 = vector.shape_cast %broadcast_in_dim3A_313 : vector<16x1xi32> to vector<16xi32>
    %gather3A_315 = tpu.dynamic_gather %get3A_302[%gather3A_314] in [0] : vector<16xi32>, vector<16xi32> -> vector<16xi32>
    %lt3A_316 = arith.constant 0 : i32
    %lt3A_317 = vector.broadcast %lt3A_316 : i32 to vector<16xi32>
    %lt3A_318 = arith.cmpi slt, %mul3A_11, %lt3A_317 : vector<16xi32>
    %add3A_319 = arith.constant 16 : i32
    %add3A_320 = vector.broadcast %add3A_319 : i32 to vector<16xi32>
    %add3A_321 = arith.addi %mul3A_11, %add3A_320 : vector<16xi32>
    %select_n3A_322 = arith.select %lt3A_318, %add3A_321, %mul3A_11 : vector<16xi1>, vector<16xi32>
    %broadcast_in_dim3A_323 = vector.shape_cast %select_n3A_322 : vector<16xi32> to vector<16x1xi32>
    %gather3A_324 = vector.shape_cast %broadcast_in_dim3A_323 : vector<16x1xi32> to vector<16xi32>
    %gather3A_325 = tpu.dynamic_gather %get3A_305[%gather3A_324] in [0] : vector<16xi32>, vector<16xi32> -> vector<16xi32>
    %select_n3A_326 = arith.select %lt3A_6, %gather3A_315, %gather3A_325 : vector<16xi1>, vector<16xi32>
    %lt3A_327 = arith.constant 0 : i32
    %lt3A_328 = vector.broadcast %lt3A_327 : i32 to vector<16xi32>
    %lt3A_329 = arith.cmpi slt, %add3A_14, %lt3A_328 : vector<16xi32>
    %add3A_330 = arith.constant 16 : i32
    %add3A_331 = vector.broadcast %add3A_330 : i32 to vector<16xi32>
    %add3A_332 = arith.addi %add3A_14, %add3A_331 : vector<16xi32>
    %select_n3A_333 = arith.select %lt3A_329, %add3A_332, %add3A_14 : vector<16xi1>, vector<16xi32>
    %broadcast_in_dim3A_334 = vector.shape_cast %select_n3A_333 : vector<16xi32> to vector<16x1xi32>
    %gather3A_335 = vector.shape_cast %broadcast_in_dim3A_334 : vector<16x1xi32> to vector<16xi32>
    %gather3A_336 = tpu.dynamic_gather %get3A_302[%gather3A_335] in [0] : vector<16xi32>, vector<16xi32> -> vector<16xi32>
    %lt3A_337 = arith.constant 0 : i32
    %lt3A_338 = vector.broadcast %lt3A_337 : i32 to vector<16xi32>
    %lt3A_339 = arith.cmpi slt, %add3A_14, %lt3A_338 : vector<16xi32>
    %add3A_340 = arith.constant 16 : i32
    %add3A_341 = vector.broadcast %add3A_340 : i32 to vector<16xi32>
    %add3A_342 = arith.addi %add3A_14, %add3A_341 : vector<16xi32>
    %select_n3A_343 = arith.select %lt3A_339, %add3A_342, %add3A_14 : vector<16xi1>, vector<16xi32>
    %broadcast_in_dim3A_344 = vector.shape_cast %select_n3A_343 : vector<16xi32> to vector<16x1xi32>
    %gather3A_345 = vector.shape_cast %broadcast_in_dim3A_344 : vector<16x1xi32> to vector<16xi32>
    %gather3A_346 = tpu.dynamic_gather %get3A_305[%gather3A_345] in [0] : vector<16xi32>, vector<16xi32> -> vector<16xi32>
    %select_n3A_347 = arith.select %lt3A_6, %gather3A_336, %gather3A_346 : vector<16xi1>, vector<16xi32>
    %mul3A_348 = arith.constant 1000 : i32
    %mul3A_349 = vector.broadcast %mul3A_348 : i32 to vector<16xi32>
    %mul3A_350 = arith.muli %select_n3A_326, %mul3A_349 : vector<16xi32>
    %add3A_351 = arith.addi %mul3A_350, %select_n3A_347 : vector<16xi32>
    %dma_start3A_352 = arith.constant 80 : i32
    %dma_start3A_353 = arith.constant 0 : i32
    %dma_start3A_354 = tpu.memref_slice %arg6[%dma_start3A_352, %dma_start3A_353] : memref<512x64xf32, #tpu.memory_space<vmem>> -> memref<16x64xf32, #tpu.memory_space<vmem>>
    %dma_start3A_355 = arith.constant 0 : i32
    %dma_start3A_356 = arith.constant 0 : i32
    %dma_start3A_357 = tpu.memref_slice %arg3[%dma_start3A_355, %dma_start3A_356] : memref<1000000x64xf32, #tpu.memory_space<hbm>> -> memref<1000000x64xf32, #tpu.memory_space<hbm>>
    tpu.enqueue_indirect_dma source(%dma_start3A_357 : memref<1000000x64xf32, #tpu.memory_space<hbm>>) target(%dma_start3A_354 : memref<16x64xf32, #tpu.memory_space<vmem>>) offsets(%add3A_351 : vector<16xi32>) semaphore(%arg7 : memref<!tpu.dma_semaphore, #tpu.memory_space<semaphore_mem>>)
    %get3A_358 = arith.constant 192 : index
    %get3A_359 = tpu.vector_load %arg5[%get3A_358] {strides = array<i32>} : memref<1024xi32, #tpu.memory_space<vmem>>, vector<16xi32>,
    %get3A_360 = vector.shape_cast %get3A_359 : vector<16xi32> to vector<16xi32>
    %get3A_361 = arith.constant 208 : index
    %get3A_362 = tpu.vector_load %arg5[%get3A_361] {strides = array<i32>} : memref<1024xi32, #tpu.memory_space<vmem>>, vector<16xi32>,
    %get3A_363 = vector.shape_cast %get3A_362 : vector<16xi32> to vector<16xi32>
    %lt3A_364 = arith.constant 0 : i32
    %lt3A_365 = vector.broadcast %lt3A_364 : i32 to vector<16xi32>
    %lt3A_366 = arith.cmpi slt, %mul3A_11, %lt3A_365 : vector<16xi32>
    %add3A_367 = arith.constant 16 : i32
    %add3A_368 = vector.broadcast %add3A_367 : i32 to vector<16xi32>
    %add3A_369 = arith.addi %mul3A_11, %add3A_368 : vector<16xi32>
    %select_n3A_370 = arith.select %lt3A_366, %add3A_369, %mul3A_11 : vector<16xi1>, vector<16xi32>
    %broadcast_in_dim3A_371 = vector.shape_cast %select_n3A_370 : vector<16xi32> to vector<16x1xi32>
    %gather3A_372 = vector.shape_cast %broadcast_in_dim3A_371 : vector<16x1xi32> to vector<16xi32>
    %gather3A_373 = tpu.dynamic_gather %get3A_360[%gather3A_372] in [0] : vector<16xi32>, vector<16xi32> -> vector<16xi32>
    %lt3A_374 = arith.constant 0 : i32
    %lt3A_375 = vector.broadcast %lt3A_374 : i32 to vector<16xi32>
    %lt3A_376 = arith.cmpi slt, %mul3A_11, %lt3A_375 : vector<16xi32>
    %add3A_377 = arith.constant 16 : i32
    %add3A_378 = vector.broadcast %add3A_377 : i32 to vector<16xi32>
    %add3A_379 = arith.addi %mul3A_11, %add3A_378 : vector<16xi32>
    %select_n3A_380 = arith.select %lt3A_376, %add3A_379, %mul3A_11 : vector<16xi1>, vector<16xi32>
    %broadcast_in_dim3A_381 = vector.shape_cast %select_n3A_380 : vector<16xi32> to vector<16x1xi32>
    %gather3A_382 = vector.shape_cast %broadcast_in_dim3A_381 : vector<16x1xi32> to vector<16xi32>
    %gather3A_383 = tpu.dynamic_gather %get3A_363[%gather3A_382] in [0] : vector<16xi32>, vector<16xi32> -> vector<16xi32>
    %select_n3A_384 = arith.select %lt3A_6, %gather3A_373, %gather3A_383 : vector<16xi1>, vector<16xi32>
    %lt3A_385 = arith.constant 0 : i32
    %lt3A_386 = vector.broadcast %lt3A_385 : i32 to vector<16xi32>
    %lt3A_387 = arith.cmpi slt, %add3A_14, %lt3A_386 : vector<16xi32>
    %add3A_388 = arith.constant 16 : i32
    %add3A_389 = vector.broadcast %add3A_388 : i32 to vector<16xi32>
    %add3A_390 = arith.addi %add3A_14, %add3A_389 : vector<16xi32>
    %select_n3A_391 = arith.select %lt3A_387, %add3A_390, %add3A_14 : vector<16xi1>, vector<16xi32>
    %broadcast_in_dim3A_392 = vector.shape_cast %select_n3A_391 : vector<16xi32> to vector<16x1xi32>
    %gather3A_393 = vector.shape_cast %broadcast_in_dim3A_392 : vector<16x1xi32> to vector<16xi32>
    %gather3A_394 = tpu.dynamic_gather %get3A_360[%gather3A_393] in [0] : vector<16xi32>, vector<16xi32> -> vector<16xi32>
    %lt3A_395 = arith.constant 0 : i32
    %lt3A_396 = vector.broadcast %lt3A_395 : i32 to vector<16xi32>
    %lt3A_397 = arith.cmpi slt, %add3A_14, %lt3A_396 : vector<16xi32>
    %add3A_398 = arith.constant 16 : i32
    %add3A_399 = vector.broadcast %add3A_398 : i32 to vector<16xi32>
    %add3A_400 = arith.addi %add3A_14, %add3A_399 : vector<16xi32>
    %select_n3A_401 = arith.select %lt3A_397, %add3A_400, %add3A_14 : vector<16xi1>, vector<16xi32>
    %broadcast_in_dim3A_402 = vector.shape_cast %select_n3A_401 : vector<16xi32> to vector<16x1xi32>
    %gather3A_403 = vector.shape_cast %broadcast_in_dim3A_402 : vector<16x1xi32> to vector<16xi32>
    %gather3A_404 = tpu.dynamic_gather %get3A_363[%gather3A_403] in [0] : vector<16xi32>, vector<16xi32> -> vector<16xi32>
    %select_n3A_405 = arith.select %lt3A_6, %gather3A_394, %gather3A_404 : vector<16xi1>, vector<16xi32>
    %mul3A_406 = arith.constant 1000 : i32
    %mul3A_407 = vector.broadcast %mul3A_406 : i32 to vector<16xi32>
    %mul3A_408 = arith.muli %select_n3A_384, %mul3A_407 : vector<16xi32>
    %add3A_409 = arith.addi %mul3A_408, %select_n3A_405 : vector<16xi32>
    %dma_start3A_410 = arith.constant 96 : i32
    %dma_start3A_411 = arith.constant 0 : i32
    %dma_start3A_412 = tpu.memref_slice %arg6[%dma_start3A_410, %dma_start3A_411] : memref<512x64xf32, #tpu.memory_space<vmem>> -> memref<16x64xf32, #tpu.memory_space<vmem>>
    %dma_start3A_413 = arith.constant 0 : i32
    %dma_start3A_414 = arith.constant 0 : i32
    %dma_start3A_415 = tpu.memref_slice %arg3[%dma_start3A_413, %dma_start3A_414] : memref<1000000x64xf32, #tpu.memory_space<hbm>> -> memref<1000000x64xf32, #tpu.memory_space<hbm>>
    tpu.enqueue_indirect_dma source(%dma_start3A_415 : memref<1000000x64xf32, #tpu.memory_space<hbm>>) target(%dma_start3A_412 : memref<16x64xf32, #tpu.memory_space<vmem>>) offsets(%add3A_409 : vector<16xi32>) semaphore(%arg7 : memref<!tpu.dma_semaphore, #tpu.memory_space<semaphore_mem>>)
    %get3A_416 = arith.constant 224 : index
    %get3A_417 = tpu.vector_load %arg5[%get3A_416] {strides = array<i32>} : memref<1024xi32, #tpu.memory_space<vmem>>, vector<16xi32>,
    %get3A_418 = vector.shape_cast %get3A_417 : vector<16xi32> to vector<16xi32>
    %get3A_419 = arith.constant 240 : index
    %get3A_420 = tpu.vector_load %arg5[%get3A_419] {strides = array<i32>} : memref<1024xi32, #tpu.memory_space<vmem>>, vector<16xi32>,
    %get3A_421 = vector.shape_cast %get3A_420 : vector<16xi32> to vector<16xi32>
    %lt3A_422 = arith.constant 0 : i32
    %lt3A_423 = vector.broadcast %lt3A_422 : i32 to vector<16xi32>
    %lt3A_424 = arith.cmpi slt, %mul3A_11, %lt3A_423 : vector<16xi32>
    %add3A_425 = arith.constant 16 : i32
    %add3A_426 = vector.broadcast %add3A_425 : i32 to vector<16xi32>
    %add3A_427 = arith.addi %mul3A_11, %add3A_426 : vector<16xi32>
    %select_n3A_428 = arith.select %lt3A_424, %add3A_427, %mul3A_11 : vector<16xi1>, vector<16xi32>
    %broadcast_in_dim3A_429 = vector.shape_cast %select_n3A_428 : vector<16xi32> to vector<16x1xi32>
    %gather3A_430 = vector.shape_cast %broadcast_in_dim3A_429 : vector<16x1xi32> to vector<16xi32>
    %gather3A_431 = tpu.dynamic_gather %get3A_418[%gather3A_430] in [0] : vector<16xi32>, vector<16xi32> -> vector<16xi32>
    %lt3A_432 = arith.constant 0 : i32
    %lt3A_433 = vector.broadcast %lt3A_432 : i32 to vector<16xi32>
    %lt3A_434 = arith.cmpi slt, %mul3A_11, %lt3A_433 : vector<16xi32>
    %add3A_435 = arith.constant 16 : i32
    %add3A_436 = vector.broadcast %add3A_435 : i32 to vector<16xi32>
    %add3A_437 = arith.addi %mul3A_11, %add3A_436 : vector<16xi32>
    %select_n3A_438 = arith.select %lt3A_434, %add3A_437, %mul3A_11 : vector<16xi1>, vector<16xi32>
    %broadcast_in_dim3A_439 = vector.shape_cast %select_n3A_438 : vector<16xi32> to vector<16x1xi32>
    %gather3A_440 = vector.shape_cast %broadcast_in_dim3A_439 : vector<16x1xi32> to vector<16xi32>
    %gather3A_441 = tpu.dynamic_gather %get3A_421[%gather3A_440] in [0] : vector<16xi32>, vector<16xi32> -> vector<16xi32>
    %select_n3A_442 = arith.select %lt3A_6, %gather3A_431, %gather3A_441 : vector<16xi1>, vector<16xi32>
    %lt3A_443 = arith.constant 0 : i32
    %lt3A_444 = vector.broadcast %lt3A_443 : i32 to vector<16xi32>
    %lt3A_445 = arith.cmpi slt, %add3A_14, %lt3A_444 : vector<16xi32>
    %add3A_446 = arith.constant 16 : i32
    %add3A_447 = vector.broadcast %add3A_446 : i32 to vector<16xi32>
    %add3A_448 = arith.addi %add3A_14, %add3A_447 : vector<16xi32>
    %select_n3A_449 = arith.select %lt3A_445, %add3A_448, %add3A_14 : vector<16xi1>, vector<16xi32>
    %broadcast_in_dim3A_450 = vector.shape_cast %select_n3A_449 : vector<16xi32> to vector<16x1xi32>
    %gather3A_451 = vector.shape_cast %broadcast_in_dim3A_450 : vector<16x1xi32> to vector<16xi32>
    %gather3A_452 = tpu.dynamic_gather %get3A_418[%gather3A_451] in [0] : vector<16xi32>, vector<16xi32> -> vector<16xi32>
    %lt3A_453 = arith.constant 0 : i32
    %lt3A_454 = vector.broadcast %lt3A_453 : i32 to vector<16xi32>
    %lt3A_455 = arith.cmpi slt, %add3A_14, %lt3A_454 : vector<16xi32>
    %add3A_456 = arith.constant 16 : i32
    %add3A_457 = vector.broadcast %add3A_456 : i32 to vector<16xi32>
    %add3A_458 = arith.addi %add3A_14, %add3A_457 : vector<16xi32>
    %select_n3A_459 = arith.select %lt3A_455, %add3A_458, %add3A_14 : vector<16xi1>, vector<16xi32>
    %broadcast_in_dim3A_460 = vector.shape_cast %select_n3A_459 : vector<16xi32> to vector<16x1xi32>
    %gather3A_461 = vector.shape_cast %broadcast_in_dim3A_460 : vector<16x1xi32> to vector<16xi32>
    %gather3A_462 = tpu.dynamic_gather %get3A_421[%gather3A_461] in [0] : vector<16xi32>, vector<16xi32> -> vector<16xi32>
    %select_n3A_463 = arith.select %lt3A_6, %gather3A_452, %gather3A_462 : vector<16xi1>, vector<16xi32>
    %mul3A_464 = arith.constant 1000 : i32
    %mul3A_465 = vector.broadcast %mul3A_464 : i32 to vector<16xi32>
    %mul3A_466 = arith.muli %select_n3A_442, %mul3A_465 : vector<16xi32>
    %add3A_467 = arith.addi %mul3A_466, %select_n3A_463 : vector<16xi32>
    %dma_start3A_468 = arith.constant 112 : i32
    %dma_start3A_469 = arith.constant 0 : i32
    %dma_start3A_470 = tpu.memref_slice %arg6[%dma_start3A_468, %dma_start3A_469] : memref<512x64xf32, #tpu.memory_space<vmem>> -> memref<16x64xf32, #tpu.memory_space<vmem>>
    %dma_start3A_471 = arith.constant 0 : i32
    %dma_start3A_472 = arith.constant 0 : i32
    %dma_start3A_473 = tpu.memref_slice %arg3[%dma_start3A_471, %dma_start3A_472] : memref<1000000x64xf32, #tpu.memory_space<hbm>> -> memref<1000000x64xf32, #tpu.memory_space<hbm>>
    tpu.enqueue_indirect_dma source(%dma_start3A_473 : memref<1000000x64xf32, #tpu.memory_space<hbm>>) target(%dma_start3A_470 : memref<16x64xf32, #tpu.memory_space<vmem>>) offsets(%add3A_467 : vector<16xi32>) semaphore(%arg7 : memref<!tpu.dma_semaphore, #tpu.memory_space<semaphore_mem>>)
    %get3A_474 = arith.constant 256 : index
    %get3A_475 = tpu.vector_load %arg5[%get3A_474] {strides = array<i32>} : memref<1024xi32, #tpu.memory_space<vmem>>, vector<16xi32>,
    %get3A_476 = vector.shape_cast %get3A_475 : vector<16xi32> to vector<16xi32>
    %get3A_477 = arith.constant 272 : index
    %get3A_478 = tpu.vector_load %arg5[%get3A_477] {strides = array<i32>} : memref<1024xi32, #tpu.memory_space<vmem>>, vector<16xi32>,
    %get3A_479 = vector.shape_cast %get3A_478 : vector<16xi32> to vector<16xi32>
    %lt3A_480 = arith.constant 0 : i32
    %lt3A_481 = vector.broadcast %lt3A_480 : i32 to vector<16xi32>
    %lt3A_482 = arith.cmpi slt, %mul3A_11, %lt3A_481 : vector<16xi32>
    %add3A_483 = arith.constant 16 : i32
    %add3A_484 = vector.broadcast %add3A_483 : i32 to vector<16xi32>
    %add3A_485 = arith.addi %mul3A_11, %add3A_484 : vector<16xi32>
    %select_n3A_486 = arith.select %lt3A_482, %add3A_485, %mul3A_11 : vector<16xi1>, vector<16xi32>
    %broadcast_in_dim3A_487 = vector.shape_cast %select_n3A_486 : vector<16xi32> to vector<16x1xi32>
    %gather3A_488 = vector.shape_cast %broadcast_in_dim3A_487 : vector<16x1xi32> to vector<16xi32>
    %gather3A_489 = tpu.dynamic_gather %get3A_476[%gather3A_488] in [0] : vector<16xi32>, vector<16xi32> -> vector<16xi32>
    %lt3A_490 = arith.constant 0 : i32
    %lt3A_491 = vector.broadcast %lt3A_490 : i32 to vector<16xi32>
    %lt3A_492 = arith.cmpi slt, %mul3A_11, %lt3A_491 : vector<16xi32>
    %add3A_493 = arith.constant 16 : i32
    %add3A_494 = vector.broadcast %add3A_493 : i32 to vector<16xi32>
    %add3A_495 = arith.addi %mul3A_11, %add3A_494 : vector<16xi32>
    %select_n3A_496 = arith.select %lt3A_492, %add3A_495, %mul3A_11 : vector<16xi1>, vector<16xi32>
    %broadcast_in_dim3A_497 = vector.shape_cast %select_n3A_496 : vector<16xi32> to vector<16x1xi32>
    %gather3A_498 = vector.shape_cast %broadcast_in_dim3A_497 : vector<16x1xi32> to vector<16xi32>
    %gather3A_499 = tpu.dynamic_gather %get3A_479[%gather3A_498] in [0] : vector<16xi32>, vector<16xi32> -> vector<16xi32>
    %select_n3A_500 = arith.select %lt3A_6, %gather3A_489, %gather3A_499 : vector<16xi1>, vector<16xi32>
    %lt3A_501 = arith.constant 0 : i32
    %lt3A_502 = vector.broadcast %lt3A_501 : i32 to vector<16xi32>
    %lt3A_503 = arith.cmpi slt, %add3A_14, %lt3A_502 : vector<16xi32>
    %add3A_504 = arith.constant 16 : i32
    %add3A_505 = vector.broadcast %add3A_504 : i32 to vector<16xi32>
    %add3A_506 = arith.addi %add3A_14, %add3A_505 : vector<16xi32>
    %select_n3A_507 = arith.select %lt3A_503, %add3A_506, %add3A_14 : vector<16xi1>, vector<16xi32>
    %broadcast_in_dim3A_508 = vector.shape_cast %select_n3A_507 : vector<16xi32> to vector<16x1xi32>
    %gather3A_509 = vector.shape_cast %broadcast_in_dim3A_508 : vector<16x1xi32> to vector<16xi32>
    %gather3A_510 = tpu.dynamic_gather %get3A_476[%gather3A_509] in [0] : vector<16xi32>, vector<16xi32> -> vector<16xi32>
    %lt3A_511 = arith.constant 0 : i32
    %lt3A_512 = vector.broadcast %lt3A_511 : i32 to vector<16xi32>
    %lt3A_513 = arith.cmpi slt, %add3A_14, %lt3A_512 : vector<16xi32>
    %add3A_514 = arith.constant 16 : i32
    %add3A_515 = vector.broadcast %add3A_514 : i32 to vector<16xi32>
    %add3A_516 = arith.addi %add3A_14, %add3A_515 : vector<16xi32>
    %select_n3A_517 = arith.select %lt3A_513, %add3A_516, %add3A_14 : vector<16xi1>, vector<16xi32>
    %broadcast_in_dim3A_518 = vector.shape_cast %select_n3A_517 : vector<16xi32> to vector<16x1xi32>
    %gather3A_519 = vector.shape_cast %broadcast_in_dim3A_518 : vector<16x1xi32> to vector<16xi32>
    %gather3A_520 = tpu.dynamic_gather %get3A_479[%gather3A_519] in [0] : vector<16xi32>, vector<16xi32> -> vector<16xi32>
    %select_n3A_521 = arith.select %lt3A_6, %gather3A_510, %gather3A_520 : vector<16xi1>, vector<16xi32>
    %mul3A_522 = arith.constant 1000 : i32
    %mul3A_523 = vector.broadcast %mul3A_522 : i32 to vector<16xi32>
    %mul3A_524 = arith.muli %select_n3A_500, %mul3A_523 : vector<16xi32>
    %add3A_525 = arith.addi %mul3A_524, %select_n3A_521 : vector<16xi32>
    %dma_start3A_526 = arith.constant 128 : i32
    %dma_start3A_527 = arith.constant 0 : i32
    %dma_start3A_528 = tpu.memref_slice %arg6[%dma_start3A_526, %dma_start3A_527] : memref<512x64xf32, #tpu.memory_space<vmem>> -> memref<16x64xf32, #tpu.memory_space<vmem>>
    %dma_start3A_529 = arith.constant 0 : i32
    %dma_start3A_530 = arith.constant 0 : i32
    %dma_start3A_531 = tpu.memref_slice %arg3[%dma_start3A_529, %dma_start3A_530] : memref<1000000x64xf32, #tpu.memory_space<hbm>> -> memref<1000000x64xf32, #tpu.memory_space<hbm>>
    tpu.enqueue_indirect_dma source(%dma_start3A_531 : memref<1000000x64xf32, #tpu.memory_space<hbm>>) target(%dma_start3A_528 : memref<16x64xf32, #tpu.memory_space<vmem>>) offsets(%add3A_525 : vector<16xi32>) semaphore(%arg7 : memref<!tpu.dma_semaphore, #tpu.memory_space<semaphore_mem>>)
    %get3A_532 = arith.constant 288 : index
    %get3A_533 = tpu.vector_load %arg5[%get3A_532] {strides = array<i32>} : memref<1024xi32, #tpu.memory_space<vmem>>, vector<16xi32>,
    %get3A_534 = vector.shape_cast %get3A_533 : vector<16xi32> to vector<16xi32>
    %get3A_535 = arith.constant 304 : index
    %get3A_536 = tpu.vector_load %arg5[%get3A_535] {strides = array<i32>} : memref<1024xi32, #tpu.memory_space<vmem>>, vector<16xi32>,
    %get3A_537 = vector.shape_cast %get3A_536 : vector<16xi32> to vector<16xi32>
    %lt3A_538 = arith.constant 0 : i32
    %lt3A_539 = vector.broadcast %lt3A_538 : i32 to vector<16xi32>
    %lt3A_540 = arith.cmpi slt, %mul3A_11, %lt3A_539 : vector<16xi32>
    %add3A_541 = arith.constant 16 : i32
    %add3A_542 = vector.broadcast %add3A_541 : i32 to vector<16xi32>
    %add3A_543 = arith.addi %mul3A_11, %add3A_542 : vector<16xi32>
    %select_n3A_544 = arith.select %lt3A_540, %add3A_543, %mul3A_11 : vector<16xi1>, vector<16xi32>
    %broadcast_in_dim3A_545 = vector.shape_cast %select_n3A_544 : vector<16xi32> to vector<16x1xi32>
    %gather3A_546 = vector.shape_cast %broadcast_in_dim3A_545 : vector<16x1xi32> to vector<16xi32>
    %gather3A_547 = tpu.dynamic_gather %get3A_534[%gather3A_546] in [0] : vector<16xi32>, vector<16xi32> -> vector<16xi32>
    %lt3A_548 = arith.constant 0 : i32
    %lt3A_549 = vector.broadcast %lt3A_548 : i32 to vector<16xi32>
    %lt3A_550 = arith.cmpi slt, %mul3A_11, %lt3A_549 : vector<16xi32>
    %add3A_551 = arith.constant 16 : i32
    %add3A_552 = vector.broadcast %add3A_551 : i32 to vector<16xi32>
    %add3A_553 = arith.addi %mul3A_11, %add3A_552 : vector<16xi32>
    %select_n3A_554 = arith.select %lt3A_550, %add3A_553, %mul3A_11 : vector<16xi1>, vector<16xi32>
    %broadcast_in_dim3A_555 = vector.shape_cast %select_n3A_554 : vector<16xi32> to vector<16x1xi32>
    %gather3A_556 = vector.shape_cast %broadcast_in_dim3A_555 : vector<16x1xi32> to vector<16xi32>
    %gather3A_557 = tpu.dynamic_gather %get3A_537[%gather3A_556] in [0] : vector<16xi32>, vector<16xi32> -> vector<16xi32>
    %select_n3A_558 = arith.select %lt3A_6, %gather3A_547, %gather3A_557 : vector<16xi1>, vector<16xi32>
    %lt3A_559 = arith.constant 0 : i32
    %lt3A_560 = vector.broadcast %lt3A_559 : i32 to vector<16xi32>
    %lt3A_561 = arith.cmpi slt, %add3A_14, %lt3A_560 : vector<16xi32>
    %add3A_562 = arith.constant 16 : i32
    %add3A_563 = vector.broadcast %add3A_562 : i32 to vector<16xi32>
    %add3A_564 = arith.addi %add3A_14, %add3A_563 : vector<16xi32>
    %select_n3A_565 = arith.select %lt3A_561, %add3A_564, %add3A_14 : vector<16xi1>, vector<16xi32>
    %broadcast_in_dim3A_566 = vector.shape_cast %select_n3A_565 : vector<16xi32> to vector<16x1xi32>
    %gather3A_567 = vector.shape_cast %broadcast_in_dim3A_566 : vector<16x1xi32> to vector<16xi32>
    %gather3A_568 = tpu.dynamic_gather %get3A_534[%gather3A_567] in [0] : vector<16xi32>, vector<16xi32> -> vector<16xi32>
    %lt3A_569 = arith.constant 0 : i32
    %lt3A_570 = vector.broadcast %lt3A_569 : i32 to vector<16xi32>
    %lt3A_571 = arith.cmpi slt, %add3A_14, %lt3A_570 : vector<16xi32>
    %add3A_572 = arith.constant 16 : i32
    %add3A_573 = vector.broadcast %add3A_572 : i32 to vector<16xi32>
    %add3A_574 = arith.addi %add3A_14, %add3A_573 : vector<16xi32>
    %select_n3A_575 = arith.select %lt3A_571, %add3A_574, %add3A_14 : vector<16xi1>, vector<16xi32>
    %broadcast_in_dim3A_576 = vector.shape_cast %select_n3A_575 : vector<16xi32> to vector<16x1xi32>
    %gather3A_577 = vector.shape_cast %broadcast_in_dim3A_576 : vector<16x1xi32> to vector<16xi32>
    %gather3A_578 = tpu.dynamic_gather %get3A_537[%gather3A_577] in [0] : vector<16xi32>, vector<16xi32> -> vector<16xi32>
    %select_n3A_579 = arith.select %lt3A_6, %gather3A_568, %gather3A_578 : vector<16xi1>, vector<16xi32>
    %mul3A_580 = arith.constant 1000 : i32
    %mul3A_581 = vector.broadcast %mul3A_580 : i32 to vector<16xi32>
    %mul3A_582 = arith.muli %select_n3A_558, %mul3A_581 : vector<16xi32>
    %add3A_583 = arith.addi %mul3A_582, %select_n3A_579 : vector<16xi32>
    %dma_start3A_584 = arith.constant 144 : i32
    %dma_start3A_585 = arith.constant 0 : i32
    %dma_start3A_586 = tpu.memref_slice %arg6[%dma_start3A_584, %dma_start3A_585] : memref<512x64xf32, #tpu.memory_space<vmem>> -> memref<16x64xf32, #tpu.memory_space<vmem>>
    %dma_start3A_587 = arith.constant 0 : i32
    %dma_start3A_588 = arith.constant 0 : i32
    %dma_start3A_589 = tpu.memref_slice %arg3[%dma_start3A_587, %dma_start3A_588] : memref<1000000x64xf32, #tpu.memory_space<hbm>> -> memref<1000000x64xf32, #tpu.memory_space<hbm>>
    tpu.enqueue_indirect_dma source(%dma_start3A_589 : memref<1000000x64xf32, #tpu.memory_space<hbm>>) target(%dma_start3A_586 : memref<16x64xf32, #tpu.memory_space<vmem>>) offsets(%add3A_583 : vector<16xi32>) semaphore(%arg7 : memref<!tpu.dma_semaphore, #tpu.memory_space<semaphore_mem>>)
    %get3A_590 = arith.constant 320 : index
    %get3A_591 = tpu.vector_load %arg5[%get3A_590] {strides = array<i32>} : memref<1024xi32, #tpu.memory_space<vmem>>, vector<16xi32>,
    %get3A_592 = vector.shape_cast %get3A_591 : vector<16xi32> to vector<16xi32>
    %get3A_593 = arith.constant 336 : index
    %get3A_594 = tpu.vector_load %arg5[%get3A_593] {strides = array<i32>} : memref<1024xi32, #tpu.memory_space<vmem>>, vector<16xi32>,
    %get3A_595 = vector.shape_cast %get3A_594 : vector<16xi32> to vector<16xi32>
    %lt3A_596 = arith.constant 0 : i32
    %lt3A_597 = vector.broadcast %lt3A_596 : i32 to vector<16xi32>
    %lt3A_598 = arith.cmpi slt, %mul3A_11, %lt3A_597 : vector<16xi32>
    %add3A_599 = arith.constant 16 : i32
    %add3A_600 = vector.broadcast %add3A_599 : i32 to vector<16xi32>
    %add3A_601 = arith.addi %mul3A_11, %add3A_600 : vector<16xi32>
    %select_n3A_602 = arith.select %lt3A_598, %add3A_601, %mul3A_11 : vector<16xi1>, vector<16xi32>
    %broadcast_in_dim3A_603 = vector.shape_cast %select_n3A_602 : vector<16xi32> to vector<16x1xi32>
    %gather3A_604 = vector.shape_cast %broadcast_in_dim3A_603 : vector<16x1xi32> to vector<16xi32>
    %gather3A_605 = tpu.dynamic_gather %get3A_592[%gather3A_604] in [0] : vector<16xi32>, vector<16xi32> -> vector<16xi32>
    %lt3A_606 = arith.constant 0 : i32
    %lt3A_607 = vector.broadcast %lt3A_606 : i32 to vector<16xi32>
    %lt3A_608 = arith.cmpi slt, %mul3A_11, %lt3A_607 : vector<16xi32>
    %add3A_609 = arith.constant 16 : i32
    %add3A_610 = vector.broadcast %add3A_609 : i32 to vector<16xi32>
    %add3A_611 = arith.addi %mul3A_11, %add3A_610 : vector<16xi32>
    %select_n3A_612 = arith.select %lt3A_608, %add3A_611, %mul3A_11 : vector<16xi1>, vector<16xi32>
    %broadcast_in_dim3A_613 = vector.shape_cast %select_n3A_612 : vector<16xi32> to vector<16x1xi32>
    %gather3A_614 = vector.shape_cast %broadcast_in_dim3A_613 : vector<16x1xi32> to vector<16xi32>
    %gather3A_615 = tpu.dynamic_gather %get3A_595[%gather3A_614] in [0] : vector<16xi32>, vector<16xi32> -> vector<16xi32>
    %select_n3A_616 = arith.select %lt3A_6, %gather3A_605, %gather3A_615 : vector<16xi1>, vector<16xi32>
    %lt3A_617 = arith.constant 0 : i32
    %lt3A_618 = vector.broadcast %lt3A_617 : i32 to vector<16xi32>
    %lt3A_619 = arith.cmpi slt, %add3A_14, %lt3A_618 : vector<16xi32>
    %add3A_620 = arith.constant 16 : i32
    %add3A_621 = vector.broadcast %add3A_620 : i32 to vector<16xi32>
    %add3A_622 = arith.addi %add3A_14, %add3A_621 : vector<16xi32>
    %select_n3A_623 = arith.select %lt3A_619, %add3A_622, %add3A_14 : vector<16xi1>, vector<16xi32>
    %broadcast_in_dim3A_624 = vector.shape_cast %select_n3A_623 : vector<16xi32> to vector<16x1xi32>
    %gather3A_625 = vector.shape_cast %broadcast_in_dim3A_624 : vector<16x1xi32> to vector<16xi32>
    %gather3A_626 = tpu.dynamic_gather %get3A_592[%gather3A_625] in [0] : vector<16xi32>, vector<16xi32> -> vector<16xi32>
    %lt3A_627 = arith.constant 0 : i32
    %lt3A_628 = vector.broadcast %lt3A_627 : i32 to vector<16xi32>
    %lt3A_629 = arith.cmpi slt, %add3A_14, %lt3A_628 : vector<16xi32>
    %add3A_630 = arith.constant 16 : i32
    %add3A_631 = vector.broadcast %add3A_630 : i32 to vector<16xi32>
    %add3A_632 = arith.addi %add3A_14, %add3A_631 : vector<16xi32>
    %select_n3A_633 = arith.select %lt3A_629, %add3A_632, %add3A_14 : vector<16xi1>, vector<16xi32>
    %broadcast_in_dim3A_634 = vector.shape_cast %select_n3A_633 : vector<16xi32> to vector<16x1xi32>
    %gather3A_635 = vector.shape_cast %broadcast_in_dim3A_634 : vector<16x1xi32> to vector<16xi32>
    %gather3A_636 = tpu.dynamic_gather %get3A_595[%gather3A_635] in [0] : vector<16xi32>, vector<16xi32> -> vector<16xi32>
    %select_n3A_637 = arith.select %lt3A_6, %gather3A_626, %gather3A_636 : vector<16xi1>, vector<16xi32>
    %mul3A_638 = arith.constant 1000 : i32
    %mul3A_639 = vector.broadcast %mul3A_638 : i32 to vector<16xi32>
    %mul3A_640 = arith.muli %select_n3A_616, %mul3A_639 : vector<16xi32>
    %add3A_641 = arith.addi %mul3A_640, %select_n3A_637 : vector<16xi32>
    %dma_start3A_642 = arith.constant 160 : i32
    %dma_start3A_643 = arith.constant 0 : i32
    %dma_start3A_644 = tpu.memref_slice %arg6[%dma_start3A_642, %dma_start3A_643] : memref<512x64xf32, #tpu.memory_space<vmem>> -> memref<16x64xf32, #tpu.memory_space<vmem>>
    %dma_start3A_645 = arith.constant 0 : i32
    %dma_start3A_646 = arith.constant 0 : i32
    %dma_start3A_647 = tpu.memref_slice %arg3[%dma_start3A_645, %dma_start3A_646] : memref<1000000x64xf32, #tpu.memory_space<hbm>> -> memref<1000000x64xf32, #tpu.memory_space<hbm>>
    tpu.enqueue_indirect_dma source(%dma_start3A_647 : memref<1000000x64xf32, #tpu.memory_space<hbm>>) target(%dma_start3A_644 : memref<16x64xf32, #tpu.memory_space<vmem>>) offsets(%add3A_641 : vector<16xi32>) semaphore(%arg7 : memref<!tpu.dma_semaphore, #tpu.memory_space<semaphore_mem>>)
    %get3A_648 = arith.constant 352 : index
    %get3A_649 = tpu.vector_load %arg5[%get3A_648] {strides = array<i32>} : memref<1024xi32, #tpu.memory_space<vmem>>, vector<16xi32>,
    %get3A_650 = vector.shape_cast %get3A_649 : vector<16xi32> to vector<16xi32>
    %get3A_651 = arith.constant 368 : index
    %get3A_652 = tpu.vector_load %arg5[%get3A_651] {strides = array<i32>} : memref<1024xi32, #tpu.memory_space<vmem>>, vector<16xi32>,
    %get3A_653 = vector.shape_cast %get3A_652 : vector<16xi32> to vector<16xi32>
    %lt3A_654 = arith.constant 0 : i32
    %lt3A_655 = vector.broadcast %lt3A_654 : i32 to vector<16xi32>
    %lt3A_656 = arith.cmpi slt, %mul3A_11, %lt3A_655 : vector<16xi32>
    %add3A_657 = arith.constant 16 : i32
    %add3A_658 = vector.broadcast %add3A_657 : i32 to vector<16xi32>
    %add3A_659 = arith.addi %mul3A_11, %add3A_658 : vector<16xi32>
    %select_n3A_660 = arith.select %lt3A_656, %add3A_659, %mul3A_11 : vector<16xi1>, vector<16xi32>
    %broadcast_in_dim3A_661 = vector.shape_cast %select_n3A_660 : vector<16xi32> to vector<16x1xi32>
    %gather3A_662 = vector.shape_cast %broadcast_in_dim3A_661 : vector<16x1xi32> to vector<16xi32>
    %gather3A_663 = tpu.dynamic_gather %get3A_650[%gather3A_662] in [0] : vector<16xi32>, vector<16xi32> -> vector<16xi32>
    %lt3A_664 = arith.constant 0 : i32
    %lt3A_665 = vector.broadcast %lt3A_664 : i32 to vector<16xi32>
    %lt3A_666 = arith.cmpi slt, %mul3A_11, %lt3A_665 : vector<16xi32>
    %add3A_667 = arith.constant 16 : i32
    %add3A_668 = vector.broadcast %add3A_667 : i32 to vector<16xi32>
    %add3A_669 = arith.addi %mul3A_11, %add3A_668 : vector<16xi32>
    %select_n3A_670 = arith.select %lt3A_666, %add3A_669, %mul3A_11 : vector<16xi1>, vector<16xi32>
    %broadcast_in_dim3A_671 = vector.shape_cast %select_n3A_670 : vector<16xi32> to vector<16x1xi32>
    %gather3A_672 = vector.shape_cast %broadcast_in_dim3A_671 : vector<16x1xi32> to vector<16xi32>
    %gather3A_673 = tpu.dynamic_gather %get3A_653[%gather3A_672] in [0] : vector<16xi32>, vector<16xi32> -> vector<16xi32>
    %select_n3A_674 = arith.select %lt3A_6, %gather3A_663, %gather3A_673 : vector<16xi1>, vector<16xi32>
    %lt3A_675 = arith.constant 0 : i32
    %lt3A_676 = vector.broadcast %lt3A_675 : i32 to vector<16xi32>
    %lt3A_677 = arith.cmpi slt, %add3A_14, %lt3A_676 : vector<16xi32>
    %add3A_678 = arith.constant 16 : i32
    %add3A_679 = vector.broadcast %add3A_678 : i32 to vector<16xi32>
    %add3A_680 = arith.addi %add3A_14, %add3A_679 : vector<16xi32>
    %select_n3A_681 = arith.select %lt3A_677, %add3A_680, %add3A_14 : vector<16xi1>, vector<16xi32>
    %broadcast_in_dim3A_682 = vector.shape_cast %select_n3A_681 : vector<16xi32> to vector<16x1xi32>
    %gather3A_683 = vector.shape_cast %broadcast_in_dim3A_682 : vector<16x1xi32> to vector<16xi32>
    %gather3A_684 = tpu.dynamic_gather %get3A_650[%gather3A_683] in [0] : vector<16xi32>, vector<16xi32> -> vector<16xi32>
    %lt3A_685 = arith.constant 0 : i32
    %lt3A_686 = vector.broadcast %lt3A_685 : i32 to vector<16xi32>
    %lt3A_687 = arith.cmpi slt, %add3A_14, %lt3A_686 : vector<16xi32>
    %add3A_688 = arith.constant 16 : i32
    %add3A_689 = vector.broadcast %add3A_688 : i32 to vector<16xi32>
    %add3A_690 = arith.addi %add3A_14, %add3A_689 : vector<16xi32>
    %select_n3A_691 = arith.select %lt3A_687, %add3A_690, %add3A_14 : vector<16xi1>, vector<16xi32>
    %broadcast_in_dim3A_692 = vector.shape_cast %select_n3A_691 : vector<16xi32> to vector<16x1xi32>
    %gather3A_693 = vector.shape_cast %broadcast_in_dim3A_692 : vector<16x1xi32> to vector<16xi32>
    %gather3A_694 = tpu.dynamic_gather %get3A_653[%gather3A_693] in [0] : vector<16xi32>, vector<16xi32> -> vector<16xi32>
    %select_n3A_695 = arith.select %lt3A_6, %gather3A_684, %gather3A_694 : vector<16xi1>, vector<16xi32>
    %mul3A_696 = arith.constant 1000 : i32
    %mul3A_697 = vector.broadcast %mul3A_696 : i32 to vector<16xi32>
    %mul3A_698 = arith.muli %select_n3A_674, %mul3A_697 : vector<16xi32>
    %add3A_699 = arith.addi %mul3A_698, %select_n3A_695 : vector<16xi32>
    %dma_start3A_700 = arith.constant 176 : i32
    %dma_start3A_701 = arith.constant 0 : i32
    %dma_start3A_702 = tpu.memref_slice %arg6[%dma_start3A_700, %dma_start3A_701] : memref<512x64xf32, #tpu.memory_space<vmem>> -> memref<16x64xf32, #tpu.memory_space<vmem>>
    %dma_start3A_703 = arith.constant 0 : i32
    %dma_start3A_704 = arith.constant 0 : i32
    %dma_start3A_705 = tpu.memref_slice %arg3[%dma_start3A_703, %dma_start3A_704] : memref<1000000x64xf32, #tpu.memory_space<hbm>> -> memref<1000000x64xf32, #tpu.memory_space<hbm>>
    tpu.enqueue_indirect_dma source(%dma_start3A_705 : memref<1000000x64xf32, #tpu.memory_space<hbm>>) target(%dma_start3A_702 : memref<16x64xf32, #tpu.memory_space<vmem>>) offsets(%add3A_699 : vector<16xi32>) semaphore(%arg7 : memref<!tpu.dma_semaphore, #tpu.memory_space<semaphore_mem>>)
    %get3A_706 = arith.constant 384 : index
    %get3A_707 = tpu.vector_load %arg5[%get3A_706] {strides = array<i32>} : memref<1024xi32, #tpu.memory_space<vmem>>, vector<16xi32>,
    %get3A_708 = vector.shape_cast %get3A_707 : vector<16xi32> to vector<16xi32>
    %get3A_709 = arith.constant 400 : index
    %get3A_710 = tpu.vector_load %arg5[%get3A_709] {strides = array<i32>} : memref<1024xi32, #tpu.memory_space<vmem>>, vector<16xi32>,
    %get3A_711 = vector.shape_cast %get3A_710 : vector<16xi32> to vector<16xi32>
    %lt3A_712 = arith.constant 0 : i32
    %lt3A_713 = vector.broadcast %lt3A_712 : i32 to vector<16xi32>
    %lt3A_714 = arith.cmpi slt, %mul3A_11, %lt3A_713 : vector<16xi32>
    %add3A_715 = arith.constant 16 : i32
    %add3A_716 = vector.broadcast %add3A_715 : i32 to vector<16xi32>
    %add3A_717 = arith.addi %mul3A_11, %add3A_716 : vector<16xi32>
    %select_n3A_718 = arith.select %lt3A_714, %add3A_717, %mul3A_11 : vector<16xi1>, vector<16xi32>
    %broadcast_in_dim3A_719 = vector.shape_cast %select_n3A_718 : vector<16xi32> to vector<16x1xi32>
    %gather3A_720 = vector.shape_cast %broadcast_in_dim3A_719 : vector<16x1xi32> to vector<16xi32>
    %gather3A_721 = tpu.dynamic_gather %get3A_708[%gather3A_720] in [0] : vector<16xi32>, vector<16xi32> -> vector<16xi32>
    %lt3A_722 = arith.constant 0 : i32
    %lt3A_723 = vector.broadcast %lt3A_722 : i32 to vector<16xi32>
    %lt3A_724 = arith.cmpi slt, %mul3A_11, %lt3A_723 : vector<16xi32>
    %add3A_725 = arith.constant 16 : i32
    %add3A_726 = vector.broadcast %add3A_725 : i32 to vector<16xi32>
    %add3A_727 = arith.addi %mul3A_11, %add3A_726 : vector<16xi32>
    %select_n3A_728 = arith.select %lt3A_724, %add3A_727, %mul3A_11 : vector<16xi1>, vector<16xi32>
    %broadcast_in_dim3A_729 = vector.shape_cast %select_n3A_728 : vector<16xi32> to vector<16x1xi32>
    %gather3A_730 = vector.shape_cast %broadcast_in_dim3A_729 : vector<16x1xi32> to vector<16xi32>
    %gather3A_731 = tpu.dynamic_gather %get3A_711[%gather3A_730] in [0] : vector<16xi32>, vector<16xi32> -> vector<16xi32>
    %select_n3A_732 = arith.select %lt3A_6, %gather3A_721, %gather3A_731 : vector<16xi1>, vector<16xi32>
    %lt3A_733 = arith.constant 0 : i32
    %lt3A_734 = vector.broadcast %lt3A_733 : i32 to vector<16xi32>
    %lt3A_735 = arith.cmpi slt, %add3A_14, %lt3A_734 : vector<16xi32>
    %add3A_736 = arith.constant 16 : i32
    %add3A_737 = vector.broadcast %add3A_736 : i32 to vector<16xi32>
    %add3A_738 = arith.addi %add3A_14, %add3A_737 : vector<16xi32>
    %select_n3A_739 = arith.select %lt3A_735, %add3A_738, %add3A_14 : vector<16xi1>, vector<16xi32>
    %broadcast_in_dim3A_740 = vector.shape_cast %select_n3A_739 : vector<16xi32> to vector<16x1xi32>
    %gather3A_741 = vector.shape_cast %broadcast_in_dim3A_740 : vector<16x1xi32> to vector<16xi32>
    %gather3A_742 = tpu.dynamic_gather %get3A_708[%gather3A_741] in [0] : vector<16xi32>, vector<16xi32> -> vector<16xi32>
    %lt3A_743 = arith.constant 0 : i32
    %lt3A_744 = vector.broadcast %lt3A_743 : i32 to vector<16xi32>
    %lt3A_745 = arith.cmpi slt, %add3A_14, %lt3A_744 : vector<16xi32>
    %add3A_746 = arith.constant 16 : i32
    %add3A_747 = vector.broadcast %add3A_746 : i32 to vector<16xi32>
    %add3A_748 = arith.addi %add3A_14, %add3A_747 : vector<16xi32>
    %select_n3A_749 = arith.select %lt3A_745, %add3A_748, %add3A_14 : vector<16xi1>, vector<16xi32>
    %broadcast_in_dim3A_750 = vector.shape_cast %select_n3A_749 : vector<16xi32> to vector<16x1xi32>
    %gather3A_751 = vector.shape_cast %broadcast_in_dim3A_750 : vector<16x1xi32> to vector<16xi32>
    %gather3A_752 = tpu.dynamic_gather %get3A_711[%gather3A_751] in [0] : vector<16xi32>, vector<16xi32> -> vector<16xi32>
    %select_n3A_753 = arith.select %lt3A_6, %gather3A_742, %gather3A_752 : vector<16xi1>, vector<16xi32>
    %mul3A_754 = arith.constant 1000 : i32
    %mul3A_755 = vector.broadcast %mul3A_754 : i32 to vector<16xi32>
    %mul3A_756 = arith.muli %select_n3A_732, %mul3A_755 : vector<16xi32>
    %add3A_757 = arith.addi %mul3A_756, %select_n3A_753 : vector<16xi32>
    %dma_start3A_758 = arith.constant 192 : i32
    %dma_start3A_759 = arith.constant 0 : i32
    %dma_start3A_760 = tpu.memref_slice %arg6[%dma_start3A_758, %dma_start3A_759] : memref<512x64xf32, #tpu.memory_space<vmem>> -> memref<16x64xf32, #tpu.memory_space<vmem>>
    %dma_start3A_761 = arith.constant 0 : i32
    %dma_start3A_762 = arith.constant 0 : i32
    %dma_start3A_763 = tpu.memref_slice %arg3[%dma_start3A_761, %dma_start3A_762] : memref<1000000x64xf32, #tpu.memory_space<hbm>> -> memref<1000000x64xf32, #tpu.memory_space<hbm>>
    tpu.enqueue_indirect_dma source(%dma_start3A_763 : memref<1000000x64xf32, #tpu.memory_space<hbm>>) target(%dma_start3A_760 : memref<16x64xf32, #tpu.memory_space<vmem>>) offsets(%add3A_757 : vector<16xi32>) semaphore(%arg7 : memref<!tpu.dma_semaphore, #tpu.memory_space<semaphore_mem>>)
    %get3A_764 = arith.constant 416 : index
    %get3A_765 = tpu.vector_load %arg5[%get3A_764] {strides = array<i32>} : memref<1024xi32, #tpu.memory_space<vmem>>, vector<16xi32>,
    %get3A_766 = vector.shape_cast %get3A_765 : vector<16xi32> to vector<16xi32>
    %get3A_767 = arith.constant 432 : index
    %get3A_768 = tpu.vector_load %arg5[%get3A_767] {strides = array<i32>} : memref<1024xi32, #tpu.memory_space<vmem>>, vector<16xi32>,
    %get3A_769 = vector.shape_cast %get3A_768 : vector<16xi32> to vector<16xi32>
    %lt3A_770 = arith.constant 0 : i32
    %lt3A_771 = vector.broadcast %lt3A_770 : i32 to vector<16xi32>
    %lt3A_772 = arith.cmpi slt, %mul3A_11, %lt3A_771 : vector<16xi32>
    %add3A_773 = arith.constant 16 : i32
    %add3A_774 = vector.broadcast %add3A_773 : i32 to vector<16xi32>
    %add3A_775 = arith.addi %mul3A_11, %add3A_774 : vector<16xi32>
    %select_n3A_776 = arith.select %lt3A_772, %add3A_775, %mul3A_11 : vector<16xi1>, vector<16xi32>
    %broadcast_in_dim3A_777 = vector.shape_cast %select_n3A_776 : vector<16xi32> to vector<16x1xi32>
    %gather3A_778 = vector.shape_cast %broadcast_in_dim3A_777 : vector<16x1xi32> to vector<16xi32>
    %gather3A_779 = tpu.dynamic_gather %get3A_766[%gather3A_778] in [0] : vector<16xi32>, vector<16xi32> -> vector<16xi32>
    %lt3A_780 = arith.constant 0 : i32
    %lt3A_781 = vector.broadcast %lt3A_780 : i32 to vector<16xi32>
    %lt3A_782 = arith.cmpi slt, %mul3A_11, %lt3A_781 : vector<16xi32>
    %add3A_783 = arith.constant 16 : i32
    %add3A_784 = vector.broadcast %add3A_783 : i32 to vector<16xi32>
    %add3A_785 = arith.addi %mul3A_11, %add3A_784 : vector<16xi32>
    %select_n3A_786 = arith.select %lt3A_782, %add3A_785, %mul3A_11 : vector<16xi1>, vector<16xi32>
    %broadcast_in_dim3A_787 = vector.shape_cast %select_n3A_786 : vector<16xi32> to vector<16x1xi32>
    %gather3A_788 = vector.shape_cast %broadcast_in_dim3A_787 : vector<16x1xi32> to vector<16xi32>
    %gather3A_789 = tpu.dynamic_gather %get3A_769[%gather3A_788] in [0] : vector<16xi32>, vector<16xi32> -> vector<16xi32>
    %select_n3A_790 = arith.select %lt3A_6, %gather3A_779, %gather3A_789 : vector<16xi1>, vector<16xi32>
    %lt3A_791 = arith.constant 0 : i32
    %lt3A_792 = vector.broadcast %lt3A_791 : i32 to vector<16xi32>
    %lt3A_793 = arith.cmpi slt, %add3A_14, %lt3A_792 : vector<16xi32>
    %add3A_794 = arith.constant 16 : i32
    %add3A_795 = vector.broadcast %add3A_794 : i32 to vector<16xi32>
    %add3A_796 = arith.addi %add3A_14, %add3A_795 : vector<16xi32>
    %select_n3A_797 = arith.select %lt3A_793, %add3A_796, %add3A_14 : vector<16xi1>, vector<16xi32>
    %broadcast_in_dim3A_798 = vector.shape_cast %select_n3A_797 : vector<16xi32> to vector<16x1xi32>
    %gather3A_799 = vector.shape_cast %broadcast_in_dim3A_798 : vector<16x1xi32> to vector<16xi32>
    %gather3A_800 = tpu.dynamic_gather %get3A_766[%gather3A_799] in [0] : vector<16xi32>, vector<16xi32> -> vector<16xi32>
    %lt3A_801 = arith.constant 0 : i32
    %lt3A_802 = vector.broadcast %lt3A_801 : i32 to vector<16xi32>
    %lt3A_803 = arith.cmpi slt, %add3A_14, %lt3A_802 : vector<16xi32>
    %add3A_804 = arith.constant 16 : i32
    %add3A_805 = vector.broadcast %add3A_804 : i32 to vector<16xi32>
    %add3A_806 = arith.addi %add3A_14, %add3A_805 : vector<16xi32>
    %select_n3A_807 = arith.select %lt3A_803, %add3A_806, %add3A_14 : vector<16xi1>, vector<16xi32>
    %broadcast_in_dim3A_808 = vector.shape_cast %select_n3A_807 : vector<16xi32> to vector<16x1xi32>
    %gather3A_809 = vector.shape_cast %broadcast_in_dim3A_808 : vector<16x1xi32> to vector<16xi32>
    %gather3A_810 = tpu.dynamic_gather %get3A_769[%gather3A_809] in [0] : vector<16xi32>, vector<16xi32> -> vector<16xi32>
    %select_n3A_811 = arith.select %lt3A_6, %gather3A_800, %gather3A_810 : vector<16xi1>, vector<16xi32>
    %mul3A_812 = arith.constant 1000 : i32
    %mul3A_813 = vector.broadcast %mul3A_812 : i32 to vector<16xi32>
    %mul3A_814 = arith.muli %select_n3A_790, %mul3A_813 : vector<16xi32>
    %add3A_815 = arith.addi %mul3A_814, %select_n3A_811 : vector<16xi32>
    %dma_start3A_816 = arith.constant 208 : i32
    %dma_start3A_817 = arith.constant 0 : i32
    %dma_start3A_818 = tpu.memref_slice %arg6[%dma_start3A_816, %dma_start3A_817] : memref<512x64xf32, #tpu.memory_space<vmem>> -> memref<16x64xf32, #tpu.memory_space<vmem>>
    %dma_start3A_819 = arith.constant 0 : i32
    %dma_start3A_820 = arith.constant 0 : i32
    %dma_start3A_821 = tpu.memref_slice %arg3[%dma_start3A_819, %dma_start3A_820] : memref<1000000x64xf32, #tpu.memory_space<hbm>> -> memref<1000000x64xf32, #tpu.memory_space<hbm>>
    tpu.enqueue_indirect_dma source(%dma_start3A_821 : memref<1000000x64xf32, #tpu.memory_space<hbm>>) target(%dma_start3A_818 : memref<16x64xf32, #tpu.memory_space<vmem>>) offsets(%add3A_815 : vector<16xi32>) semaphore(%arg7 : memref<!tpu.dma_semaphore, #tpu.memory_space<semaphore_mem>>)
    %get3A_822 = arith.constant 448 : index
    %get3A_823 = tpu.vector_load %arg5[%get3A_822] {strides = array<i32>} : memref<1024xi32, #tpu.memory_space<vmem>>, vector<16xi32>,
    %get3A_824 = vector.shape_cast %get3A_823 : vector<16xi32> to vector<16xi32>
    %get3A_825 = arith.constant 464 : index
    %get3A_826 = tpu.vector_load %arg5[%get3A_825] {strides = array<i32>} : memref<1024xi32, #tpu.memory_space<vmem>>, vector<16xi32>,
    %get3A_827 = vector.shape_cast %get3A_826 : vector<16xi32> to vector<16xi32>
    %lt3A_828 = arith.constant 0 : i32
    %lt3A_829 = vector.broadcast %lt3A_828 : i32 to vector<16xi32>
    %lt3A_830 = arith.cmpi slt, %mul3A_11, %lt3A_829 : vector<16xi32>
    %add3A_831 = arith.constant 16 : i32
    %add3A_832 = vector.broadcast %add3A_831 : i32 to vector<16xi32>
    %add3A_833 = arith.addi %mul3A_11, %add3A_832 : vector<16xi32>
    %select_n3A_834 = arith.select %lt3A_830, %add3A_833, %mul3A_11 : vector<16xi1>, vector<16xi32>
    %broadcast_in_dim3A_835 = vector.shape_cast %select_n3A_834 : vector<16xi32> to vector<16x1xi32>
    %gather3A_836 = vector.shape_cast %broadcast_in_dim3A_835 : vector<16x1xi32> to vector<16xi32>
    %gather3A_837 = tpu.dynamic_gather %get3A_824[%gather3A_836] in [0] : vector<16xi32>, vector<16xi32> -> vector<16xi32>
    %lt3A_838 = arith.constant 0 : i32
    %lt3A_839 = vector.broadcast %lt3A_838 : i32 to vector<16xi32>
    %lt3A_840 = arith.cmpi slt, %mul3A_11, %lt3A_839 : vector<16xi32>
    %add3A_841 = arith.constant 16 : i32
    %add3A_842 = vector.broadcast %add3A_841 : i32 to vector<16xi32>
    %add3A_843 = arith.addi %mul3A_11, %add3A_842 : vector<16xi32>
    %select_n3A_844 = arith.select %lt3A_840, %add3A_843, %mul3A_11 : vector<16xi1>, vector<16xi32>
    %broadcast_in_dim3A_845 = vector.shape_cast %select_n3A_844 : vector<16xi32> to vector<16x1xi32>
    %gather3A_846 = vector.shape_cast %broadcast_in_dim3A_845 : vector<16x1xi32> to vector<16xi32>
    %gather3A_847 = tpu.dynamic_gather %get3A_827[%gather3A_846] in [0] : vector<16xi32>, vector<16xi32> -> vector<16xi32>
    %select_n3A_848 = arith.select %lt3A_6, %gather3A_837, %gather3A_847 : vector<16xi1>, vector<16xi32>
    %lt3A_849 = arith.constant 0 : i32
    %lt3A_850 = vector.broadcast %lt3A_849 : i32 to vector<16xi32>
    %lt3A_851 = arith.cmpi slt, %add3A_14, %lt3A_850 : vector<16xi32>
    %add3A_852 = arith.constant 16 : i32
    %add3A_853 = vector.broadcast %add3A_852 : i32 to vector<16xi32>
    %add3A_854 = arith.addi %add3A_14, %add3A_853 : vector<16xi32>
    %select_n3A_855 = arith.select %lt3A_851, %add3A_854, %add3A_14 : vector<16xi1>, vector<16xi32>
    %broadcast_in_dim3A_856 = vector.shape_cast %select_n3A_855 : vector<16xi32> to vector<16x1xi32>
    %gather3A_857 = vector.shape_cast %broadcast_in_dim3A_856 : vector<16x1xi32> to vector<16xi32>
    %gather3A_858 = tpu.dynamic_gather %get3A_824[%gather3A_857] in [0] : vector<16xi32>, vector<16xi32> -> vector<16xi32>
    %lt3A_859 = arith.constant 0 : i32
    %lt3A_860 = vector.broadcast %lt3A_859 : i32 to vector<16xi32>
    %lt3A_861 = arith.cmpi slt, %add3A_14, %lt3A_860 : vector<16xi32>
    %add3A_862 = arith.constant 16 : i32
    %add3A_863 = vector.broadcast %add3A_862 : i32 to vector<16xi32>
    %add3A_864 = arith.addi %add3A_14, %add3A_863 : vector<16xi32>
    %select_n3A_865 = arith.select %lt3A_861, %add3A_864, %add3A_14 : vector<16xi1>, vector<16xi32>
    %broadcast_in_dim3A_866 = vector.shape_cast %select_n3A_865 : vector<16xi32> to vector<16x1xi32>
    %gather3A_867 = vector.shape_cast %broadcast_in_dim3A_866 : vector<16x1xi32> to vector<16xi32>
    %gather3A_868 = tpu.dynamic_gather %get3A_827[%gather3A_867] in [0] : vector<16xi32>, vector<16xi32> -> vector<16xi32>
    %select_n3A_869 = arith.select %lt3A_6, %gather3A_858, %gather3A_868 : vector<16xi1>, vector<16xi32>
    %mul3A_870 = arith.constant 1000 : i32
    %mul3A_871 = vector.broadcast %mul3A_870 : i32 to vector<16xi32>
    %mul3A_872 = arith.muli %select_n3A_848, %mul3A_871 : vector<16xi32>
    %add3A_873 = arith.addi %mul3A_872, %select_n3A_869 : vector<16xi32>
    %dma_start3A_874 = arith.constant 224 : i32
    %dma_start3A_875 = arith.constant 0 : i32
    %dma_start3A_876 = tpu.memref_slice %arg6[%dma_start3A_874, %dma_start3A_875] : memref<512x64xf32, #tpu.memory_space<vmem>> -> memref<16x64xf32, #tpu.memory_space<vmem>>
    %dma_start3A_877 = arith.constant 0 : i32
    %dma_start3A_878 = arith.constant 0 : i32
    %dma_start3A_879 = tpu.memref_slice %arg3[%dma_start3A_877, %dma_start3A_878] : memref<1000000x64xf32, #tpu.memory_space<hbm>> -> memref<1000000x64xf32, #tpu.memory_space<hbm>>
    tpu.enqueue_indirect_dma source(%dma_start3A_879 : memref<1000000x64xf32, #tpu.memory_space<hbm>>) target(%dma_start3A_876 : memref<16x64xf32, #tpu.memory_space<vmem>>) offsets(%add3A_873 : vector<16xi32>) semaphore(%arg7 : memref<!tpu.dma_semaphore, #tpu.memory_space<semaphore_mem>>)
    %get3A_880 = arith.constant 480 : index
    %get3A_881 = tpu.vector_load %arg5[%get3A_880] {strides = array<i32>} : memref<1024xi32, #tpu.memory_space<vmem>>, vector<16xi32>,
    %get3A_882 = vector.shape_cast %get3A_881 : vector<16xi32> to vector<16xi32>
    %get3A_883 = arith.constant 496 : index
    %get3A_884 = tpu.vector_load %arg5[%get3A_883] {strides = array<i32>} : memref<1024xi32, #tpu.memory_space<vmem>>, vector<16xi32>,
    %get3A_885 = vector.shape_cast %get3A_884 : vector<16xi32> to vector<16xi32>
    %lt3A_886 = arith.constant 0 : i32
    %lt3A_887 = vector.broadcast %lt3A_886 : i32 to vector<16xi32>
    %lt3A_888 = arith.cmpi slt, %mul3A_11, %lt3A_887 : vector<16xi32>
    %add3A_889 = arith.constant 16 : i32
    %add3A_890 = vector.broadcast %add3A_889 : i32 to vector<16xi32>
    %add3A_891 = arith.addi %mul3A_11, %add3A_890 : vector<16xi32>
    %select_n3A_892 = arith.select %lt3A_888, %add3A_891, %mul3A_11 : vector<16xi1>, vector<16xi32>
    %broadcast_in_dim3A_893 = vector.shape_cast %select_n3A_892 : vector<16xi32> to vector<16x1xi32>
    %gather3A_894 = vector.shape_cast %broadcast_in_dim3A_893 : vector<16x1xi32> to vector<16xi32>
    %gather3A_895 = tpu.dynamic_gather %get3A_882[%gather3A_894] in [0] : vector<16xi32>, vector<16xi32> -> vector<16xi32>
    %lt3A_896 = arith.constant 0 : i32
    %lt3A_897 = vector.broadcast %lt3A_896 : i32 to vector<16xi32>
    %lt3A_898 = arith.cmpi slt, %mul3A_11, %lt3A_897 : vector<16xi32>
    %add3A_899 = arith.constant 16 : i32
    %add3A_900 = vector.broadcast %add3A_899 : i32 to vector<16xi32>
    %add3A_901 = arith.addi %mul3A_11, %add3A_900 : vector<16xi32>
    %select_n3A_902 = arith.select %lt3A_898, %add3A_901, %mul3A_11 : vector<16xi1>, vector<16xi32>
    %broadcast_in_dim3A_903 = vector.shape_cast %select_n3A_902 : vector<16xi32> to vector<16x1xi32>
    %gather3A_904 = vector.shape_cast %broadcast_in_dim3A_903 : vector<16x1xi32> to vector<16xi32>
    %gather3A_905 = tpu.dynamic_gather %get3A_885[%gather3A_904] in [0] : vector<16xi32>, vector<16xi32> -> vector<16xi32>
    %select_n3A_906 = arith.select %lt3A_6, %gather3A_895, %gather3A_905 : vector<16xi1>, vector<16xi32>
    %lt3A_907 = arith.constant 0 : i32
    %lt3A_908 = vector.broadcast %lt3A_907 : i32 to vector<16xi32>
    %lt3A_909 = arith.cmpi slt, %add3A_14, %lt3A_908 : vector<16xi32>
    %add3A_910 = arith.constant 16 : i32
    %add3A_911 = vector.broadcast %add3A_910 : i32 to vector<16xi32>
    %add3A_912 = arith.addi %add3A_14, %add3A_911 : vector<16xi32>
    %select_n3A_913 = arith.select %lt3A_909, %add3A_912, %add3A_14 : vector<16xi1>, vector<16xi32>
    %broadcast_in_dim3A_914 = vector.shape_cast %select_n3A_913 : vector<16xi32> to vector<16x1xi32>
    %gather3A_915 = vector.shape_cast %broadcast_in_dim3A_914 : vector<16x1xi32> to vector<16xi32>
    %gather3A_916 = tpu.dynamic_gather %get3A_882[%gather3A_915] in [0] : vector<16xi32>, vector<16xi32> -> vector<16xi32>
    %lt3A_917 = arith.constant 0 : i32
    %lt3A_918 = vector.broadcast %lt3A_917 : i32 to vector<16xi32>
    %lt3A_919 = arith.cmpi slt, %add3A_14, %lt3A_918 : vector<16xi32>
    %add3A_920 = arith.constant 16 : i32
    %add3A_921 = vector.broadcast %add3A_920 : i32 to vector<16xi32>
    %add3A_922 = arith.addi %add3A_14, %add3A_921 : vector<16xi32>
    %select_n3A_923 = arith.select %lt3A_919, %add3A_922, %add3A_14 : vector<16xi1>, vector<16xi32>
    %broadcast_in_dim3A_924 = vector.shape_cast %select_n3A_923 : vector<16xi32> to vector<16x1xi32>
    %gather3A_925 = vector.shape_cast %broadcast_in_dim3A_924 : vector<16x1xi32> to vector<16xi32>
    %gather3A_926 = tpu.dynamic_gather %get3A_885[%gather3A_925] in [0] : vector<16xi32>, vector<16xi32> -> vector<16xi32>
    %select_n3A_927 = arith.select %lt3A_6, %gather3A_916, %gather3A_926 : vector<16xi1>, vector<16xi32>
    %mul3A_928 = arith.constant 1000 : i32
    %mul3A_929 = vector.broadcast %mul3A_928 : i32 to vector<16xi32>
    %mul3A_930 = arith.muli %select_n3A_906, %mul3A_929 : vector<16xi32>
    %add3A_931 = arith.addi %mul3A_930, %select_n3A_927 : vector<16xi32>
    %dma_start3A_932 = arith.constant 240 : i32
    %dma_start3A_933 = arith.constant 0 : i32
    %dma_start3A_934 = tpu.memref_slice %arg6[%dma_start3A_932, %dma_start3A_933] : memref<512x64xf32, #tpu.memory_space<vmem>> -> memref<16x64xf32, #tpu.memory_space<vmem>>
    %dma_start3A_935 = arith.constant 0 : i32
    %dma_start3A_936 = arith.constant 0 : i32
    %dma_start3A_937 = tpu.memref_slice %arg3[%dma_start3A_935, %dma_start3A_936] : memref<1000000x64xf32, #tpu.memory_space<hbm>> -> memref<1000000x64xf32, #tpu.memory_space<hbm>>
    tpu.enqueue_indirect_dma source(%dma_start3A_937 : memref<1000000x64xf32, #tpu.memory_space<hbm>>) target(%dma_start3A_934 : memref<16x64xf32, #tpu.memory_space<vmem>>) offsets(%add3A_931 : vector<16xi32>) semaphore(%arg7 : memref<!tpu.dma_semaphore, #tpu.memory_space<semaphore_mem>>)
    %get3A_938 = arith.constant 512 : index
    %get3A_939 = tpu.vector_load %arg5[%get3A_938] {strides = array<i32>} : memref<1024xi32, #tpu.memory_space<vmem>>, vector<16xi32>,
    %get3A_940 = vector.shape_cast %get3A_939 : vector<16xi32> to vector<16xi32>
    %get3A_941 = arith.constant 528 : index
    %get3A_942 = tpu.vector_load %arg5[%get3A_941] {strides = array<i32>} : memref<1024xi32, #tpu.memory_space<vmem>>, vector<16xi32>,
    %get3A_943 = vector.shape_cast %get3A_942 : vector<16xi32> to vector<16xi32>
    %lt3A_944 = arith.constant 0 : i32
    %lt3A_945 = vector.broadcast %lt3A_944 : i32 to vector<16xi32>
    %lt3A_946 = arith.cmpi slt, %mul3A_11, %lt3A_945 : vector<16xi32>
    %add3A_947 = arith.constant 16 : i32
    %add3A_948 = vector.broadcast %add3A_947 : i32 to vector<16xi32>
    %add3A_949 = arith.addi %mul3A_11, %add3A_948 : vector<16xi32>
    %select_n3A_950 = arith.select %lt3A_946, %add3A_949, %mul3A_11 : vector<16xi1>, vector<16xi32>
    %broadcast_in_dim3A_951 = vector.shape_cast %select_n3A_950 : vector<16xi32> to vector<16x1xi32>
    %gather3A_952 = vector.shape_cast %broadcast_in_dim3A_951 : vector<16x1xi32> to vector<16xi32>
    %gather3A_953 = tpu.dynamic_gather %get3A_940[%gather3A_952] in [0] : vector<16xi32>, vector<16xi32> -> vector<16xi32>
    %lt3A_954 = arith.constant 0 : i32
    %lt3A_955 = vector.broadcast %lt3A_954 : i32 to vector<16xi32>
    %lt3A_956 = arith.cmpi slt, %mul3A_11, %lt3A_955 : vector<16xi32>
    %add3A_957 = arith.constant 16 : i32
    %add3A_958 = vector.broadcast %add3A_957 : i32 to vector<16xi32>
    %add3A_959 = arith.addi %mul3A_11, %add3A_958 : vector<16xi32>
    %select_n3A_960 = arith.select %lt3A_956, %add3A_959, %mul3A_11 : vector<16xi1>, vector<16xi32>
    %broadcast_in_dim3A_961 = vector.shape_cast %select_n3A_960 : vector<16xi32> to vector<16x1xi32>
    %gather3A_962 = vector.shape_cast %broadcast_in_dim3A_961 : vector<16x1xi32> to vector<16xi32>
    %gather3A_963 = tpu.dynamic_gather %get3A_943[%gather3A_962] in [0] : vector<16xi32>, vector<16xi32> -> vector<16xi32>
    %select_n3A_964 = arith.select %lt3A_6, %gather3A_953, %gather3A_963 : vector<16xi1>, vector<16xi32>
    %lt3A_965 = arith.constant 0 : i32
    %lt3A_966 = vector.broadcast %lt3A_965 : i32 to vector<16xi32>
    %lt3A_967 = arith.cmpi slt, %add3A_14, %lt3A_966 : vector<16xi32>
    %add3A_968 = arith.constant 16 : i32
    %add3A_969 = vector.broadcast %add3A_968 : i32 to vector<16xi32>
    %add3A_970 = arith.addi %add3A_14, %add3A_969 : vector<16xi32>
    %select_n3A_971 = arith.select %lt3A_967, %add3A_970, %add3A_14 : vector<16xi1>, vector<16xi32>
    %broadcast_in_dim3A_972 = vector.shape_cast %select_n3A_971 : vector<16xi32> to vector<16x1xi32>
    %gather3A_973 = vector.shape_cast %broadcast_in_dim3A_972 : vector<16x1xi32> to vector<16xi32>
    %gather3A_974 = tpu.dynamic_gather %get3A_940[%gather3A_973] in [0] : vector<16xi32>, vector<16xi32> -> vector<16xi32>
    %lt3A_975 = arith.constant 0 : i32
    %lt3A_976 = vector.broadcast %lt3A_975 : i32 to vector<16xi32>
    %lt3A_977 = arith.cmpi slt, %add3A_14, %lt3A_976 : vector<16xi32>
    %add3A_978 = arith.constant 16 : i32
    %add3A_979 = vector.broadcast %add3A_978 : i32 to vector<16xi32>
    %add3A_980 = arith.addi %add3A_14, %add3A_979 : vector<16xi32>
    %select_n3A_981 = arith.select %lt3A_977, %add3A_980, %add3A_14 : vector<16xi1>, vector<16xi32>
    %broadcast_in_dim3A_982 = vector.shape_cast %select_n3A_981 : vector<16xi32> to vector<16x1xi32>
    %gather3A_983 = vector.shape_cast %broadcast_in_dim3A_982 : vector<16x1xi32> to vector<16xi32>
    %gather3A_984 = tpu.dynamic_gather %get3A_943[%gather3A_983] in [0] : vector<16xi32>, vector<16xi32> -> vector<16xi32>
    %select_n3A_985 = arith.select %lt3A_6, %gather3A_974, %gather3A_984 : vector<16xi1>, vector<16xi32>
    %mul3A_986 = arith.constant 1000 : i32
    %mul3A_987 = vector.broadcast %mul3A_986 : i32 to vector<16xi32>
    %mul3A_988 = arith.muli %select_n3A_964, %mul3A_987 : vector<16xi32>
    %add3A_989 = arith.addi %mul3A_988, %select_n3A_985 : vector<16xi32>
    %dma_start3A_990 = arith.constant 256 : i32
    %dma_start3A_991 = arith.constant 0 : i32
    %dma_start3A_992 = tpu.memref_slice %arg6[%dma_start3A_990, %dma_start3A_991] : memref<512x64xf32, #tpu.memory_space<vmem>> -> memref<16x64xf32, #tpu.memory_space<vmem>>
    %dma_start3A_993 = arith.constant 0 : i32
    %dma_start3A_994 = arith.constant 0 : i32
    %dma_start3A_995 = tpu.memref_slice %arg3[%dma_start3A_993, %dma_start3A_994] : memref<1000000x64xf32, #tpu.memory_space<hbm>> -> memref<1000000x64xf32, #tpu.memory_space<hbm>>
    tpu.enqueue_indirect_dma source(%dma_start3A_995 : memref<1000000x64xf32, #tpu.memory_space<hbm>>) target(%dma_start3A_992 : memref<16x64xf32, #tpu.memory_space<vmem>>) offsets(%add3A_989 : vector<16xi32>) semaphore(%arg7 : memref<!tpu.dma_semaphore, #tpu.memory_space<semaphore_mem>>)
    %get3A_996 = arith.constant 544 : index
    %get3A_997 = tpu.vector_load %arg5[%get3A_996] {strides = array<i32>} : memref<1024xi32, #tpu.memory_space<vmem>>, vector<16xi32>,
    %get3A_998 = vector.shape_cast %get3A_997 : vector<16xi32> to vector<16xi32>
    %get3A_999 = arith.constant 560 : index
    %get3A_1000 = tpu.vector_load %arg5[%get3A_999] {strides = array<i32>} : memref<1024xi32, #tpu.memory_space<vmem>>, vector<16xi32>,
    %get3A_1001 = vector.shape_cast %get3A_1000 : vector<16xi32> to vector<16xi32>
    %lt3A_1002 = arith.constant 0 : i32
    %lt3A_1003 = vector.broadcast %lt3A_1002 : i32 to vector<16xi32>
    %lt3A_1004 = arith.cmpi slt, %mul3A_11, %lt3A_1003 : vector<16xi32>
    %add3A_1005 = arith.constant 16 : i32
    %add3A_1006 = vector.broadcast %add3A_1005 : i32 to vector<16xi32>
    %add3A_1007 = arith.addi %mul3A_11, %add3A_1006 : vector<16xi32>
    %select_n3A_1008 = arith.select %lt3A_1004, %add3A_1007, %mul3A_11 : vector<16xi1>, vector<16xi32>
    %broadcast_in_dim3A_1009 = vector.shape_cast %select_n3A_1008 : vector<16xi32> to vector<16x1xi32>
    %gather3A_1010 = vector.shape_cast %broadcast_in_dim3A_1009 : vector<16x1xi32> to vector<16xi32>
    %gather3A_1011 = tpu.dynamic_gather %get3A_998[%gather3A_1010] in [0] : vector<16xi32>, vector<16xi32> -> vector<16xi32>
    %lt3A_1012 = arith.constant 0 : i32
    %lt3A_1013 = vector.broadcast %lt3A_1012 : i32 to vector<16xi32>
    %lt3A_1014 = arith.cmpi slt, %mul3A_11, %lt3A_1013 : vector<16xi32>
    %add3A_1015 = arith.constant 16 : i32
    %add3A_1016 = vector.broadcast %add3A_1015 : i32 to vector<16xi32>
    %add3A_1017 = arith.addi %mul3A_11, %add3A_1016 : vector<16xi32>
    %select_n3A_1018 = arith.select %lt3A_1014, %add3A_1017, %mul3A_11 : vector<16xi1>, vector<16xi32>
    %broadcast_in_dim3A_1019 = vector.shape_cast %select_n3A_1018 : vector<16xi32> to vector<16x1xi32>
    %gather3A_1020 = vector.shape_cast %broadcast_in_dim3A_1019 : vector<16x1xi32> to vector<16xi32>
    %gather3A_1021 = tpu.dynamic_gather %get3A_1001[%gather3A_1020] in [0] : vector<16xi32>, vector<16xi32> -> vector<16xi32>
    %select_n3A_1022 = arith.select %lt3A_6, %gather3A_1011, %gather3A_1021 : vector<16xi1>, vector<16xi32>
    %lt3A_1023 = arith.constant 0 : i32
    %lt3A_1024 = vector.broadcast %lt3A_1023 : i32 to vector<16xi32>
    %lt3A_1025 = arith.cmpi slt, %add3A_14, %lt3A_1024 : vector<16xi32>
    %add3A_1026 = arith.constant 16 : i32
    %add3A_1027 = vector.broadcast %add3A_1026 : i32 to vector<16xi32>
    %add3A_1028 = arith.addi %add3A_14, %add3A_1027 : vector<16xi32>
    %select_n3A_1029 = arith.select %lt3A_1025, %add3A_1028, %add3A_14 : vector<16xi1>, vector<16xi32>
    %broadcast_in_dim3A_1030 = vector.shape_cast %select_n3A_1029 : vector<16xi32> to vector<16x1xi32>
    %gather3A_1031 = vector.shape_cast %broadcast_in_dim3A_1030 : vector<16x1xi32> to vector<16xi32>
    %gather3A_1032 = tpu.dynamic_gather %get3A_998[%gather3A_1031] in [0] : vector<16xi32>, vector<16xi32> -> vector<16xi32>
    %lt3A_1033 = arith.constant 0 : i32
    %lt3A_1034 = vector.broadcast %lt3A_1033 : i32 to vector<16xi32>
    %lt3A_1035 = arith.cmpi slt, %add3A_14, %lt3A_1034 : vector<16xi32>
    %add3A_1036 = arith.constant 16 : i32
    %add3A_1037 = vector.broadcast %add3A_1036 : i32 to vector<16xi32>
    %add3A_1038 = arith.addi %add3A_14, %add3A_1037 : vector<16xi32>
    %select_n3A_1039 = arith.select %lt3A_1035, %add3A_1038, %add3A_14 : vector<16xi1>, vector<16xi32>
    %broadcast_in_dim3A_1040 = vector.shape_cast %select_n3A_1039 : vector<16xi32> to vector<16x1xi32>
    %gather3A_1041 = vector.shape_cast %broadcast_in_dim3A_1040 : vector<16x1xi32> to vector<16xi32>
    %gather3A_1042 = tpu.dynamic_gather %get3A_1001[%gather3A_1041] in [0] : vector<16xi32>, vector<16xi32> -> vector<16xi32>
    %select_n3A_1043 = arith.select %lt3A_6, %gather3A_1032, %gather3A_1042 : vector<16xi1>, vector<16xi32>
    %mul3A_1044 = arith.constant 1000 : i32
    %mul3A_1045 = vector.broadcast %mul3A_1044 : i32 to vector<16xi32>
    %mul3A_1046 = arith.muli %select_n3A_1022, %mul3A_1045 : vector<16xi32>
    %add3A_1047 = arith.addi %mul3A_1046, %select_n3A_1043 : vector<16xi32>
    %dma_start3A_1048 = arith.constant 272 : i32
    %dma_start3A_1049 = arith.constant 0 : i32
    %dma_start3A_1050 = tpu.memref_slice %arg6[%dma_start3A_1048, %dma_start3A_1049] : memref<512x64xf32, #tpu.memory_space<vmem>> -> memref<16x64xf32, #tpu.memory_space<vmem>>
    %dma_start3A_1051 = arith.constant 0 : i32
    %dma_start3A_1052 = arith.constant 0 : i32
    %dma_start3A_1053 = tpu.memref_slice %arg3[%dma_start3A_1051, %dma_start3A_1052] : memref<1000000x64xf32, #tpu.memory_space<hbm>> -> memref<1000000x64xf32, #tpu.memory_space<hbm>>
    tpu.enqueue_indirect_dma source(%dma_start3A_1053 : memref<1000000x64xf32, #tpu.memory_space<hbm>>) target(%dma_start3A_1050 : memref<16x64xf32, #tpu.memory_space<vmem>>) offsets(%add3A_1047 : vector<16xi32>) semaphore(%arg7 : memref<!tpu.dma_semaphore, #tpu.memory_space<semaphore_mem>>)
    %get3A_1054 = arith.constant 576 : index
    %get3A_1055 = tpu.vector_load %arg5[%get3A_1054] {strides = array<i32>} : memref<1024xi32, #tpu.memory_space<vmem>>, vector<16xi32>,
    %get3A_1056 = vector.shape_cast %get3A_1055 : vector<16xi32> to vector<16xi32>
    %get3A_1057 = arith.constant 592 : index
    %get3A_1058 = tpu.vector_load %arg5[%get3A_1057] {strides = array<i32>} : memref<1024xi32, #tpu.memory_space<vmem>>, vector<16xi32>,
    %get3A_1059 = vector.shape_cast %get3A_1058 : vector<16xi32> to vector<16xi32>
    %lt3A_1060 = arith.constant 0 : i32
    %lt3A_1061 = vector.broadcast %lt3A_1060 : i32 to vector<16xi32>
    %lt3A_1062 = arith.cmpi slt, %mul3A_11, %lt3A_1061 : vector<16xi32>
    %add3A_1063 = arith.constant 16 : i32
    %add3A_1064 = vector.broadcast %add3A_1063 : i32 to vector<16xi32>
    %add3A_1065 = arith.addi %mul3A_11, %add3A_1064 : vector<16xi32>
    %select_n3A_1066 = arith.select %lt3A_1062, %add3A_1065, %mul3A_11 : vector<16xi1>, vector<16xi32>
    %broadcast_in_dim3A_1067 = vector.shape_cast %select_n3A_1066 : vector<16xi32> to vector<16x1xi32>
    %gather3A_1068 = vector.shape_cast %broadcast_in_dim3A_1067 : vector<16x1xi32> to vector<16xi32>
    %gather3A_1069 = tpu.dynamic_gather %get3A_1056[%gather3A_1068] in [0] : vector<16xi32>, vector<16xi32> -> vector<16xi32>
    %lt3A_1070 = arith.constant 0 : i32
    %lt3A_1071 = vector.broadcast %lt3A_1070 : i32 to vector<16xi32>
    %lt3A_1072 = arith.cmpi slt, %mul3A_11, %lt3A_1071 : vector<16xi32>
    %add3A_1073 = arith.constant 16 : i32
    %add3A_1074 = vector.broadcast %add3A_1073 : i32 to vector<16xi32>
    %add3A_1075 = arith.addi %mul3A_11, %add3A_1074 : vector<16xi32>
    %select_n3A_1076 = arith.select %lt3A_1072, %add3A_1075, %mul3A_11 : vector<16xi1>, vector<16xi32>
    %broadcast_in_dim3A_1077 = vector.shape_cast %select_n3A_1076 : vector<16xi32> to vector<16x1xi32>
    %gather3A_1078 = vector.shape_cast %broadcast_in_dim3A_1077 : vector<16x1xi32> to vector<16xi32>
    %gather3A_1079 = tpu.dynamic_gather %get3A_1059[%gather3A_1078] in [0] : vector<16xi32>, vector<16xi32> -> vector<16xi32>
    %select_n3A_1080 = arith.select %lt3A_6, %gather3A_1069, %gather3A_1079 : vector<16xi1>, vector<16xi32>
    %lt3A_1081 = arith.constant 0 : i32
    %lt3A_1082 = vector.broadcast %lt3A_1081 : i32 to vector<16xi32>
    %lt3A_1083 = arith.cmpi slt, %add3A_14, %lt3A_1082 : vector<16xi32>
    %add3A_1084 = arith.constant 16 : i32
    %add3A_1085 = vector.broadcast %add3A_1084 : i32 to vector<16xi32>
    %add3A_1086 = arith.addi %add3A_14, %add3A_1085 : vector<16xi32>
    %select_n3A_1087 = arith.select %lt3A_1083, %add3A_1086, %add3A_14 : vector<16xi1>, vector<16xi32>
    %broadcast_in_dim3A_1088 = vector.shape_cast %select_n3A_1087 : vector<16xi32> to vector<16x1xi32>
    %gather3A_1089 = vector.shape_cast %broadcast_in_dim3A_1088 : vector<16x1xi32> to vector<16xi32>
    %gather3A_1090 = tpu.dynamic_gather %get3A_1056[%gather3A_1089] in [0] : vector<16xi32>, vector<16xi32> -> vector<16xi32>
    %lt3A_1091 = arith.constant 0 : i32
    %lt3A_1092 = vector.broadcast %lt3A_1091 : i32 to vector<16xi32>
    %lt3A_1093 = arith.cmpi slt, %add3A_14, %lt3A_1092 : vector<16xi32>
    %add3A_1094 = arith.constant 16 : i32
    %add3A_1095 = vector.broadcast %add3A_1094 : i32 to vector<16xi32>
    %add3A_1096 = arith.addi %add3A_14, %add3A_1095 : vector<16xi32>
    %select_n3A_1097 = arith.select %lt3A_1093, %add3A_1096, %add3A_14 : vector<16xi1>, vector<16xi32>
    %broadcast_in_dim3A_1098 = vector.shape_cast %select_n3A_1097 : vector<16xi32> to vector<16x1xi32>
    %gather3A_1099 = vector.shape_cast %broadcast_in_dim3A_1098 : vector<16x1xi32> to vector<16xi32>
    %gather3A_1100 = tpu.dynamic_gather %get3A_1059[%gather3A_1099] in [0] : vector<16xi32>, vector<16xi32> -> vector<16xi32>
    %select_n3A_1101 = arith.select %lt3A_6, %gather3A_1090, %gather3A_1100 : vector<16xi1>, vector<16xi32>
    %mul3A_1102 = arith.constant 1000 : i32
    %mul3A_1103 = vector.broadcast %mul3A_1102 : i32 to vector<16xi32>
    %mul3A_1104 = arith.muli %select_n3A_1080, %mul3A_1103 : vector<16xi32>
    %add3A_1105 = arith.addi %mul3A_1104, %select_n3A_1101 : vector<16xi32>
    %dma_start3A_1106 = arith.constant 288 : i32
    %dma_start3A_1107 = arith.constant 0 : i32
    %dma_start3A_1108 = tpu.memref_slice %arg6[%dma_start3A_1106, %dma_start3A_1107] : memref<512x64xf32, #tpu.memory_space<vmem>> -> memref<16x64xf32, #tpu.memory_space<vmem>>
    %dma_start3A_1109 = arith.constant 0 : i32
    %dma_start3A_1110 = arith.constant 0 : i32
    %dma_start3A_1111 = tpu.memref_slice %arg3[%dma_start3A_1109, %dma_start3A_1110] : memref<1000000x64xf32, #tpu.memory_space<hbm>> -> memref<1000000x64xf32, #tpu.memory_space<hbm>>
    tpu.enqueue_indirect_dma source(%dma_start3A_1111 : memref<1000000x64xf32, #tpu.memory_space<hbm>>) target(%dma_start3A_1108 : memref<16x64xf32, #tpu.memory_space<vmem>>) offsets(%add3A_1105 : vector<16xi32>) semaphore(%arg7 : memref<!tpu.dma_semaphore, #tpu.memory_space<semaphore_mem>>)
    %get3A_1112 = arith.constant 608 : index
    %get3A_1113 = tpu.vector_load %arg5[%get3A_1112] {strides = array<i32>} : memref<1024xi32, #tpu.memory_space<vmem>>, vector<16xi32>,
    %get3A_1114 = vector.shape_cast %get3A_1113 : vector<16xi32> to vector<16xi32>
    %get3A_1115 = arith.constant 624 : index
    %get3A_1116 = tpu.vector_load %arg5[%get3A_1115] {strides = array<i32>} : memref<1024xi32, #tpu.memory_space<vmem>>, vector<16xi32>,
    %get3A_1117 = vector.shape_cast %get3A_1116 : vector<16xi32> to vector<16xi32>
    %lt3A_1118 = arith.constant 0 : i32
    %lt3A_1119 = vector.broadcast %lt3A_1118 : i32 to vector<16xi32>
    %lt3A_1120 = arith.cmpi slt, %mul3A_11, %lt3A_1119 : vector<16xi32>
    %add3A_1121 = arith.constant 16 : i32
    %add3A_1122 = vector.broadcast %add3A_1121 : i32 to vector<16xi32>
    %add3A_1123 = arith.addi %mul3A_11, %add3A_1122 : vector<16xi32>
    %select_n3A_1124 = arith.select %lt3A_1120, %add3A_1123, %mul3A_11 : vector<16xi1>, vector<16xi32>
    %broadcast_in_dim3A_1125 = vector.shape_cast %select_n3A_1124 : vector<16xi32> to vector<16x1xi32>
    %gather3A_1126 = vector.shape_cast %broadcast_in_dim3A_1125 : vector<16x1xi32> to vector<16xi32>
    %gather3A_1127 = tpu.dynamic_gather %get3A_1114[%gather3A_1126] in [0] : vector<16xi32>, vector<16xi32> -> vector<16xi32>
    %lt3A_1128 = arith.constant 0 : i32
    %lt3A_1129 = vector.broadcast %lt3A_1128 : i32 to vector<16xi32>
    %lt3A_1130 = arith.cmpi slt, %mul3A_11, %lt3A_1129 : vector<16xi32>
    %add3A_1131 = arith.constant 16 : i32
    %add3A_1132 = vector.broadcast %add3A_1131 : i32 to vector<16xi32>
    %add3A_1133 = arith.addi %mul3A_11, %add3A_1132 : vector<16xi32>
    %select_n3A_1134 = arith.select %lt3A_1130, %add3A_1133, %mul3A_11 : vector<16xi1>, vector<16xi32>
    %broadcast_in_dim3A_1135 = vector.shape_cast %select_n3A_1134 : vector<16xi32> to vector<16x1xi32>
    %gather3A_1136 = vector.shape_cast %broadcast_in_dim3A_1135 : vector<16x1xi32> to vector<16xi32>
    %gather3A_1137 = tpu.dynamic_gather %get3A_1117[%gather3A_1136] in [0] : vector<16xi32>, vector<16xi32> -> vector<16xi32>
    %select_n3A_1138 = arith.select %lt3A_6, %gather3A_1127, %gather3A_1137 : vector<16xi1>, vector<16xi32>
    %lt3A_1139 = arith.constant 0 : i32
    %lt3A_1140 = vector.broadcast %lt3A_1139 : i32 to vector<16xi32>
    %lt3A_1141 = arith.cmpi slt, %add3A_14, %lt3A_1140 : vector<16xi32>
    %add3A_1142 = arith.constant 16 : i32
    %add3A_1143 = vector.broadcast %add3A_1142 : i32 to vector<16xi32>
    %add3A_1144 = arith.addi %add3A_14, %add3A_1143 : vector<16xi32>
    %select_n3A_1145 = arith.select %lt3A_1141, %add3A_1144, %add3A_14 : vector<16xi1>, vector<16xi32>
    %broadcast_in_dim3A_1146 = vector.shape_cast %select_n3A_1145 : vector<16xi32> to vector<16x1xi32>
    %gather3A_1147 = vector.shape_cast %broadcast_in_dim3A_1146 : vector<16x1xi32> to vector<16xi32>
    %gather3A_1148 = tpu.dynamic_gather %get3A_1114[%gather3A_1147] in [0] : vector<16xi32>, vector<16xi32> -> vector<16xi32>
    %lt3A_1149 = arith.constant 0 : i32
    %lt3A_1150 = vector.broadcast %lt3A_1149 : i32 to vector<16xi32>
    %lt3A_1151 = arith.cmpi slt, %add3A_14, %lt3A_1150 : vector<16xi32>
    %add3A_1152 = arith.constant 16 : i32
    %add3A_1153 = vector.broadcast %add3A_1152 : i32 to vector<16xi32>
    %add3A_1154 = arith.addi %add3A_14, %add3A_1153 : vector<16xi32>
    %select_n3A_1155 = arith.select %lt3A_1151, %add3A_1154, %add3A_14 : vector<16xi1>, vector<16xi32>
    %broadcast_in_dim3A_1156 = vector.shape_cast %select_n3A_1155 : vector<16xi32> to vector<16x1xi32>
    %gather3A_1157 = vector.shape_cast %broadcast_in_dim3A_1156 : vector<16x1xi32> to vector<16xi32>
    %gather3A_1158 = tpu.dynamic_gather %get3A_1117[%gather3A_1157] in [0] : vector<16xi32>, vector<16xi32> -> vector<16xi32>
    %select_n3A_1159 = arith.select %lt3A_6, %gather3A_1148, %gather3A_1158 : vector<16xi1>, vector<16xi32>
    %mul3A_1160 = arith.constant 1000 : i32
    %mul3A_1161 = vector.broadcast %mul3A_1160 : i32 to vector<16xi32>
    %mul3A_1162 = arith.muli %select_n3A_1138, %mul3A_1161 : vector<16xi32>
    %add3A_1163 = arith.addi %mul3A_1162, %select_n3A_1159 : vector<16xi32>
    %dma_start3A_1164 = arith.constant 304 : i32
    %dma_start3A_1165 = arith.constant 0 : i32
    %dma_start3A_1166 = tpu.memref_slice %arg6[%dma_start3A_1164, %dma_start3A_1165] : memref<512x64xf32, #tpu.memory_space<vmem>> -> memref<16x64xf32, #tpu.memory_space<vmem>>
    %dma_start3A_1167 = arith.constant 0 : i32
    %dma_start3A_1168 = arith.constant 0 : i32
    %dma_start3A_1169 = tpu.memref_slice %arg3[%dma_start3A_1167, %dma_start3A_1168] : memref<1000000x64xf32, #tpu.memory_space<hbm>> -> memref<1000000x64xf32, #tpu.memory_space<hbm>>
    tpu.enqueue_indirect_dma source(%dma_start3A_1169 : memref<1000000x64xf32, #tpu.memory_space<hbm>>) target(%dma_start3A_1166 : memref<16x64xf32, #tpu.memory_space<vmem>>) offsets(%add3A_1163 : vector<16xi32>) semaphore(%arg7 : memref<!tpu.dma_semaphore, #tpu.memory_space<semaphore_mem>>)
    %get3A_1170 = arith.constant 640 : index
    %get3A_1171 = tpu.vector_load %arg5[%get3A_1170] {strides = array<i32>} : memref<1024xi32, #tpu.memory_space<vmem>>, vector<16xi32>,
    %get3A_1172 = vector.shape_cast %get3A_1171 : vector<16xi32> to vector<16xi32>
    %get3A_1173 = arith.constant 656 : index
    %get3A_1174 = tpu.vector_load %arg5[%get3A_1173] {strides = array<i32>} : memref<1024xi32, #tpu.memory_space<vmem>>, vector<16xi32>,
    %get3A_1175 = vector.shape_cast %get3A_1174 : vector<16xi32> to vector<16xi32>
    %lt3A_1176 = arith.constant 0 : i32
    %lt3A_1177 = vector.broadcast %lt3A_1176 : i32 to vector<16xi32>
    %lt3A_1178 = arith.cmpi slt, %mul3A_11, %lt3A_1177 : vector<16xi32>
    %add3A_1179 = arith.constant 16 : i32
    %add3A_1180 = vector.broadcast %add3A_1179 : i32 to vector<16xi32>
    %add3A_1181 = arith.addi %mul3A_11, %add3A_1180 : vector<16xi32>
    %select_n3A_1182 = arith.select %lt3A_1178, %add3A_1181, %mul3A_11 : vector<16xi1>, vector<16xi32>
    %broadcast_in_dim3A_1183 = vector.shape_cast %select_n3A_1182 : vector<16xi32> to vector<16x1xi32>
    %gather3A_1184 = vector.shape_cast %broadcast_in_dim3A_1183 : vector<16x1xi32> to vector<16xi32>
    %gather3A_1185 = tpu.dynamic_gather %get3A_1172[%gather3A_1184] in [0] : vector<16xi32>, vector<16xi32> -> vector<16xi32>
    %lt3A_1186 = arith.constant 0 : i32
    %lt3A_1187 = vector.broadcast %lt3A_1186 : i32 to vector<16xi32>
    %lt3A_1188 = arith.cmpi slt, %mul3A_11, %lt3A_1187 : vector<16xi32>
    %add3A_1189 = arith.constant 16 : i32
    %add3A_1190 = vector.broadcast %add3A_1189 : i32 to vector<16xi32>
    %add3A_1191 = arith.addi %mul3A_11, %add3A_1190 : vector<16xi32>
    %select_n3A_1192 = arith.select %lt3A_1188, %add3A_1191, %mul3A_11 : vector<16xi1>, vector<16xi32>
    %broadcast_in_dim3A_1193 = vector.shape_cast %select_n3A_1192 : vector<16xi32> to vector<16x1xi32>
    %gather3A_1194 = vector.shape_cast %broadcast_in_dim3A_1193 : vector<16x1xi32> to vector<16xi32>
    %gather3A_1195 = tpu.dynamic_gather %get3A_1175[%gather3A_1194] in [0] : vector<16xi32>, vector<16xi32> -> vector<16xi32>
    %select_n3A_1196 = arith.select %lt3A_6, %gather3A_1185, %gather3A_1195 : vector<16xi1>, vector<16xi32>
    %lt3A_1197 = arith.constant 0 : i32
    %lt3A_1198 = vector.broadcast %lt3A_1197 : i32 to vector<16xi32>
    %lt3A_1199 = arith.cmpi slt, %add3A_14, %lt3A_1198 : vector<16xi32>
    %add3A_1200 = arith.constant 16 : i32
    %add3A_1201 = vector.broadcast %add3A_1200 : i32 to vector<16xi32>
    %add3A_1202 = arith.addi %add3A_14, %add3A_1201 : vector<16xi32>
    %select_n3A_1203 = arith.select %lt3A_1199, %add3A_1202, %add3A_14 : vector<16xi1>, vector<16xi32>
    %broadcast_in_dim3A_1204 = vector.shape_cast %select_n3A_1203 : vector<16xi32> to vector<16x1xi32>
    %gather3A_1205 = vector.shape_cast %broadcast_in_dim3A_1204 : vector<16x1xi32> to vector<16xi32>
    %gather3A_1206 = tpu.dynamic_gather %get3A_1172[%gather3A_1205] in [0] : vector<16xi32>, vector<16xi32> -> vector<16xi32>
    %lt3A_1207 = arith.constant 0 : i32
    %lt3A_1208 = vector.broadcast %lt3A_1207 : i32 to vector<16xi32>
    %lt3A_1209 = arith.cmpi slt, %add3A_14, %lt3A_1208 : vector<16xi32>
    %add3A_1210 = arith.constant 16 : i32
    %add3A_1211 = vector.broadcast %add3A_1210 : i32 to vector<16xi32>
    %add3A_1212 = arith.addi %add3A_14, %add3A_1211 : vector<16xi32>
    %select_n3A_1213 = arith.select %lt3A_1209, %add3A_1212, %add3A_14 : vector<16xi1>, vector<16xi32>
    %broadcast_in_dim3A_1214 = vector.shape_cast %select_n3A_1213 : vector<16xi32> to vector<16x1xi32>
    %gather3A_1215 = vector.shape_cast %broadcast_in_dim3A_1214 : vector<16x1xi32> to vector<16xi32>
    %gather3A_1216 = tpu.dynamic_gather %get3A_1175[%gather3A_1215] in [0] : vector<16xi32>, vector<16xi32> -> vector<16xi32>
    %select_n3A_1217 = arith.select %lt3A_6, %gather3A_1206, %gather3A_1216 : vector<16xi1>, vector<16xi32>
    %mul3A_1218 = arith.constant 1000 : i32
    %mul3A_1219 = vector.broadcast %mul3A_1218 : i32 to vector<16xi32>
    %mul3A_1220 = arith.muli %select_n3A_1196, %mul3A_1219 : vector<16xi32>
    %add3A_1221 = arith.addi %mul3A_1220, %select_n3A_1217 : vector<16xi32>
    %dma_start3A_1222 = arith.constant 320 : i32
    %dma_start3A_1223 = arith.constant 0 : i32
    %dma_start3A_1224 = tpu.memref_slice %arg6[%dma_start3A_1222, %dma_start3A_1223] : memref<512x64xf32, #tpu.memory_space<vmem>> -> memref<16x64xf32, #tpu.memory_space<vmem>>
    %dma_start3A_1225 = arith.constant 0 : i32
    %dma_start3A_1226 = arith.constant 0 : i32
    %dma_start3A_1227 = tpu.memref_slice %arg3[%dma_start3A_1225, %dma_start3A_1226] : memref<1000000x64xf32, #tpu.memory_space<hbm>> -> memref<1000000x64xf32, #tpu.memory_space<hbm>>
    tpu.enqueue_indirect_dma source(%dma_start3A_1227 : memref<1000000x64xf32, #tpu.memory_space<hbm>>) target(%dma_start3A_1224 : memref<16x64xf32, #tpu.memory_space<vmem>>) offsets(%add3A_1221 : vector<16xi32>) semaphore(%arg7 : memref<!tpu.dma_semaphore, #tpu.memory_space<semaphore_mem>>)
    %get3A_1228 = arith.constant 672 : index
    %get3A_1229 = tpu.vector_load %arg5[%get3A_1228] {strides = array<i32>} : memref<1024xi32, #tpu.memory_space<vmem>>, vector<16xi32>,
    %get3A_1230 = vector.shape_cast %get3A_1229 : vector<16xi32> to vector<16xi32>
    %get3A_1231 = arith.constant 688 : index
    %get3A_1232 = tpu.vector_load %arg5[%get3A_1231] {strides = array<i32>} : memref<1024xi32, #tpu.memory_space<vmem>>, vector<16xi32>,
    %get3A_1233 = vector.shape_cast %get3A_1232 : vector<16xi32> to vector<16xi32>
    %lt3A_1234 = arith.constant 0 : i32
    %lt3A_1235 = vector.broadcast %lt3A_1234 : i32 to vector<16xi32>
    %lt3A_1236 = arith.cmpi slt, %mul3A_11, %lt3A_1235 : vector<16xi32>
    %add3A_1237 = arith.constant 16 : i32
    %add3A_1238 = vector.broadcast %add3A_1237 : i32 to vector<16xi32>
    %add3A_1239 = arith.addi %mul3A_11, %add3A_1238 : vector<16xi32>
    %select_n3A_1240 = arith.select %lt3A_1236, %add3A_1239, %mul3A_11 : vector<16xi1>, vector<16xi32>
    %broadcast_in_dim3A_1241 = vector.shape_cast %select_n3A_1240 : vector<16xi32> to vector<16x1xi32>
    %gather3A_1242 = vector.shape_cast %broadcast_in_dim3A_1241 : vector<16x1xi32> to vector<16xi32>
    %gather3A_1243 = tpu.dynamic_gather %get3A_1230[%gather3A_1242] in [0] : vector<16xi32>, vector<16xi32> -> vector<16xi32>
    %lt3A_1244 = arith.constant 0 : i32
    %lt3A_1245 = vector.broadcast %lt3A_1244 : i32 to vector<16xi32>
    %lt3A_1246 = arith.cmpi slt, %mul3A_11, %lt3A_1245 : vector<16xi32>
    %add3A_1247 = arith.constant 16 : i32
    %add3A_1248 = vector.broadcast %add3A_1247 : i32 to vector<16xi32>
    %add3A_1249 = arith.addi %mul3A_11, %add3A_1248 : vector<16xi32>
    %select_n3A_1250 = arith.select %lt3A_1246, %add3A_1249, %mul3A_11 : vector<16xi1>, vector<16xi32>
    %broadcast_in_dim3A_1251 = vector.shape_cast %select_n3A_1250 : vector<16xi32> to vector<16x1xi32>
    %gather3A_1252 = vector.shape_cast %broadcast_in_dim3A_1251 : vector<16x1xi32> to vector<16xi32>
    %gather3A_1253 = tpu.dynamic_gather %get3A_1233[%gather3A_1252] in [0] : vector<16xi32>, vector<16xi32> -> vector<16xi32>
    %select_n3A_1254 = arith.select %lt3A_6, %gather3A_1243, %gather3A_1253 : vector<16xi1>, vector<16xi32>
    %lt3A_1255 = arith.constant 0 : i32
    %lt3A_1256 = vector.broadcast %lt3A_1255 : i32 to vector<16xi32>
    %lt3A_1257 = arith.cmpi slt, %add3A_14, %lt3A_1256 : vector<16xi32>
    %add3A_1258 = arith.constant 16 : i32
    %add3A_1259 = vector.broadcast %add3A_1258 : i32 to vector<16xi32>
    %add3A_1260 = arith.addi %add3A_14, %add3A_1259 : vector<16xi32>
    %select_n3A_1261 = arith.select %lt3A_1257, %add3A_1260, %add3A_14 : vector<16xi1>, vector<16xi32>
    %broadcast_in_dim3A_1262 = vector.shape_cast %select_n3A_1261 : vector<16xi32> to vector<16x1xi32>
    %gather3A_1263 = vector.shape_cast %broadcast_in_dim3A_1262 : vector<16x1xi32> to vector<16xi32>
    %gather3A_1264 = tpu.dynamic_gather %get3A_1230[%gather3A_1263] in [0] : vector<16xi32>, vector<16xi32> -> vector<16xi32>
    %lt3A_1265 = arith.constant 0 : i32
    %lt3A_1266 = vector.broadcast %lt3A_1265 : i32 to vector<16xi32>
    %lt3A_1267 = arith.cmpi slt, %add3A_14, %lt3A_1266 : vector<16xi32>
    %add3A_1268 = arith.constant 16 : i32
    %add3A_1269 = vector.broadcast %add3A_1268 : i32 to vector<16xi32>
    %add3A_1270 = arith.addi %add3A_14, %add3A_1269 : vector<16xi32>
    %select_n3A_1271 = arith.select %lt3A_1267, %add3A_1270, %add3A_14 : vector<16xi1>, vector<16xi32>
    %broadcast_in_dim3A_1272 = vector.shape_cast %select_n3A_1271 : vector<16xi32> to vector<16x1xi32>
    %gather3A_1273 = vector.shape_cast %broadcast_in_dim3A_1272 : vector<16x1xi32> to vector<16xi32>
    %gather3A_1274 = tpu.dynamic_gather %get3A_1233[%gather3A_1273] in [0] : vector<16xi32>, vector<16xi32> -> vector<16xi32>
    %select_n3A_1275 = arith.select %lt3A_6, %gather3A_1264, %gather3A_1274 : vector<16xi1>, vector<16xi32>
    %mul3A_1276 = arith.constant 1000 : i32
    %mul3A_1277 = vector.broadcast %mul3A_1276 : i32 to vector<16xi32>
    %mul3A_1278 = arith.muli %select_n3A_1254, %mul3A_1277 : vector<16xi32>
    %add3A_1279 = arith.addi %mul3A_1278, %select_n3A_1275 : vector<16xi32>
    %dma_start3A_1280 = arith.constant 336 : i32
    %dma_start3A_1281 = arith.constant 0 : i32
    %dma_start3A_1282 = tpu.memref_slice %arg6[%dma_start3A_1280, %dma_start3A_1281] : memref<512x64xf32, #tpu.memory_space<vmem>> -> memref<16x64xf32, #tpu.memory_space<vmem>>
    %dma_start3A_1283 = arith.constant 0 : i32
    %dma_start3A_1284 = arith.constant 0 : i32
    %dma_start3A_1285 = tpu.memref_slice %arg3[%dma_start3A_1283, %dma_start3A_1284] : memref<1000000x64xf32, #tpu.memory_space<hbm>> -> memref<1000000x64xf32, #tpu.memory_space<hbm>>
    tpu.enqueue_indirect_dma source(%dma_start3A_1285 : memref<1000000x64xf32, #tpu.memory_space<hbm>>) target(%dma_start3A_1282 : memref<16x64xf32, #tpu.memory_space<vmem>>) offsets(%add3A_1279 : vector<16xi32>) semaphore(%arg7 : memref<!tpu.dma_semaphore, #tpu.memory_space<semaphore_mem>>)
    %get3A_1286 = arith.constant 704 : index
    %get3A_1287 = tpu.vector_load %arg5[%get3A_1286] {strides = array<i32>} : memref<1024xi32, #tpu.memory_space<vmem>>, vector<16xi32>,
    %get3A_1288 = vector.shape_cast %get3A_1287 : vector<16xi32> to vector<16xi32>
    %get3A_1289 = arith.constant 720 : index
    %get3A_1290 = tpu.vector_load %arg5[%get3A_1289] {strides = array<i32>} : memref<1024xi32, #tpu.memory_space<vmem>>, vector<16xi32>,
    %get3A_1291 = vector.shape_cast %get3A_1290 : vector<16xi32> to vector<16xi32>
    %lt3A_1292 = arith.constant 0 : i32
    %lt3A_1293 = vector.broadcast %lt3A_1292 : i32 to vector<16xi32>
    %lt3A_1294 = arith.cmpi slt, %mul3A_11, %lt3A_1293 : vector<16xi32>
    %add3A_1295 = arith.constant 16 : i32
    %add3A_1296 = vector.broadcast %add3A_1295 : i32 to vector<16xi32>
    %add3A_1297 = arith.addi %mul3A_11, %add3A_1296 : vector<16xi32>
    %select_n3A_1298 = arith.select %lt3A_1294, %add3A_1297, %mul3A_11 : vector<16xi1>, vector<16xi32>
    %broadcast_in_dim3A_1299 = vector.shape_cast %select_n3A_1298 : vector<16xi32> to vector<16x1xi32>
    %gather3A_1300 = vector.shape_cast %broadcast_in_dim3A_1299 : vector<16x1xi32> to vector<16xi32>
    %gather3A_1301 = tpu.dynamic_gather %get3A_1288[%gather3A_1300] in [0] : vector<16xi32>, vector<16xi32> -> vector<16xi32>
    %lt3A_1302 = arith.constant 0 : i32
    %lt3A_1303 = vector.broadcast %lt3A_1302 : i32 to vector<16xi32>
    %lt3A_1304 = arith.cmpi slt, %mul3A_11, %lt3A_1303 : vector<16xi32>
    %add3A_1305 = arith.constant 16 : i32
    %add3A_1306 = vector.broadcast %add3A_1305 : i32 to vector<16xi32>
    %add3A_1307 = arith.addi %mul3A_11, %add3A_1306 : vector<16xi32>
    %select_n3A_1308 = arith.select %lt3A_1304, %add3A_1307, %mul3A_11 : vector<16xi1>, vector<16xi32>
    %broadcast_in_dim3A_1309 = vector.shape_cast %select_n3A_1308 : vector<16xi32> to vector<16x1xi32>
    %gather3A_1310 = vector.shape_cast %broadcast_in_dim3A_1309 : vector<16x1xi32> to vector<16xi32>
    %gather3A_1311 = tpu.dynamic_gather %get3A_1291[%gather3A_1310] in [0] : vector<16xi32>, vector<16xi32> -> vector<16xi32>
    %select_n3A_1312 = arith.select %lt3A_6, %gather3A_1301, %gather3A_1311 : vector<16xi1>, vector<16xi32>
    %lt3A_1313 = arith.constant 0 : i32
    %lt3A_1314 = vector.broadcast %lt3A_1313 : i32 to vector<16xi32>
    %lt3A_1315 = arith.cmpi slt, %add3A_14, %lt3A_1314 : vector<16xi32>
    %add3A_1316 = arith.constant 16 : i32
    %add3A_1317 = vector.broadcast %add3A_1316 : i32 to vector<16xi32>
    %add3A_1318 = arith.addi %add3A_14, %add3A_1317 : vector<16xi32>
    %select_n3A_1319 = arith.select %lt3A_1315, %add3A_1318, %add3A_14 : vector<16xi1>, vector<16xi32>
    %broadcast_in_dim3A_1320 = vector.shape_cast %select_n3A_1319 : vector<16xi32> to vector<16x1xi32>
    %gather3A_1321 = vector.shape_cast %broadcast_in_dim3A_1320 : vector<16x1xi32> to vector<16xi32>
    %gather3A_1322 = tpu.dynamic_gather %get3A_1288[%gather3A_1321] in [0] : vector<16xi32>, vector<16xi32> -> vector<16xi32>
    %lt3A_1323 = arith.constant 0 : i32
    %lt3A_1324 = vector.broadcast %lt3A_1323 : i32 to vector<16xi32>
    %lt3A_1325 = arith.cmpi slt, %add3A_14, %lt3A_1324 : vector<16xi32>
    %add3A_1326 = arith.constant 16 : i32
    %add3A_1327 = vector.broadcast %add3A_1326 : i32 to vector<16xi32>
    %add3A_1328 = arith.addi %add3A_14, %add3A_1327 : vector<16xi32>
    %select_n3A_1329 = arith.select %lt3A_1325, %add3A_1328, %add3A_14 : vector<16xi1>, vector<16xi32>
    %broadcast_in_dim3A_1330 = vector.shape_cast %select_n3A_1329 : vector<16xi32> to vector<16x1xi32>
    %gather3A_1331 = vector.shape_cast %broadcast_in_dim3A_1330 : vector<16x1xi32> to vector<16xi32>
    %gather3A_1332 = tpu.dynamic_gather %get3A_1291[%gather3A_1331] in [0] : vector<16xi32>, vector<16xi32> -> vector<16xi32>
    %select_n3A_1333 = arith.select %lt3A_6, %gather3A_1322, %gather3A_1332 : vector<16xi1>, vector<16xi32>
    %mul3A_1334 = arith.constant 1000 : i32
    %mul3A_1335 = vector.broadcast %mul3A_1334 : i32 to vector<16xi32>
    %mul3A_1336 = arith.muli %select_n3A_1312, %mul3A_1335 : vector<16xi32>
    %add3A_1337 = arith.addi %mul3A_1336, %select_n3A_1333 : vector<16xi32>
    %dma_start3A_1338 = arith.constant 352 : i32
    %dma_start3A_1339 = arith.constant 0 : i32
    %dma_start3A_1340 = tpu.memref_slice %arg6[%dma_start3A_1338, %dma_start3A_1339] : memref<512x64xf32, #tpu.memory_space<vmem>> -> memref<16x64xf32, #tpu.memory_space<vmem>>
    %dma_start3A_1341 = arith.constant 0 : i32
    %dma_start3A_1342 = arith.constant 0 : i32
    %dma_start3A_1343 = tpu.memref_slice %arg3[%dma_start3A_1341, %dma_start3A_1342] : memref<1000000x64xf32, #tpu.memory_space<hbm>> -> memref<1000000x64xf32, #tpu.memory_space<hbm>>
    tpu.enqueue_indirect_dma source(%dma_start3A_1343 : memref<1000000x64xf32, #tpu.memory_space<hbm>>) target(%dma_start3A_1340 : memref<16x64xf32, #tpu.memory_space<vmem>>) offsets(%add3A_1337 : vector<16xi32>) semaphore(%arg7 : memref<!tpu.dma_semaphore, #tpu.memory_space<semaphore_mem>>)
    %get3A_1344 = arith.constant 736 : index
    %get3A_1345 = tpu.vector_load %arg5[%get3A_1344] {strides = array<i32>} : memref<1024xi32, #tpu.memory_space<vmem>>, vector<16xi32>,
    %get3A_1346 = vector.shape_cast %get3A_1345 : vector<16xi32> to vector<16xi32>
    %get3A_1347 = arith.constant 752 : index
    %get3A_1348 = tpu.vector_load %arg5[%get3A_1347] {strides = array<i32>} : memref<1024xi32, #tpu.memory_space<vmem>>, vector<16xi32>,
    %get3A_1349 = vector.shape_cast %get3A_1348 : vector<16xi32> to vector<16xi32>
    %lt3A_1350 = arith.constant 0 : i32
    %lt3A_1351 = vector.broadcast %lt3A_1350 : i32 to vector<16xi32>
    %lt3A_1352 = arith.cmpi slt, %mul3A_11, %lt3A_1351 : vector<16xi32>
    %add3A_1353 = arith.constant 16 : i32
    %add3A_1354 = vector.broadcast %add3A_1353 : i32 to vector<16xi32>
    %add3A_1355 = arith.addi %mul3A_11, %add3A_1354 : vector<16xi32>
    %select_n3A_1356 = arith.select %lt3A_1352, %add3A_1355, %mul3A_11 : vector<16xi1>, vector<16xi32>
    %broadcast_in_dim3A_1357 = vector.shape_cast %select_n3A_1356 : vector<16xi32> to vector<16x1xi32>
    %gather3A_1358 = vector.shape_cast %broadcast_in_dim3A_1357 : vector<16x1xi32> to vector<16xi32>
    %gather3A_1359 = tpu.dynamic_gather %get3A_1346[%gather3A_1358] in [0] : vector<16xi32>, vector<16xi32> -> vector<16xi32>
    %lt3A_1360 = arith.constant 0 : i32
    %lt3A_1361 = vector.broadcast %lt3A_1360 : i32 to vector<16xi32>
    %lt3A_1362 = arith.cmpi slt, %mul3A_11, %lt3A_1361 : vector<16xi32>
    %add3A_1363 = arith.constant 16 : i32
    %add3A_1364 = vector.broadcast %add3A_1363 : i32 to vector<16xi32>
    %add3A_1365 = arith.addi %mul3A_11, %add3A_1364 : vector<16xi32>
    %select_n3A_1366 = arith.select %lt3A_1362, %add3A_1365, %mul3A_11 : vector<16xi1>, vector<16xi32>
    %broadcast_in_dim3A_1367 = vector.shape_cast %select_n3A_1366 : vector<16xi32> to vector<16x1xi32>
    %gather3A_1368 = vector.shape_cast %broadcast_in_dim3A_1367 : vector<16x1xi32> to vector<16xi32>
    %gather3A_1369 = tpu.dynamic_gather %get3A_1349[%gather3A_1368] in [0] : vector<16xi32>, vector<16xi32> -> vector<16xi32>
    %select_n3A_1370 = arith.select %lt3A_6, %gather3A_1359, %gather3A_1369 : vector<16xi1>, vector<16xi32>
    %lt3A_1371 = arith.constant 0 : i32
    %lt3A_1372 = vector.broadcast %lt3A_1371 : i32 to vector<16xi32>
    %lt3A_1373 = arith.cmpi slt, %add3A_14, %lt3A_1372 : vector<16xi32>
    %add3A_1374 = arith.constant 16 : i32
    %add3A_1375 = vector.broadcast %add3A_1374 : i32 to vector<16xi32>
    %add3A_1376 = arith.addi %add3A_14, %add3A_1375 : vector<16xi32>
    %select_n3A_1377 = arith.select %lt3A_1373, %add3A_1376, %add3A_14 : vector<16xi1>, vector<16xi32>
    %broadcast_in_dim3A_1378 = vector.shape_cast %select_n3A_1377 : vector<16xi32> to vector<16x1xi32>
    %gather3A_1379 = vector.shape_cast %broadcast_in_dim3A_1378 : vector<16x1xi32> to vector<16xi32>
    %gather3A_1380 = tpu.dynamic_gather %get3A_1346[%gather3A_1379] in [0] : vector<16xi32>, vector<16xi32> -> vector<16xi32>
    %lt3A_1381 = arith.constant 0 : i32
    %lt3A_1382 = vector.broadcast %lt3A_1381 : i32 to vector<16xi32>
    %lt3A_1383 = arith.cmpi slt, %add3A_14, %lt3A_1382 : vector<16xi32>
    %add3A_1384 = arith.constant 16 : i32
    %add3A_1385 = vector.broadcast %add3A_1384 : i32 to vector<16xi32>
    %add3A_1386 = arith.addi %add3A_14, %add3A_1385 : vector<16xi32>
    %select_n3A_1387 = arith.select %lt3A_1383, %add3A_1386, %add3A_14 : vector<16xi1>, vector<16xi32>
    %broadcast_in_dim3A_1388 = vector.shape_cast %select_n3A_1387 : vector<16xi32> to vector<16x1xi32>
    %gather3A_1389 = vector.shape_cast %broadcast_in_dim3A_1388 : vector<16x1xi32> to vector<16xi32>
    %gather3A_1390 = tpu.dynamic_gather %get3A_1349[%gather3A_1389] in [0] : vector<16xi32>, vector<16xi32> -> vector<16xi32>
    %select_n3A_1391 = arith.select %lt3A_6, %gather3A_1380, %gather3A_1390 : vector<16xi1>, vector<16xi32>
    %mul3A_1392 = arith.constant 1000 : i32
    %mul3A_1393 = vector.broadcast %mul3A_1392 : i32 to vector<16xi32>
    %mul3A_1394 = arith.muli %select_n3A_1370, %mul3A_1393 : vector<16xi32>
    %add3A_1395 = arith.addi %mul3A_1394, %select_n3A_1391 : vector<16xi32>
    %dma_start3A_1396 = arith.constant 368 : i32
    %dma_start3A_1397 = arith.constant 0 : i32
    %dma_start3A_1398 = tpu.memref_slice %arg6[%dma_start3A_1396, %dma_start3A_1397] : memref<512x64xf32, #tpu.memory_space<vmem>> -> memref<16x64xf32, #tpu.memory_space<vmem>>
    %dma_start3A_1399 = arith.constant 0 : i32
    %dma_start3A_1400 = arith.constant 0 : i32
    %dma_start3A_1401 = tpu.memref_slice %arg3[%dma_start3A_1399, %dma_start3A_1400] : memref<1000000x64xf32, #tpu.memory_space<hbm>> -> memref<1000000x64xf32, #tpu.memory_space<hbm>>
    tpu.enqueue_indirect_dma source(%dma_start3A_1401 : memref<1000000x64xf32, #tpu.memory_space<hbm>>) target(%dma_start3A_1398 : memref<16x64xf32, #tpu.memory_space<vmem>>) offsets(%add3A_1395 : vector<16xi32>) semaphore(%arg7 : memref<!tpu.dma_semaphore, #tpu.memory_space<semaphore_mem>>)
    %get3A_1402 = arith.constant 768 : index
    %get3A_1403 = tpu.vector_load %arg5[%get3A_1402] {strides = array<i32>} : memref<1024xi32, #tpu.memory_space<vmem>>, vector<16xi32>,
    %get3A_1404 = vector.shape_cast %get3A_1403 : vector<16xi32> to vector<16xi32>
    %get3A_1405 = arith.constant 784 : index
    %get3A_1406 = tpu.vector_load %arg5[%get3A_1405] {strides = array<i32>} : memref<1024xi32, #tpu.memory_space<vmem>>, vector<16xi32>,
    %get3A_1407 = vector.shape_cast %get3A_1406 : vector<16xi32> to vector<16xi32>
    %lt3A_1408 = arith.constant 0 : i32
    %lt3A_1409 = vector.broadcast %lt3A_1408 : i32 to vector<16xi32>
    %lt3A_1410 = arith.cmpi slt, %mul3A_11, %lt3A_1409 : vector<16xi32>
    %add3A_1411 = arith.constant 16 : i32
    %add3A_1412 = vector.broadcast %add3A_1411 : i32 to vector<16xi32>
    %add3A_1413 = arith.addi %mul3A_11, %add3A_1412 : vector<16xi32>
    %select_n3A_1414 = arith.select %lt3A_1410, %add3A_1413, %mul3A_11 : vector<16xi1>, vector<16xi32>
    %broadcast_in_dim3A_1415 = vector.shape_cast %select_n3A_1414 : vector<16xi32> to vector<16x1xi32>
    %gather3A_1416 = vector.shape_cast %broadcast_in_dim3A_1415 : vector<16x1xi32> to vector<16xi32>
    %gather3A_1417 = tpu.dynamic_gather %get3A_1404[%gather3A_1416] in [0] : vector<16xi32>, vector<16xi32> -> vector<16xi32>
    %lt3A_1418 = arith.constant 0 : i32
    %lt3A_1419 = vector.broadcast %lt3A_1418 : i32 to vector<16xi32>
    %lt3A_1420 = arith.cmpi slt, %mul3A_11, %lt3A_1419 : vector<16xi32>
    %add3A_1421 = arith.constant 16 : i32
    %add3A_1422 = vector.broadcast %add3A_1421 : i32 to vector<16xi32>
    %add3A_1423 = arith.addi %mul3A_11, %add3A_1422 : vector<16xi32>
    %select_n3A_1424 = arith.select %lt3A_1420, %add3A_1423, %mul3A_11 : vector<16xi1>, vector<16xi32>
    %broadcast_in_dim3A_1425 = vector.shape_cast %select_n3A_1424 : vector<16xi32> to vector<16x1xi32>
    %gather3A_1426 = vector.shape_cast %broadcast_in_dim3A_1425 : vector<16x1xi32> to vector<16xi32>
    %gather3A_1427 = tpu.dynamic_gather %get3A_1407[%gather3A_1426] in [0] : vector<16xi32>, vector<16xi32> -> vector<16xi32>
    %select_n3A_1428 = arith.select %lt3A_6, %gather3A_1417, %gather3A_1427 : vector<16xi1>, vector<16xi32>
    %lt3A_1429 = arith.constant 0 : i32
    %lt3A_1430 = vector.broadcast %lt3A_1429 : i32 to vector<16xi32>
    %lt3A_1431 = arith.cmpi slt, %add3A_14, %lt3A_1430 : vector<16xi32>
    %add3A_1432 = arith.constant 16 : i32
    %add3A_1433 = vector.broadcast %add3A_1432 : i32 to vector<16xi32>
    %add3A_1434 = arith.addi %add3A_14, %add3A_1433 : vector<16xi32>
    %select_n3A_1435 = arith.select %lt3A_1431, %add3A_1434, %add3A_14 : vector<16xi1>, vector<16xi32>
    %broadcast_in_dim3A_1436 = vector.shape_cast %select_n3A_1435 : vector<16xi32> to vector<16x1xi32>
    %gather3A_1437 = vector.shape_cast %broadcast_in_dim3A_1436 : vector<16x1xi32> to vector<16xi32>
    %gather3A_1438 = tpu.dynamic_gather %get3A_1404[%gather3A_1437] in [0] : vector<16xi32>, vector<16xi32> -> vector<16xi32>
    %lt3A_1439 = arith.constant 0 : i32
    %lt3A_1440 = vector.broadcast %lt3A_1439 : i32 to vector<16xi32>
    %lt3A_1441 = arith.cmpi slt, %add3A_14, %lt3A_1440 : vector<16xi32>
    %add3A_1442 = arith.constant 16 : i32
    %add3A_1443 = vector.broadcast %add3A_1442 : i32 to vector<16xi32>
    %add3A_1444 = arith.addi %add3A_14, %add3A_1443 : vector<16xi32>
    %select_n3A_1445 = arith.select %lt3A_1441, %add3A_1444, %add3A_14 : vector<16xi1>, vector<16xi32>
    %broadcast_in_dim3A_1446 = vector.shape_cast %select_n3A_1445 : vector<16xi32> to vector<16x1xi32>
    %gather3A_1447 = vector.shape_cast %broadcast_in_dim3A_1446 : vector<16x1xi32> to vector<16xi32>
    %gather3A_1448 = tpu.dynamic_gather %get3A_1407[%gather3A_1447] in [0] : vector<16xi32>, vector<16xi32> -> vector<16xi32>
    %select_n3A_1449 = arith.select %lt3A_6, %gather3A_1438, %gather3A_1448 : vector<16xi1>, vector<16xi32>
    %mul3A_1450 = arith.constant 1000 : i32
    %mul3A_1451 = vector.broadcast %mul3A_1450 : i32 to vector<16xi32>
    %mul3A_1452 = arith.muli %select_n3A_1428, %mul3A_1451 : vector<16xi32>
    %add3A_1453 = arith.addi %mul3A_1452, %select_n3A_1449 : vector<16xi32>
    %dma_start3A_1454 = arith.constant 384 : i32
    %dma_start3A_1455 = arith.constant 0 : i32
    %dma_start3A_1456 = tpu.memref_slice %arg6[%dma_start3A_1454, %dma_start3A_1455] : memref<512x64xf32, #tpu.memory_space<vmem>> -> memref<16x64xf32, #tpu.memory_space<vmem>>
    %dma_start3A_1457 = arith.constant 0 : i32
    %dma_start3A_1458 = arith.constant 0 : i32
    %dma_start3A_1459 = tpu.memref_slice %arg3[%dma_start3A_1457, %dma_start3A_1458] : memref<1000000x64xf32, #tpu.memory_space<hbm>> -> memref<1000000x64xf32, #tpu.memory_space<hbm>>
    tpu.enqueue_indirect_dma source(%dma_start3A_1459 : memref<1000000x64xf32, #tpu.memory_space<hbm>>) target(%dma_start3A_1456 : memref<16x64xf32, #tpu.memory_space<vmem>>) offsets(%add3A_1453 : vector<16xi32>) semaphore(%arg7 : memref<!tpu.dma_semaphore, #tpu.memory_space<semaphore_mem>>)
    %get3A_1460 = arith.constant 800 : index
    %get3A_1461 = tpu.vector_load %arg5[%get3A_1460] {strides = array<i32>} : memref<1024xi32, #tpu.memory_space<vmem>>, vector<16xi32>,
    %get3A_1462 = vector.shape_cast %get3A_1461 : vector<16xi32> to vector<16xi32>
    %get3A_1463 = arith.constant 816 : index
    %get3A_1464 = tpu.vector_load %arg5[%get3A_1463] {strides = array<i32>} : memref<1024xi32, #tpu.memory_space<vmem>>, vector<16xi32>,
    %get3A_1465 = vector.shape_cast %get3A_1464 : vector<16xi32> to vector<16xi32>
    %lt3A_1466 = arith.constant 0 : i32
    %lt3A_1467 = vector.broadcast %lt3A_1466 : i32 to vector<16xi32>
    %lt3A_1468 = arith.cmpi slt, %mul3A_11, %lt3A_1467 : vector<16xi32>
    %add3A_1469 = arith.constant 16 : i32
    %add3A_1470 = vector.broadcast %add3A_1469 : i32 to vector<16xi32>
    %add3A_1471 = arith.addi %mul3A_11, %add3A_1470 : vector<16xi32>
    %select_n3A_1472 = arith.select %lt3A_1468, %add3A_1471, %mul3A_11 : vector<16xi1>, vector<16xi32>
    %broadcast_in_dim3A_1473 = vector.shape_cast %select_n3A_1472 : vector<16xi32> to vector<16x1xi32>
    %gather3A_1474 = vector.shape_cast %broadcast_in_dim3A_1473 : vector<16x1xi32> to vector<16xi32>
    %gather3A_1475 = tpu.dynamic_gather %get3A_1462[%gather3A_1474] in [0] : vector<16xi32>, vector<16xi32> -> vector<16xi32>
    %lt3A_1476 = arith.constant 0 : i32
    %lt3A_1477 = vector.broadcast %lt3A_1476 : i32 to vector<16xi32>
    %lt3A_1478 = arith.cmpi slt, %mul3A_11, %lt3A_1477 : vector<16xi32>
    %add3A_1479 = arith.constant 16 : i32
    %add3A_1480 = vector.broadcast %add3A_1479 : i32 to vector<16xi32>
    %add3A_1481 = arith.addi %mul3A_11, %add3A_1480 : vector<16xi32>
    %select_n3A_1482 = arith.select %lt3A_1478, %add3A_1481, %mul3A_11 : vector<16xi1>, vector<16xi32>
    %broadcast_in_dim3A_1483 = vector.shape_cast %select_n3A_1482 : vector<16xi32> to vector<16x1xi32>
    %gather3A_1484 = vector.shape_cast %broadcast_in_dim3A_1483 : vector<16x1xi32> to vector<16xi32>
    %gather3A_1485 = tpu.dynamic_gather %get3A_1465[%gather3A_1484] in [0] : vector<16xi32>, vector<16xi32> -> vector<16xi32>
    %select_n3A_1486 = arith.select %lt3A_6, %gather3A_1475, %gather3A_1485 : vector<16xi1>, vector<16xi32>
    %lt3A_1487 = arith.constant 0 : i32
    %lt3A_1488 = vector.broadcast %lt3A_1487 : i32 to vector<16xi32>
    %lt3A_1489 = arith.cmpi slt, %add3A_14, %lt3A_1488 : vector<16xi32>
    %add3A_1490 = arith.constant 16 : i32
    %add3A_1491 = vector.broadcast %add3A_1490 : i32 to vector<16xi32>
    %add3A_1492 = arith.addi %add3A_14, %add3A_1491 : vector<16xi32>
    %select_n3A_1493 = arith.select %lt3A_1489, %add3A_1492, %add3A_14 : vector<16xi1>, vector<16xi32>
    %broadcast_in_dim3A_1494 = vector.shape_cast %select_n3A_1493 : vector<16xi32> to vector<16x1xi32>
    %gather3A_1495 = vector.shape_cast %broadcast_in_dim3A_1494 : vector<16x1xi32> to vector<16xi32>
    %gather3A_1496 = tpu.dynamic_gather %get3A_1462[%gather3A_1495] in [0] : vector<16xi32>, vector<16xi32> -> vector<16xi32>
    %lt3A_1497 = arith.constant 0 : i32
    %lt3A_1498 = vector.broadcast %lt3A_1497 : i32 to vector<16xi32>
    %lt3A_1499 = arith.cmpi slt, %add3A_14, %lt3A_1498 : vector<16xi32>
    %add3A_1500 = arith.constant 16 : i32
    %add3A_1501 = vector.broadcast %add3A_1500 : i32 to vector<16xi32>
    %add3A_1502 = arith.addi %add3A_14, %add3A_1501 : vector<16xi32>
    %select_n3A_1503 = arith.select %lt3A_1499, %add3A_1502, %add3A_14 : vector<16xi1>, vector<16xi32>
    %broadcast_in_dim3A_1504 = vector.shape_cast %select_n3A_1503 : vector<16xi32> to vector<16x1xi32>
    %gather3A_1505 = vector.shape_cast %broadcast_in_dim3A_1504 : vector<16x1xi32> to vector<16xi32>
    %gather3A_1506 = tpu.dynamic_gather %get3A_1465[%gather3A_1505] in [0] : vector<16xi32>, vector<16xi32> -> vector<16xi32>
    %select_n3A_1507 = arith.select %lt3A_6, %gather3A_1496, %gather3A_1506 : vector<16xi1>, vector<16xi32>
    %mul3A_1508 = arith.constant 1000 : i32
    %mul3A_1509 = vector.broadcast %mul3A_1508 : i32 to vector<16xi32>
    %mul3A_1510 = arith.muli %select_n3A_1486, %mul3A_1509 : vector<16xi32>
    %add3A_1511 = arith.addi %mul3A_1510, %select_n3A_1507 : vector<16xi32>
    %dma_start3A_1512 = arith.constant 400 : i32
    %dma_start3A_1513 = arith.constant 0 : i32
    %dma_start3A_1514 = tpu.memref_slice %arg6[%dma_start3A_1512, %dma_start3A_1513] : memref<512x64xf32, #tpu.memory_space<vmem>> -> memref<16x64xf32, #tpu.memory_space<vmem>>
    %dma_start3A_1515 = arith.constant 0 : i32
    %dma_start3A_1516 = arith.constant 0 : i32
    %dma_start3A_1517 = tpu.memref_slice %arg3[%dma_start3A_1515, %dma_start3A_1516] : memref<1000000x64xf32, #tpu.memory_space<hbm>> -> memref<1000000x64xf32, #tpu.memory_space<hbm>>
    tpu.enqueue_indirect_dma source(%dma_start3A_1517 : memref<1000000x64xf32, #tpu.memory_space<hbm>>) target(%dma_start3A_1514 : memref<16x64xf32, #tpu.memory_space<vmem>>) offsets(%add3A_1511 : vector<16xi32>) semaphore(%arg7 : memref<!tpu.dma_semaphore, #tpu.memory_space<semaphore_mem>>)
    %get3A_1518 = arith.constant 832 : index
    %get3A_1519 = tpu.vector_load %arg5[%get3A_1518] {strides = array<i32>} : memref<1024xi32, #tpu.memory_space<vmem>>, vector<16xi32>,
    %get3A_1520 = vector.shape_cast %get3A_1519 : vector<16xi32> to vector<16xi32>
    %get3A_1521 = arith.constant 848 : index
    %get3A_1522 = tpu.vector_load %arg5[%get3A_1521] {strides = array<i32>} : memref<1024xi32, #tpu.memory_space<vmem>>, vector<16xi32>,
    %get3A_1523 = vector.shape_cast %get3A_1522 : vector<16xi32> to vector<16xi32>
    %lt3A_1524 = arith.constant 0 : i32
    %lt3A_1525 = vector.broadcast %lt3A_1524 : i32 to vector<16xi32>
    %lt3A_1526 = arith.cmpi slt, %mul3A_11, %lt3A_1525 : vector<16xi32>
    %add3A_1527 = arith.constant 16 : i32
    %add3A_1528 = vector.broadcast %add3A_1527 : i32 to vector<16xi32>
    %add3A_1529 = arith.addi %mul3A_11, %add3A_1528 : vector<16xi32>
    %select_n3A_1530 = arith.select %lt3A_1526, %add3A_1529, %mul3A_11 : vector<16xi1>, vector<16xi32>
    %broadcast_in_dim3A_1531 = vector.shape_cast %select_n3A_1530 : vector<16xi32> to vector<16x1xi32>
    %gather3A_1532 = vector.shape_cast %broadcast_in_dim3A_1531 : vector<16x1xi32> to vector<16xi32>
    %gather3A_1533 = tpu.dynamic_gather %get3A_1520[%gather3A_1532] in [0] : vector<16xi32>, vector<16xi32> -> vector<16xi32>
    %lt3A_1534 = arith.constant 0 : i32
    %lt3A_1535 = vector.broadcast %lt3A_1534 : i32 to vector<16xi32>
    %lt3A_1536 = arith.cmpi slt, %mul3A_11, %lt3A_1535 : vector<16xi32>
    %add3A_1537 = arith.constant 16 : i32
    %add3A_1538 = vector.broadcast %add3A_1537 : i32 to vector<16xi32>
    %add3A_1539 = arith.addi %mul3A_11, %add3A_1538 : vector<16xi32>
    %select_n3A_1540 = arith.select %lt3A_1536, %add3A_1539, %mul3A_11 : vector<16xi1>, vector<16xi32>
    %broadcast_in_dim3A_1541 = vector.shape_cast %select_n3A_1540 : vector<16xi32> to vector<16x1xi32>
    %gather3A_1542 = vector.shape_cast %broadcast_in_dim3A_1541 : vector<16x1xi32> to vector<16xi32>
    %gather3A_1543 = tpu.dynamic_gather %get3A_1523[%gather3A_1542] in [0] : vector<16xi32>, vector<16xi32> -> vector<16xi32>
    %select_n3A_1544 = arith.select %lt3A_6, %gather3A_1533, %gather3A_1543 : vector<16xi1>, vector<16xi32>
    %lt3A_1545 = arith.constant 0 : i32
    %lt3A_1546 = vector.broadcast %lt3A_1545 : i32 to vector<16xi32>
    %lt3A_1547 = arith.cmpi slt, %add3A_14, %lt3A_1546 : vector<16xi32>
    %add3A_1548 = arith.constant 16 : i32
    %add3A_1549 = vector.broadcast %add3A_1548 : i32 to vector<16xi32>
    %add3A_1550 = arith.addi %add3A_14, %add3A_1549 : vector<16xi32>
    %select_n3A_1551 = arith.select %lt3A_1547, %add3A_1550, %add3A_14 : vector<16xi1>, vector<16xi32>
    %broadcast_in_dim3A_1552 = vector.shape_cast %select_n3A_1551 : vector<16xi32> to vector<16x1xi32>
    %gather3A_1553 = vector.shape_cast %broadcast_in_dim3A_1552 : vector<16x1xi32> to vector<16xi32>
    %gather3A_1554 = tpu.dynamic_gather %get3A_1520[%gather3A_1553] in [0] : vector<16xi32>, vector<16xi32> -> vector<16xi32>
    %lt3A_1555 = arith.constant 0 : i32
    %lt3A_1556 = vector.broadcast %lt3A_1555 : i32 to vector<16xi32>
    %lt3A_1557 = arith.cmpi slt, %add3A_14, %lt3A_1556 : vector<16xi32>
    %add3A_1558 = arith.constant 16 : i32
    %add3A_1559 = vector.broadcast %add3A_1558 : i32 to vector<16xi32>
    %add3A_1560 = arith.addi %add3A_14, %add3A_1559 : vector<16xi32>
    %select_n3A_1561 = arith.select %lt3A_1557, %add3A_1560, %add3A_14 : vector<16xi1>, vector<16xi32>
    %broadcast_in_dim3A_1562 = vector.shape_cast %select_n3A_1561 : vector<16xi32> to vector<16x1xi32>
    %gather3A_1563 = vector.shape_cast %broadcast_in_dim3A_1562 : vector<16x1xi32> to vector<16xi32>
    %gather3A_1564 = tpu.dynamic_gather %get3A_1523[%gather3A_1563] in [0] : vector<16xi32>, vector<16xi32> -> vector<16xi32>
    %select_n3A_1565 = arith.select %lt3A_6, %gather3A_1554, %gather3A_1564 : vector<16xi1>, vector<16xi32>
    %mul3A_1566 = arith.constant 1000 : i32
    %mul3A_1567 = vector.broadcast %mul3A_1566 : i32 to vector<16xi32>
    %mul3A_1568 = arith.muli %select_n3A_1544, %mul3A_1567 : vector<16xi32>
    %add3A_1569 = arith.addi %mul3A_1568, %select_n3A_1565 : vector<16xi32>
    %dma_start3A_1570 = arith.constant 416 : i32
    %dma_start3A_1571 = arith.constant 0 : i32
    %dma_start3A_1572 = tpu.memref_slice %arg6[%dma_start3A_1570, %dma_start3A_1571] : memref<512x64xf32, #tpu.memory_space<vmem>> -> memref<16x64xf32, #tpu.memory_space<vmem>>
    %dma_start3A_1573 = arith.constant 0 : i32
    %dma_start3A_1574 = arith.constant 0 : i32
    %dma_start3A_1575 = tpu.memref_slice %arg3[%dma_start3A_1573, %dma_start3A_1574] : memref<1000000x64xf32, #tpu.memory_space<hbm>> -> memref<1000000x64xf32, #tpu.memory_space<hbm>>
    tpu.enqueue_indirect_dma source(%dma_start3A_1575 : memref<1000000x64xf32, #tpu.memory_space<hbm>>) target(%dma_start3A_1572 : memref<16x64xf32, #tpu.memory_space<vmem>>) offsets(%add3A_1569 : vector<16xi32>) semaphore(%arg7 : memref<!tpu.dma_semaphore, #tpu.memory_space<semaphore_mem>>)
    %get3A_1576 = arith.constant 864 : index
    %get3A_1577 = tpu.vector_load %arg5[%get3A_1576] {strides = array<i32>} : memref<1024xi32, #tpu.memory_space<vmem>>, vector<16xi32>,
    %get3A_1578 = vector.shape_cast %get3A_1577 : vector<16xi32> to vector<16xi32>
    %get3A_1579 = arith.constant 880 : index
    %get3A_1580 = tpu.vector_load %arg5[%get3A_1579] {strides = array<i32>} : memref<1024xi32, #tpu.memory_space<vmem>>, vector<16xi32>,
    %get3A_1581 = vector.shape_cast %get3A_1580 : vector<16xi32> to vector<16xi32>
    %lt3A_1582 = arith.constant 0 : i32
    %lt3A_1583 = vector.broadcast %lt3A_1582 : i32 to vector<16xi32>
    %lt3A_1584 = arith.cmpi slt, %mul3A_11, %lt3A_1583 : vector<16xi32>
    %add3A_1585 = arith.constant 16 : i32
    %add3A_1586 = vector.broadcast %add3A_1585 : i32 to vector<16xi32>
    %add3A_1587 = arith.addi %mul3A_11, %add3A_1586 : vector<16xi32>
    %select_n3A_1588 = arith.select %lt3A_1584, %add3A_1587, %mul3A_11 : vector<16xi1>, vector<16xi32>
    %broadcast_in_dim3A_1589 = vector.shape_cast %select_n3A_1588 : vector<16xi32> to vector<16x1xi32>
    %gather3A_1590 = vector.shape_cast %broadcast_in_dim3A_1589 : vector<16x1xi32> to vector<16xi32>
    %gather3A_1591 = tpu.dynamic_gather %get3A_1578[%gather3A_1590] in [0] : vector<16xi32>, vector<16xi32> -> vector<16xi32>
    %lt3A_1592 = arith.constant 0 : i32
    %lt3A_1593 = vector.broadcast %lt3A_1592 : i32 to vector<16xi32>
    %lt3A_1594 = arith.cmpi slt, %mul3A_11, %lt3A_1593 : vector<16xi32>
    %add3A_1595 = arith.constant 16 : i32
    %add3A_1596 = vector.broadcast %add3A_1595 : i32 to vector<16xi32>
    %add3A_1597 = arith.addi %mul3A_11, %add3A_1596 : vector<16xi32>
    %select_n3A_1598 = arith.select %lt3A_1594, %add3A_1597, %mul3A_11 : vector<16xi1>, vector<16xi32>
    %broadcast_in_dim3A_1599 = vector.shape_cast %select_n3A_1598 : vector<16xi32> to vector<16x1xi32>
    %gather3A_1600 = vector.shape_cast %broadcast_in_dim3A_1599 : vector<16x1xi32> to vector<16xi32>
    %gather3A_1601 = tpu.dynamic_gather %get3A_1581[%gather3A_1600] in [0] : vector<16xi32>, vector<16xi32> -> vector<16xi32>
    %select_n3A_1602 = arith.select %lt3A_6, %gather3A_1591, %gather3A_1601 : vector<16xi1>, vector<16xi32>
    %lt3A_1603 = arith.constant 0 : i32
    %lt3A_1604 = vector.broadcast %lt3A_1603 : i32 to vector<16xi32>
    %lt3A_1605 = arith.cmpi slt, %add3A_14, %lt3A_1604 : vector<16xi32>
    %add3A_1606 = arith.constant 16 : i32
    %add3A_1607 = vector.broadcast %add3A_1606 : i32 to vector<16xi32>
    %add3A_1608 = arith.addi %add3A_14, %add3A_1607 : vector<16xi32>
    %select_n3A_1609 = arith.select %lt3A_1605, %add3A_1608, %add3A_14 : vector<16xi1>, vector<16xi32>
    %broadcast_in_dim3A_1610 = vector.shape_cast %select_n3A_1609 : vector<16xi32> to vector<16x1xi32>
    %gather3A_1611 = vector.shape_cast %broadcast_in_dim3A_1610 : vector<16x1xi32> to vector<16xi32>
    %gather3A_1612 = tpu.dynamic_gather %get3A_1578[%gather3A_1611] in [0] : vector<16xi32>, vector<16xi32> -> vector<16xi32>
    %lt3A_1613 = arith.constant 0 : i32
    %lt3A_1614 = vector.broadcast %lt3A_1613 : i32 to vector<16xi32>
    %lt3A_1615 = arith.cmpi slt, %add3A_14, %lt3A_1614 : vector<16xi32>
    %add3A_1616 = arith.constant 16 : i32
    %add3A_1617 = vector.broadcast %add3A_1616 : i32 to vector<16xi32>
    %add3A_1618 = arith.addi %add3A_14, %add3A_1617 : vector<16xi32>
    %select_n3A_1619 = arith.select %lt3A_1615, %add3A_1618, %add3A_14 : vector<16xi1>, vector<16xi32>
    %broadcast_in_dim3A_1620 = vector.shape_cast %select_n3A_1619 : vector<16xi32> to vector<16x1xi32>
    %gather3A_1621 = vector.shape_cast %broadcast_in_dim3A_1620 : vector<16x1xi32> to vector<16xi32>
    %gather3A_1622 = tpu.dynamic_gather %get3A_1581[%gather3A_1621] in [0] : vector<16xi32>, vector<16xi32> -> vector<16xi32>
    %select_n3A_1623 = arith.select %lt3A_6, %gather3A_1612, %gather3A_1622 : vector<16xi1>, vector<16xi32>
    %mul3A_1624 = arith.constant 1000 : i32
    %mul3A_1625 = vector.broadcast %mul3A_1624 : i32 to vector<16xi32>
    %mul3A_1626 = arith.muli %select_n3A_1602, %mul3A_1625 : vector<16xi32>
    %add3A_1627 = arith.addi %mul3A_1626, %select_n3A_1623 : vector<16xi32>
    %dma_start3A_1628 = arith.constant 432 : i32
    %dma_start3A_1629 = arith.constant 0 : i32
    %dma_start3A_1630 = tpu.memref_slice %arg6[%dma_start3A_1628, %dma_start3A_1629] : memref<512x64xf32, #tpu.memory_space<vmem>> -> memref<16x64xf32, #tpu.memory_space<vmem>>
    %dma_start3A_1631 = arith.constant 0 : i32
    %dma_start3A_1632 = arith.constant 0 : i32
    %dma_start3A_1633 = tpu.memref_slice %arg3[%dma_start3A_1631, %dma_start3A_1632] : memref<1000000x64xf32, #tpu.memory_space<hbm>> -> memref<1000000x64xf32, #tpu.memory_space<hbm>>
    tpu.enqueue_indirect_dma source(%dma_start3A_1633 : memref<1000000x64xf32, #tpu.memory_space<hbm>>) target(%dma_start3A_1630 : memref<16x64xf32, #tpu.memory_space<vmem>>) offsets(%add3A_1627 : vector<16xi32>) semaphore(%arg7 : memref<!tpu.dma_semaphore, #tpu.memory_space<semaphore_mem>>)
    %get3A_1634 = arith.constant 896 : index
    %get3A_1635 = tpu.vector_load %arg5[%get3A_1634] {strides = array<i32>} : memref<1024xi32, #tpu.memory_space<vmem>>, vector<16xi32>,
    %get3A_1636 = vector.shape_cast %get3A_1635 : vector<16xi32> to vector<16xi32>
    %get3A_1637 = arith.constant 912 : index
    %get3A_1638 = tpu.vector_load %arg5[%get3A_1637] {strides = array<i32>} : memref<1024xi32, #tpu.memory_space<vmem>>, vector<16xi32>,
    %get3A_1639 = vector.shape_cast %get3A_1638 : vector<16xi32> to vector<16xi32>
    %lt3A_1640 = arith.constant 0 : i32
    %lt3A_1641 = vector.broadcast %lt3A_1640 : i32 to vector<16xi32>
    %lt3A_1642 = arith.cmpi slt, %mul3A_11, %lt3A_1641 : vector<16xi32>
    %add3A_1643 = arith.constant 16 : i32
    %add3A_1644 = vector.broadcast %add3A_1643 : i32 to vector<16xi32>
    %add3A_1645 = arith.addi %mul3A_11, %add3A_1644 : vector<16xi32>
    %select_n3A_1646 = arith.select %lt3A_1642, %add3A_1645, %mul3A_11 : vector<16xi1>, vector<16xi32>
    %broadcast_in_dim3A_1647 = vector.shape_cast %select_n3A_1646 : vector<16xi32> to vector<16x1xi32>
    %gather3A_1648 = vector.shape_cast %broadcast_in_dim3A_1647 : vector<16x1xi32> to vector<16xi32>
    %gather3A_1649 = tpu.dynamic_gather %get3A_1636[%gather3A_1648] in [0] : vector<16xi32>, vector<16xi32> -> vector<16xi32>
    %lt3A_1650 = arith.constant 0 : i32
    %lt3A_1651 = vector.broadcast %lt3A_1650 : i32 to vector<16xi32>
    %lt3A_1652 = arith.cmpi slt, %mul3A_11, %lt3A_1651 : vector<16xi32>
    %add3A_1653 = arith.constant 16 : i32
    %add3A_1654 = vector.broadcast %add3A_1653 : i32 to vector<16xi32>
    %add3A_1655 = arith.addi %mul3A_11, %add3A_1654 : vector<16xi32>
    %select_n3A_1656 = arith.select %lt3A_1652, %add3A_1655, %mul3A_11 : vector<16xi1>, vector<16xi32>
    %broadcast_in_dim3A_1657 = vector.shape_cast %select_n3A_1656 : vector<16xi32> to vector<16x1xi32>
    %gather3A_1658 = vector.shape_cast %broadcast_in_dim3A_1657 : vector<16x1xi32> to vector<16xi32>
    %gather3A_1659 = tpu.dynamic_gather %get3A_1639[%gather3A_1658] in [0] : vector<16xi32>, vector<16xi32> -> vector<16xi32>
    %select_n3A_1660 = arith.select %lt3A_6, %gather3A_1649, %gather3A_1659 : vector<16xi1>, vector<16xi32>
    %lt3A_1661 = arith.constant 0 : i32
    %lt3A_1662 = vector.broadcast %lt3A_1661 : i32 to vector<16xi32>
    %lt3A_1663 = arith.cmpi slt, %add3A_14, %lt3A_1662 : vector<16xi32>
    %add3A_1664 = arith.constant 16 : i32
    %add3A_1665 = vector.broadcast %add3A_1664 : i32 to vector<16xi32>
    %add3A_1666 = arith.addi %add3A_14, %add3A_1665 : vector<16xi32>
    %select_n3A_1667 = arith.select %lt3A_1663, %add3A_1666, %add3A_14 : vector<16xi1>, vector<16xi32>
    %broadcast_in_dim3A_1668 = vector.shape_cast %select_n3A_1667 : vector<16xi32> to vector<16x1xi32>
    %gather3A_1669 = vector.shape_cast %broadcast_in_dim3A_1668 : vector<16x1xi32> to vector<16xi32>
    %gather3A_1670 = tpu.dynamic_gather %get3A_1636[%gather3A_1669] in [0] : vector<16xi32>, vector<16xi32> -> vector<16xi32>
    %lt3A_1671 = arith.constant 0 : i32
    %lt3A_1672 = vector.broadcast %lt3A_1671 : i32 to vector<16xi32>
    %lt3A_1673 = arith.cmpi slt, %add3A_14, %lt3A_1672 : vector<16xi32>
    %add3A_1674 = arith.constant 16 : i32
    %add3A_1675 = vector.broadcast %add3A_1674 : i32 to vector<16xi32>
    %add3A_1676 = arith.addi %add3A_14, %add3A_1675 : vector<16xi32>
    %select_n3A_1677 = arith.select %lt3A_1673, %add3A_1676, %add3A_14 : vector<16xi1>, vector<16xi32>
    %broadcast_in_dim3A_1678 = vector.shape_cast %select_n3A_1677 : vector<16xi32> to vector<16x1xi32>
    %gather3A_1679 = vector.shape_cast %broadcast_in_dim3A_1678 : vector<16x1xi32> to vector<16xi32>
    %gather3A_1680 = tpu.dynamic_gather %get3A_1639[%gather3A_1679] in [0] : vector<16xi32>, vector<16xi32> -> vector<16xi32>
    %select_n3A_1681 = arith.select %lt3A_6, %gather3A_1670, %gather3A_1680 : vector<16xi1>, vector<16xi32>
    %mul3A_1682 = arith.constant 1000 : i32
    %mul3A_1683 = vector.broadcast %mul3A_1682 : i32 to vector<16xi32>
    %mul3A_1684 = arith.muli %select_n3A_1660, %mul3A_1683 : vector<16xi32>
    %add3A_1685 = arith.addi %mul3A_1684, %select_n3A_1681 : vector<16xi32>
    %dma_start3A_1686 = arith.constant 448 : i32
    %dma_start3A_1687 = arith.constant 0 : i32
    %dma_start3A_1688 = tpu.memref_slice %arg6[%dma_start3A_1686, %dma_start3A_1687] : memref<512x64xf32, #tpu.memory_space<vmem>> -> memref<16x64xf32, #tpu.memory_space<vmem>>
    %dma_start3A_1689 = arith.constant 0 : i32
    %dma_start3A_1690 = arith.constant 0 : i32
    %dma_start3A_1691 = tpu.memref_slice %arg3[%dma_start3A_1689, %dma_start3A_1690] : memref<1000000x64xf32, #tpu.memory_space<hbm>> -> memref<1000000x64xf32, #tpu.memory_space<hbm>>
    tpu.enqueue_indirect_dma source(%dma_start3A_1691 : memref<1000000x64xf32, #tpu.memory_space<hbm>>) target(%dma_start3A_1688 : memref<16x64xf32, #tpu.memory_space<vmem>>) offsets(%add3A_1685 : vector<16xi32>) semaphore(%arg7 : memref<!tpu.dma_semaphore, #tpu.memory_space<semaphore_mem>>)
    %get3A_1692 = arith.constant 928 : index
    %get3A_1693 = tpu.vector_load %arg5[%get3A_1692] {strides = array<i32>} : memref<1024xi32, #tpu.memory_space<vmem>>, vector<16xi32>,
    %get3A_1694 = vector.shape_cast %get3A_1693 : vector<16xi32> to vector<16xi32>
    %get3A_1695 = arith.constant 944 : index
    %get3A_1696 = tpu.vector_load %arg5[%get3A_1695] {strides = array<i32>} : memref<1024xi32, #tpu.memory_space<vmem>>, vector<16xi32>,
    %get3A_1697 = vector.shape_cast %get3A_1696 : vector<16xi32> to vector<16xi32>
    %lt3A_1698 = arith.constant 0 : i32
    %lt3A_1699 = vector.broadcast %lt3A_1698 : i32 to vector<16xi32>
    %lt3A_1700 = arith.cmpi slt, %mul3A_11, %lt3A_1699 : vector<16xi32>
    %add3A_1701 = arith.constant 16 : i32
    %add3A_1702 = vector.broadcast %add3A_1701 : i32 to vector<16xi32>
    %add3A_1703 = arith.addi %mul3A_11, %add3A_1702 : vector<16xi32>
    %select_n3A_1704 = arith.select %lt3A_1700, %add3A_1703, %mul3A_11 : vector<16xi1>, vector<16xi32>
    %broadcast_in_dim3A_1705 = vector.shape_cast %select_n3A_1704 : vector<16xi32> to vector<16x1xi32>
    %gather3A_1706 = vector.shape_cast %broadcast_in_dim3A_1705 : vector<16x1xi32> to vector<16xi32>
    %gather3A_1707 = tpu.dynamic_gather %get3A_1694[%gather3A_1706] in [0] : vector<16xi32>, vector<16xi32> -> vector<16xi32>
    %lt3A_1708 = arith.constant 0 : i32
    %lt3A_1709 = vector.broadcast %lt3A_1708 : i32 to vector<16xi32>
    %lt3A_1710 = arith.cmpi slt, %mul3A_11, %lt3A_1709 : vector<16xi32>
    %add3A_1711 = arith.constant 16 : i32
    %add3A_1712 = vector.broadcast %add3A_1711 : i32 to vector<16xi32>
    %add3A_1713 = arith.addi %mul3A_11, %add3A_1712 : vector<16xi32>
    %select_n3A_1714 = arith.select %lt3A_1710, %add3A_1713, %mul3A_11 : vector<16xi1>, vector<16xi32>
    %broadcast_in_dim3A_1715 = vector.shape_cast %select_n3A_1714 : vector<16xi32> to vector<16x1xi32>
    %gather3A_1716 = vector.shape_cast %broadcast_in_dim3A_1715 : vector<16x1xi32> to vector<16xi32>
    %gather3A_1717 = tpu.dynamic_gather %get3A_1697[%gather3A_1716] in [0] : vector<16xi32>, vector<16xi32> -> vector<16xi32>
    %select_n3A_1718 = arith.select %lt3A_6, %gather3A_1707, %gather3A_1717 : vector<16xi1>, vector<16xi32>
    %lt3A_1719 = arith.constant 0 : i32
    %lt3A_1720 = vector.broadcast %lt3A_1719 : i32 to vector<16xi32>
    %lt3A_1721 = arith.cmpi slt, %add3A_14, %lt3A_1720 : vector<16xi32>
    %add3A_1722 = arith.constant 16 : i32
    %add3A_1723 = vector.broadcast %add3A_1722 : i32 to vector<16xi32>
    %add3A_1724 = arith.addi %add3A_14, %add3A_1723 : vector<16xi32>
    %select_n3A_1725 = arith.select %lt3A_1721, %add3A_1724, %add3A_14 : vector<16xi1>, vector<16xi32>
    %broadcast_in_dim3A_1726 = vector.shape_cast %select_n3A_1725 : vector<16xi32> to vector<16x1xi32>
    %gather3A_1727 = vector.shape_cast %broadcast_in_dim3A_1726 : vector<16x1xi32> to vector<16xi32>
    %gather3A_1728 = tpu.dynamic_gather %get3A_1694[%gather3A_1727] in [0] : vector<16xi32>, vector<16xi32> -> vector<16xi32>
    %lt3A_1729 = arith.constant 0 : i32
    %lt3A_1730 = vector.broadcast %lt3A_1729 : i32 to vector<16xi32>
    %lt3A_1731 = arith.cmpi slt, %add3A_14, %lt3A_1730 : vector<16xi32>
    %add3A_1732 = arith.constant 16 : i32
    %add3A_1733 = vector.broadcast %add3A_1732 : i32 to vector<16xi32>
    %add3A_1734 = arith.addi %add3A_14, %add3A_1733 : vector<16xi32>
    %select_n3A_1735 = arith.select %lt3A_1731, %add3A_1734, %add3A_14 : vector<16xi1>, vector<16xi32>
    %broadcast_in_dim3A_1736 = vector.shape_cast %select_n3A_1735 : vector<16xi32> to vector<16x1xi32>
    %gather3A_1737 = vector.shape_cast %broadcast_in_dim3A_1736 : vector<16x1xi32> to vector<16xi32>
    %gather3A_1738 = tpu.dynamic_gather %get3A_1697[%gather3A_1737] in [0] : vector<16xi32>, vector<16xi32> -> vector<16xi32>
    %select_n3A_1739 = arith.select %lt3A_6, %gather3A_1728, %gather3A_1738 : vector<16xi1>, vector<16xi32>
    %mul3A_1740 = arith.constant 1000 : i32
    %mul3A_1741 = vector.broadcast %mul3A_1740 : i32 to vector<16xi32>
    %mul3A_1742 = arith.muli %select_n3A_1718, %mul3A_1741 : vector<16xi32>
    %add3A_1743 = arith.addi %mul3A_1742, %select_n3A_1739 : vector<16xi32>
    %dma_start3A_1744 = arith.constant 464 : i32
    %dma_start3A_1745 = arith.constant 0 : i32
    %dma_start3A_1746 = tpu.memref_slice %arg6[%dma_start3A_1744, %dma_start3A_1745] : memref<512x64xf32, #tpu.memory_space<vmem>> -> memref<16x64xf32, #tpu.memory_space<vmem>>
    %dma_start3A_1747 = arith.constant 0 : i32
    %dma_start3A_1748 = arith.constant 0 : i32
    %dma_start3A_1749 = tpu.memref_slice %arg3[%dma_start3A_1747, %dma_start3A_1748] : memref<1000000x64xf32, #tpu.memory_space<hbm>> -> memref<1000000x64xf32, #tpu.memory_space<hbm>>
    tpu.enqueue_indirect_dma source(%dma_start3A_1749 : memref<1000000x64xf32, #tpu.memory_space<hbm>>) target(%dma_start3A_1746 : memref<16x64xf32, #tpu.memory_space<vmem>>) offsets(%add3A_1743 : vector<16xi32>) semaphore(%arg7 : memref<!tpu.dma_semaphore, #tpu.memory_space<semaphore_mem>>)
    %get3A_1750 = arith.constant 960 : index
    %get3A_1751 = tpu.vector_load %arg5[%get3A_1750] {strides = array<i32>} : memref<1024xi32, #tpu.memory_space<vmem>>, vector<16xi32>,
    %get3A_1752 = vector.shape_cast %get3A_1751 : vector<16xi32> to vector<16xi32>
    %get3A_1753 = arith.constant 976 : index
    %get3A_1754 = tpu.vector_load %arg5[%get3A_1753] {strides = array<i32>} : memref<1024xi32, #tpu.memory_space<vmem>>, vector<16xi32>,
    %get3A_1755 = vector.shape_cast %get3A_1754 : vector<16xi32> to vector<16xi32>
    %lt3A_1756 = arith.constant 0 : i32
    %lt3A_1757 = vector.broadcast %lt3A_1756 : i32 to vector<16xi32>
    %lt3A_1758 = arith.cmpi slt, %mul3A_11, %lt3A_1757 : vector<16xi32>
    %add3A_1759 = arith.constant 16 : i32
    %add3A_1760 = vector.broadcast %add3A_1759 : i32 to vector<16xi32>
    %add3A_1761 = arith.addi %mul3A_11, %add3A_1760 : vector<16xi32>
    %select_n3A_1762 = arith.select %lt3A_1758, %add3A_1761, %mul3A_11 : vector<16xi1>, vector<16xi32>
    %broadcast_in_dim3A_1763 = vector.shape_cast %select_n3A_1762 : vector<16xi32> to vector<16x1xi32>
    %gather3A_1764 = vector.shape_cast %broadcast_in_dim3A_1763 : vector<16x1xi32> to vector<16xi32>
    %gather3A_1765 = tpu.dynamic_gather %get3A_1752[%gather3A_1764] in [0] : vector<16xi32>, vector<16xi32> -> vector<16xi32>
    %lt3A_1766 = arith.constant 0 : i32
    %lt3A_1767 = vector.broadcast %lt3A_1766 : i32 to vector<16xi32>
    %lt3A_1768 = arith.cmpi slt, %mul3A_11, %lt3A_1767 : vector<16xi32>
    %add3A_1769 = arith.constant 16 : i32
    %add3A_1770 = vector.broadcast %add3A_1769 : i32 to vector<16xi32>
    %add3A_1771 = arith.addi %mul3A_11, %add3A_1770 : vector<16xi32>
    %select_n3A_1772 = arith.select %lt3A_1768, %add3A_1771, %mul3A_11 : vector<16xi1>, vector<16xi32>
    %broadcast_in_dim3A_1773 = vector.shape_cast %select_n3A_1772 : vector<16xi32> to vector<16x1xi32>
    %gather3A_1774 = vector.shape_cast %broadcast_in_dim3A_1773 : vector<16x1xi32> to vector<16xi32>
    %gather3A_1775 = tpu.dynamic_gather %get3A_1755[%gather3A_1774] in [0] : vector<16xi32>, vector<16xi32> -> vector<16xi32>
    %select_n3A_1776 = arith.select %lt3A_6, %gather3A_1765, %gather3A_1775 : vector<16xi1>, vector<16xi32>
    %lt3A_1777 = arith.constant 0 : i32
    %lt3A_1778 = vector.broadcast %lt3A_1777 : i32 to vector<16xi32>
    %lt3A_1779 = arith.cmpi slt, %add3A_14, %lt3A_1778 : vector<16xi32>
    %add3A_1780 = arith.constant 16 : i32
    %add3A_1781 = vector.broadcast %add3A_1780 : i32 to vector<16xi32>
    %add3A_1782 = arith.addi %add3A_14, %add3A_1781 : vector<16xi32>
    %select_n3A_1783 = arith.select %lt3A_1779, %add3A_1782, %add3A_14 : vector<16xi1>, vector<16xi32>
    %broadcast_in_dim3A_1784 = vector.shape_cast %select_n3A_1783 : vector<16xi32> to vector<16x1xi32>
    %gather3A_1785 = vector.shape_cast %broadcast_in_dim3A_1784 : vector<16x1xi32> to vector<16xi32>
    %gather3A_1786 = tpu.dynamic_gather %get3A_1752[%gather3A_1785] in [0] : vector<16xi32>, vector<16xi32> -> vector<16xi32>
    %lt3A_1787 = arith.constant 0 : i32
    %lt3A_1788 = vector.broadcast %lt3A_1787 : i32 to vector<16xi32>
    %lt3A_1789 = arith.cmpi slt, %add3A_14, %lt3A_1788 : vector<16xi32>
    %add3A_1790 = arith.constant 16 : i32
    %add3A_1791 = vector.broadcast %add3A_1790 : i32 to vector<16xi32>
    %add3A_1792 = arith.addi %add3A_14, %add3A_1791 : vector<16xi32>
    %select_n3A_1793 = arith.select %lt3A_1789, %add3A_1792, %add3A_14 : vector<16xi1>, vector<16xi32>
    %broadcast_in_dim3A_1794 = vector.shape_cast %select_n3A_1793 : vector<16xi32> to vector<16x1xi32>
    %gather3A_1795 = vector.shape_cast %broadcast_in_dim3A_1794 : vector<16x1xi32> to vector<16xi32>
    %gather3A_1796 = tpu.dynamic_gather %get3A_1755[%gather3A_1795] in [0] : vector<16xi32>, vector<16xi32> -> vector<16xi32>
    %select_n3A_1797 = arith.select %lt3A_6, %gather3A_1786, %gather3A_1796 : vector<16xi1>, vector<16xi32>
    %mul3A_1798 = arith.constant 1000 : i32
    %mul3A_1799 = vector.broadcast %mul3A_1798 : i32 to vector<16xi32>
    %mul3A_1800 = arith.muli %select_n3A_1776, %mul3A_1799 : vector<16xi32>
    %add3A_1801 = arith.addi %mul3A_1800, %select_n3A_1797 : vector<16xi32>
    %dma_start3A_1802 = arith.constant 480 : i32
    %dma_start3A_1803 = arith.constant 0 : i32
    %dma_start3A_1804 = tpu.memref_slice %arg6[%dma_start3A_1802, %dma_start3A_1803] : memref<512x64xf32, #tpu.memory_space<vmem>> -> memref<16x64xf32, #tpu.memory_space<vmem>>
    %dma_start3A_1805 = arith.constant 0 : i32
    %dma_start3A_1806 = arith.constant 0 : i32
    %dma_start3A_1807 = tpu.memref_slice %arg3[%dma_start3A_1805, %dma_start3A_1806] : memref<1000000x64xf32, #tpu.memory_space<hbm>> -> memref<1000000x64xf32, #tpu.memory_space<hbm>>
    tpu.enqueue_indirect_dma source(%dma_start3A_1807 : memref<1000000x64xf32, #tpu.memory_space<hbm>>) target(%dma_start3A_1804 : memref<16x64xf32, #tpu.memory_space<vmem>>) offsets(%add3A_1801 : vector<16xi32>) semaphore(%arg7 : memref<!tpu.dma_semaphore, #tpu.memory_space<semaphore_mem>>)
    %get3A_1808 = arith.constant 992 : index
    %get3A_1809 = tpu.vector_load %arg5[%get3A_1808] {strides = array<i32>} : memref<1024xi32, #tpu.memory_space<vmem>>, vector<16xi32>,
    %get3A_1810 = vector.shape_cast %get3A_1809 : vector<16xi32> to vector<16xi32>
    %get3A_1811 = arith.constant 1008 : index
    %get3A_1812 = tpu.vector_load %arg5[%get3A_1811] {strides = array<i32>} : memref<1024xi32, #tpu.memory_space<vmem>>, vector<16xi32>,
    %get3A_1813 = vector.shape_cast %get3A_1812 : vector<16xi32> to vector<16xi32>
    %lt3A_1814 = arith.constant 0 : i32
    %lt3A_1815 = vector.broadcast %lt3A_1814 : i32 to vector<16xi32>
    %lt3A_1816 = arith.cmpi slt, %mul3A_11, %lt3A_1815 : vector<16xi32>
    %add3A_1817 = arith.constant 16 : i32
    %add3A_1818 = vector.broadcast %add3A_1817 : i32 to vector<16xi32>
    %add3A_1819 = arith.addi %mul3A_11, %add3A_1818 : vector<16xi32>
    %select_n3A_1820 = arith.select %lt3A_1816, %add3A_1819, %mul3A_11 : vector<16xi1>, vector<16xi32>
    %broadcast_in_dim3A_1821 = vector.shape_cast %select_n3A_1820 : vector<16xi32> to vector<16x1xi32>
    %gather3A_1822 = vector.shape_cast %broadcast_in_dim3A_1821 : vector<16x1xi32> to vector<16xi32>
    %gather3A_1823 = tpu.dynamic_gather %get3A_1810[%gather3A_1822] in [0] : vector<16xi32>, vector<16xi32> -> vector<16xi32>
    %lt3A_1824 = arith.constant 0 : i32
    %lt3A_1825 = vector.broadcast %lt3A_1824 : i32 to vector<16xi32>
    %lt3A_1826 = arith.cmpi slt, %mul3A_11, %lt3A_1825 : vector<16xi32>
    %add3A_1827 = arith.constant 16 : i32
    %add3A_1828 = vector.broadcast %add3A_1827 : i32 to vector<16xi32>
    %add3A_1829 = arith.addi %mul3A_11, %add3A_1828 : vector<16xi32>
    %select_n3A_1830 = arith.select %lt3A_1826, %add3A_1829, %mul3A_11 : vector<16xi1>, vector<16xi32>
    %broadcast_in_dim3A_1831 = vector.shape_cast %select_n3A_1830 : vector<16xi32> to vector<16x1xi32>
    %gather3A_1832 = vector.shape_cast %broadcast_in_dim3A_1831 : vector<16x1xi32> to vector<16xi32>
    %gather3A_1833 = tpu.dynamic_gather %get3A_1813[%gather3A_1832] in [0] : vector<16xi32>, vector<16xi32> -> vector<16xi32>
    %select_n3A_1834 = arith.select %lt3A_6, %gather3A_1823, %gather3A_1833 : vector<16xi1>, vector<16xi32>
    %lt3A_1835 = arith.constant 0 : i32
    %lt3A_1836 = vector.broadcast %lt3A_1835 : i32 to vector<16xi32>
    %lt3A_1837 = arith.cmpi slt, %add3A_14, %lt3A_1836 : vector<16xi32>
    %add3A_1838 = arith.constant 16 : i32
    %add3A_1839 = vector.broadcast %add3A_1838 : i32 to vector<16xi32>
    %add3A_1840 = arith.addi %add3A_14, %add3A_1839 : vector<16xi32>
    %select_n3A_1841 = arith.select %lt3A_1837, %add3A_1840, %add3A_14 : vector<16xi1>, vector<16xi32>
    %broadcast_in_dim3A_1842 = vector.shape_cast %select_n3A_1841 : vector<16xi32> to vector<16x1xi32>
    %gather3A_1843 = vector.shape_cast %broadcast_in_dim3A_1842 : vector<16x1xi32> to vector<16xi32>
    %gather3A_1844 = tpu.dynamic_gather %get3A_1810[%gather3A_1843] in [0] : vector<16xi32>, vector<16xi32> -> vector<16xi32>
    %lt3A_1845 = arith.constant 0 : i32
    %lt3A_1846 = vector.broadcast %lt3A_1845 : i32 to vector<16xi32>
    %lt3A_1847 = arith.cmpi slt, %add3A_14, %lt3A_1846 : vector<16xi32>
    %add3A_1848 = arith.constant 16 : i32
    %add3A_1849 = vector.broadcast %add3A_1848 : i32 to vector<16xi32>
    %add3A_1850 = arith.addi %add3A_14, %add3A_1849 : vector<16xi32>
    %select_n3A_1851 = arith.select %lt3A_1847, %add3A_1850, %add3A_14 : vector<16xi1>, vector<16xi32>
    %broadcast_in_dim3A_1852 = vector.shape_cast %select_n3A_1851 : vector<16xi32> to vector<16x1xi32>
    %gather3A_1853 = vector.shape_cast %broadcast_in_dim3A_1852 : vector<16x1xi32> to vector<16xi32>
    %gather3A_1854 = tpu.dynamic_gather %get3A_1813[%gather3A_1853] in [0] : vector<16xi32>, vector<16xi32> -> vector<16xi32>
    %select_n3A_1855 = arith.select %lt3A_6, %gather3A_1844, %gather3A_1854 : vector<16xi1>, vector<16xi32>
    %mul3A_1856 = arith.constant 1000 : i32
    %mul3A_1857 = vector.broadcast %mul3A_1856 : i32 to vector<16xi32>
    %mul3A_1858 = arith.muli %select_n3A_1834, %mul3A_1857 : vector<16xi32>
    %add3A_1859 = arith.addi %mul3A_1858, %select_n3A_1855 : vector<16xi32>
    %dma_start3A_1860 = arith.constant 496 : i32
    %dma_start3A_1861 = arith.constant 0 : i32
    %dma_start3A_1862 = tpu.memref_slice %arg6[%dma_start3A_1860, %dma_start3A_1861] : memref<512x64xf32, #tpu.memory_space<vmem>> -> memref<16x64xf32, #tpu.memory_space<vmem>>
    %dma_start3A_1863 = arith.constant 0 : i32
    %dma_start3A_1864 = arith.constant 0 : i32
    %dma_start3A_1865 = tpu.memref_slice %arg3[%dma_start3A_1863, %dma_start3A_1864] : memref<1000000x64xf32, #tpu.memory_space<hbm>> -> memref<1000000x64xf32, #tpu.memory_space<hbm>>
    tpu.enqueue_indirect_dma source(%dma_start3A_1865 : memref<1000000x64xf32, #tpu.memory_space<hbm>>) target(%dma_start3A_1862 : memref<16x64xf32, #tpu.memory_space<vmem>>) offsets(%add3A_1859 : vector<16xi32>) semaphore(%arg7 : memref<!tpu.dma_semaphore, #tpu.memory_space<semaphore_mem>>)
    %dma_wait3A = arith.constant 0 : i32
    %dma_wait3A_1866 = arith.constant 0 : i32
    %dma_wait3A_1867 = tpu.memref_slice %arg6[%dma_wait3A, %dma_wait3A_1866] : memref<512x64xf32, #tpu.memory_space<vmem>> -> memref<16x64xf32, #tpu.memory_space<vmem>>
    %dma_wait3A_1868 = arith.constant 0 : i32
    %dma_wait3A_1869 = arith.constant 0 : i32
    %dma_wait3A_1870 = tpu.memref_slice %arg3[%dma_wait3A_1868, %dma_wait3A_1869] : memref<1000000x64xf32, #tpu.memory_space<hbm>> -> memref<1000000x64xf32, #tpu.memory_space<hbm>>
    tpu.wait_indirect_dma semaphore(%arg7 : memref<!tpu.dma_semaphore, #tpu.memory_space<semaphore_mem>>) src(%dma_wait3A_1870 : memref<1000000x64xf32, #tpu.memory_space<hbm>>) dst(%dma_wait3A_1867 : memref<16x64xf32, #tpu.memory_space<vmem>>)
    %dma_wait3A_1871 = arith.constant 16 : i32
    %dma_wait3A_1872 = arith.constant 0 : i32
    %dma_wait3A_1873 = tpu.memref_slice %arg6[%dma_wait3A_1871, %dma_wait3A_1872] : memref<512x64xf32, #tpu.memory_space<vmem>> -> memref<16x64xf32, #tpu.memory_space<vmem>>
    %dma_wait3A_1874 = arith.constant 0 : i32
    %dma_wait3A_1875 = arith.constant 0 : i32
    %dma_wait3A_1876 = tpu.memref_slice %arg3[%dma_wait3A_1874, %dma_wait3A_1875] : memref<1000000x64xf32, #tpu.memory_space<hbm>> -> memref<1000000x64xf32, #tpu.memory_space<hbm>>
    tpu.wait_indirect_dma semaphore(%arg7 : memref<!tpu.dma_semaphore, #tpu.memory_space<semaphore_mem>>) src(%dma_wait3A_1876 : memref<1000000x64xf32, #tpu.memory_space<hbm>>) dst(%dma_wait3A_1873 : memref<16x64xf32, #tpu.memory_space<vmem>>)
    %dma_wait3A_1877 = arith.constant 32 : i32
    %dma_wait3A_1878 = arith.constant 0 : i32
    %dma_wait3A_1879 = tpu.memref_slice %arg6[%dma_wait3A_1877, %dma_wait3A_1878] : memref<512x64xf32, #tpu.memory_space<vmem>> -> memref<16x64xf32, #tpu.memory_space<vmem>>
    %dma_wait3A_1880 = arith.constant 0 : i32
    %dma_wait3A_1881 = arith.constant 0 : i32
    %dma_wait3A_1882 = tpu.memref_slice %arg3[%dma_wait3A_1880, %dma_wait3A_1881] : memref<1000000x64xf32, #tpu.memory_space<hbm>> -> memref<1000000x64xf32, #tpu.memory_space<hbm>>
    tpu.wait_indirect_dma semaphore(%arg7 : memref<!tpu.dma_semaphore, #tpu.memory_space<semaphore_mem>>) src(%dma_wait3A_1882 : memref<1000000x64xf32, #tpu.memory_space<hbm>>) dst(%dma_wait3A_1879 : memref<16x64xf32, #tpu.memory_space<vmem>>)
    %dma_wait3A_1883 = arith.constant 48 : i32
    %dma_wait3A_1884 = arith.constant 0 : i32
    %dma_wait3A_1885 = tpu.memref_slice %arg6[%dma_wait3A_1883, %dma_wait3A_1884] : memref<512x64xf32, #tpu.memory_space<vmem>> -> memref<16x64xf32, #tpu.memory_space<vmem>>
    %dma_wait3A_1886 = arith.constant 0 : i32
    %dma_wait3A_1887 = arith.constant 0 : i32
    %dma_wait3A_1888 = tpu.memref_slice %arg3[%dma_wait3A_1886, %dma_wait3A_1887] : memref<1000000x64xf32, #tpu.memory_space<hbm>> -> memref<1000000x64xf32, #tpu.memory_space<hbm>>
    tpu.wait_indirect_dma semaphore(%arg7 : memref<!tpu.dma_semaphore, #tpu.memory_space<semaphore_mem>>) src(%dma_wait3A_1888 : memref<1000000x64xf32, #tpu.memory_space<hbm>>) dst(%dma_wait3A_1885 : memref<16x64xf32, #tpu.memory_space<vmem>>)
    %dma_wait3A_1889 = arith.constant 64 : i32
    %dma_wait3A_1890 = arith.constant 0 : i32
    %dma_wait3A_1891 = tpu.memref_slice %arg6[%dma_wait3A_1889, %dma_wait3A_1890] : memref<512x64xf32, #tpu.memory_space<vmem>> -> memref<16x64xf32, #tpu.memory_space<vmem>>
    %dma_wait3A_1892 = arith.constant 0 : i32
    %dma_wait3A_1893 = arith.constant 0 : i32
    %dma_wait3A_1894 = tpu.memref_slice %arg3[%dma_wait3A_1892, %dma_wait3A_1893] : memref<1000000x64xf32, #tpu.memory_space<hbm>> -> memref<1000000x64xf32, #tpu.memory_space<hbm>>
    tpu.wait_indirect_dma semaphore(%arg7 : memref<!tpu.dma_semaphore, #tpu.memory_space<semaphore_mem>>) src(%dma_wait3A_1894 : memref<1000000x64xf32, #tpu.memory_space<hbm>>) dst(%dma_wait3A_1891 : memref<16x64xf32, #tpu.memory_space<vmem>>)
    %dma_wait3A_1895 = arith.constant 80 : i32
    %dma_wait3A_1896 = arith.constant 0 : i32
    %dma_wait3A_1897 = tpu.memref_slice %arg6[%dma_wait3A_1895, %dma_wait3A_1896] : memref<512x64xf32, #tpu.memory_space<vmem>> -> memref<16x64xf32, #tpu.memory_space<vmem>>
    %dma_wait3A_1898 = arith.constant 0 : i32
    %dma_wait3A_1899 = arith.constant 0 : i32
    %dma_wait3A_1900 = tpu.memref_slice %arg3[%dma_wait3A_1898, %dma_wait3A_1899] : memref<1000000x64xf32, #tpu.memory_space<hbm>> -> memref<1000000x64xf32, #tpu.memory_space<hbm>>
    tpu.wait_indirect_dma semaphore(%arg7 : memref<!tpu.dma_semaphore, #tpu.memory_space<semaphore_mem>>) src(%dma_wait3A_1900 : memref<1000000x64xf32, #tpu.memory_space<hbm>>) dst(%dma_wait3A_1897 : memref<16x64xf32, #tpu.memory_space<vmem>>)
    %dma_wait3A_1901 = arith.constant 96 : i32
    %dma_wait3A_1902 = arith.constant 0 : i32
    %dma_wait3A_1903 = tpu.memref_slice %arg6[%dma_wait3A_1901, %dma_wait3A_1902] : memref<512x64xf32, #tpu.memory_space<vmem>> -> memref<16x64xf32, #tpu.memory_space<vmem>>
    %dma_wait3A_1904 = arith.constant 0 : i32
    %dma_wait3A_1905 = arith.constant 0 : i32
    %dma_wait3A_1906 = tpu.memref_slice %arg3[%dma_wait3A_1904, %dma_wait3A_1905] : memref<1000000x64xf32, #tpu.memory_space<hbm>> -> memref<1000000x64xf32, #tpu.memory_space<hbm>>
    tpu.wait_indirect_dma semaphore(%arg7 : memref<!tpu.dma_semaphore, #tpu.memory_space<semaphore_mem>>) src(%dma_wait3A_1906 : memref<1000000x64xf32, #tpu.memory_space<hbm>>) dst(%dma_wait3A_1903 : memref<16x64xf32, #tpu.memory_space<vmem>>)
    %dma_wait3A_1907 = arith.constant 112 : i32
    %dma_wait3A_1908 = arith.constant 0 : i32
    %dma_wait3A_1909 = tpu.memref_slice %arg6[%dma_wait3A_1907, %dma_wait3A_1908] : memref<512x64xf32, #tpu.memory_space<vmem>> -> memref<16x64xf32, #tpu.memory_space<vmem>>
    %dma_wait3A_1910 = arith.constant 0 : i32
    %dma_wait3A_1911 = arith.constant 0 : i32
    %dma_wait3A_1912 = tpu.memref_slice %arg3[%dma_wait3A_1910, %dma_wait3A_1911] : memref<1000000x64xf32, #tpu.memory_space<hbm>> -> memref<1000000x64xf32, #tpu.memory_space<hbm>>
    tpu.wait_indirect_dma semaphore(%arg7 : memref<!tpu.dma_semaphore, #tpu.memory_space<semaphore_mem>>) src(%dma_wait3A_1912 : memref<1000000x64xf32, #tpu.memory_space<hbm>>) dst(%dma_wait3A_1909 : memref<16x64xf32, #tpu.memory_space<vmem>>)
    %dma_wait3A_1913 = arith.constant 128 : i32
    %dma_wait3A_1914 = arith.constant 0 : i32
    %dma_wait3A_1915 = tpu.memref_slice %arg6[%dma_wait3A_1913, %dma_wait3A_1914] : memref<512x64xf32, #tpu.memory_space<vmem>> -> memref<16x64xf32, #tpu.memory_space<vmem>>
    %dma_wait3A_1916 = arith.constant 0 : i32
    %dma_wait3A_1917 = arith.constant 0 : i32
    %dma_wait3A_1918 = tpu.memref_slice %arg3[%dma_wait3A_1916, %dma_wait3A_1917] : memref<1000000x64xf32, #tpu.memory_space<hbm>> -> memref<1000000x64xf32, #tpu.memory_space<hbm>>
    tpu.wait_indirect_dma semaphore(%arg7 : memref<!tpu.dma_semaphore, #tpu.memory_space<semaphore_mem>>) src(%dma_wait3A_1918 : memref<1000000x64xf32, #tpu.memory_space<hbm>>) dst(%dma_wait3A_1915 : memref<16x64xf32, #tpu.memory_space<vmem>>)
    %dma_wait3A_1919 = arith.constant 144 : i32
    %dma_wait3A_1920 = arith.constant 0 : i32
    %dma_wait3A_1921 = tpu.memref_slice %arg6[%dma_wait3A_1919, %dma_wait3A_1920] : memref<512x64xf32, #tpu.memory_space<vmem>> -> memref<16x64xf32, #tpu.memory_space<vmem>>
    %dma_wait3A_1922 = arith.constant 0 : i32
    %dma_wait3A_1923 = arith.constant 0 : i32
    %dma_wait3A_1924 = tpu.memref_slice %arg3[%dma_wait3A_1922, %dma_wait3A_1923] : memref<1000000x64xf32, #tpu.memory_space<hbm>> -> memref<1000000x64xf32, #tpu.memory_space<hbm>>
    tpu.wait_indirect_dma semaphore(%arg7 : memref<!tpu.dma_semaphore, #tpu.memory_space<semaphore_mem>>) src(%dma_wait3A_1924 : memref<1000000x64xf32, #tpu.memory_space<hbm>>) dst(%dma_wait3A_1921 : memref<16x64xf32, #tpu.memory_space<vmem>>)
    %dma_wait3A_1925 = arith.constant 160 : i32
    %dma_wait3A_1926 = arith.constant 0 : i32
    %dma_wait3A_1927 = tpu.memref_slice %arg6[%dma_wait3A_1925, %dma_wait3A_1926] : memref<512x64xf32, #tpu.memory_space<vmem>> -> memref<16x64xf32, #tpu.memory_space<vmem>>
    %dma_wait3A_1928 = arith.constant 0 : i32
    %dma_wait3A_1929 = arith.constant 0 : i32
    %dma_wait3A_1930 = tpu.memref_slice %arg3[%dma_wait3A_1928, %dma_wait3A_1929] : memref<1000000x64xf32, #tpu.memory_space<hbm>> -> memref<1000000x64xf32, #tpu.memory_space<hbm>>
    tpu.wait_indirect_dma semaphore(%arg7 : memref<!tpu.dma_semaphore, #tpu.memory_space<semaphore_mem>>) src(%dma_wait3A_1930 : memref<1000000x64xf32, #tpu.memory_space<hbm>>) dst(%dma_wait3A_1927 : memref<16x64xf32, #tpu.memory_space<vmem>>)
    %dma_wait3A_1931 = arith.constant 176 : i32
    %dma_wait3A_1932 = arith.constant 0 : i32
    %dma_wait3A_1933 = tpu.memref_slice %arg6[%dma_wait3A_1931, %dma_wait3A_1932] : memref<512x64xf32, #tpu.memory_space<vmem>> -> memref<16x64xf32, #tpu.memory_space<vmem>>
    %dma_wait3A_1934 = arith.constant 0 : i32
    %dma_wait3A_1935 = arith.constant 0 : i32
    %dma_wait3A_1936 = tpu.memref_slice %arg3[%dma_wait3A_1934, %dma_wait3A_1935] : memref<1000000x64xf32, #tpu.memory_space<hbm>> -> memref<1000000x64xf32, #tpu.memory_space<hbm>>
    tpu.wait_indirect_dma semaphore(%arg7 : memref<!tpu.dma_semaphore, #tpu.memory_space<semaphore_mem>>) src(%dma_wait3A_1936 : memref<1000000x64xf32, #tpu.memory_space<hbm>>) dst(%dma_wait3A_1933 : memref<16x64xf32, #tpu.memory_space<vmem>>)
    %dma_wait3A_1937 = arith.constant 192 : i32
    %dma_wait3A_1938 = arith.constant 0 : i32
    %dma_wait3A_1939 = tpu.memref_slice %arg6[%dma_wait3A_1937, %dma_wait3A_1938] : memref<512x64xf32, #tpu.memory_space<vmem>> -> memref<16x64xf32, #tpu.memory_space<vmem>>
    %dma_wait3A_1940 = arith.constant 0 : i32
    %dma_wait3A_1941 = arith.constant 0 : i32
    %dma_wait3A_1942 = tpu.memref_slice %arg3[%dma_wait3A_1940, %dma_wait3A_1941] : memref<1000000x64xf32, #tpu.memory_space<hbm>> -> memref<1000000x64xf32, #tpu.memory_space<hbm>>
    tpu.wait_indirect_dma semaphore(%arg7 : memref<!tpu.dma_semaphore, #tpu.memory_space<semaphore_mem>>) src(%dma_wait3A_1942 : memref<1000000x64xf32, #tpu.memory_space<hbm>>) dst(%dma_wait3A_1939 : memref<16x64xf32, #tpu.memory_space<vmem>>)
    %dma_wait3A_1943 = arith.constant 208 : i32
    %dma_wait3A_1944 = arith.constant 0 : i32
    %dma_wait3A_1945 = tpu.memref_slice %arg6[%dma_wait3A_1943, %dma_wait3A_1944] : memref<512x64xf32, #tpu.memory_space<vmem>> -> memref<16x64xf32, #tpu.memory_space<vmem>>
    %dma_wait3A_1946 = arith.constant 0 : i32
    %dma_wait3A_1947 = arith.constant 0 : i32
    %dma_wait3A_1948 = tpu.memref_slice %arg3[%dma_wait3A_1946, %dma_wait3A_1947] : memref<1000000x64xf32, #tpu.memory_space<hbm>> -> memref<1000000x64xf32, #tpu.memory_space<hbm>>
    tpu.wait_indirect_dma semaphore(%arg7 : memref<!tpu.dma_semaphore, #tpu.memory_space<semaphore_mem>>) src(%dma_wait3A_1948 : memref<1000000x64xf32, #tpu.memory_space<hbm>>) dst(%dma_wait3A_1945 : memref<16x64xf32, #tpu.memory_space<vmem>>)
    %dma_wait3A_1949 = arith.constant 224 : i32
    %dma_wait3A_1950 = arith.constant 0 : i32
    %dma_wait3A_1951 = tpu.memref_slice %arg6[%dma_wait3A_1949, %dma_wait3A_1950] : memref<512x64xf32, #tpu.memory_space<vmem>> -> memref<16x64xf32, #tpu.memory_space<vmem>>
    %dma_wait3A_1952 = arith.constant 0 : i32
    %dma_wait3A_1953 = arith.constant 0 : i32
    %dma_wait3A_1954 = tpu.memref_slice %arg3[%dma_wait3A_1952, %dma_wait3A_1953] : memref<1000000x64xf32, #tpu.memory_space<hbm>> -> memref<1000000x64xf32, #tpu.memory_space<hbm>>
    tpu.wait_indirect_dma semaphore(%arg7 : memref<!tpu.dma_semaphore, #tpu.memory_space<semaphore_mem>>) src(%dma_wait3A_1954 : memref<1000000x64xf32, #tpu.memory_space<hbm>>) dst(%dma_wait3A_1951 : memref<16x64xf32, #tpu.memory_space<vmem>>)
    %dma_wait3A_1955 = arith.constant 240 : i32
    %dma_wait3A_1956 = arith.constant 0 : i32
    %dma_wait3A_1957 = tpu.memref_slice %arg6[%dma_wait3A_1955, %dma_wait3A_1956] : memref<512x64xf32, #tpu.memory_space<vmem>> -> memref<16x64xf32, #tpu.memory_space<vmem>>
    %dma_wait3A_1958 = arith.constant 0 : i32
    %dma_wait3A_1959 = arith.constant 0 : i32
    %dma_wait3A_1960 = tpu.memref_slice %arg3[%dma_wait3A_1958, %dma_wait3A_1959] : memref<1000000x64xf32, #tpu.memory_space<hbm>> -> memref<1000000x64xf32, #tpu.memory_space<hbm>>
    tpu.wait_indirect_dma semaphore(%arg7 : memref<!tpu.dma_semaphore, #tpu.memory_space<semaphore_mem>>) src(%dma_wait3A_1960 : memref<1000000x64xf32, #tpu.memory_space<hbm>>) dst(%dma_wait3A_1957 : memref<16x64xf32, #tpu.memory_space<vmem>>)
    %dma_wait3A_1961 = arith.constant 256 : i32
    %dma_wait3A_1962 = arith.constant 0 : i32
    %dma_wait3A_1963 = tpu.memref_slice %arg6[%dma_wait3A_1961, %dma_wait3A_1962] : memref<512x64xf32, #tpu.memory_space<vmem>> -> memref<16x64xf32, #tpu.memory_space<vmem>>
    %dma_wait3A_1964 = arith.constant 0 : i32
    %dma_wait3A_1965 = arith.constant 0 : i32
    %dma_wait3A_1966 = tpu.memref_slice %arg3[%dma_wait3A_1964, %dma_wait3A_1965] : memref<1000000x64xf32, #tpu.memory_space<hbm>> -> memref<1000000x64xf32, #tpu.memory_space<hbm>>
    tpu.wait_indirect_dma semaphore(%arg7 : memref<!tpu.dma_semaphore, #tpu.memory_space<semaphore_mem>>) src(%dma_wait3A_1966 : memref<1000000x64xf32, #tpu.memory_space<hbm>>) dst(%dma_wait3A_1963 : memref<16x64xf32, #tpu.memory_space<vmem>>)
    %dma_wait3A_1967 = arith.constant 272 : i32
    %dma_wait3A_1968 = arith.constant 0 : i32
    %dma_wait3A_1969 = tpu.memref_slice %arg6[%dma_wait3A_1967, %dma_wait3A_1968] : memref<512x64xf32, #tpu.memory_space<vmem>> -> memref<16x64xf32, #tpu.memory_space<vmem>>
    %dma_wait3A_1970 = arith.constant 0 : i32
    %dma_wait3A_1971 = arith.constant 0 : i32
    %dma_wait3A_1972 = tpu.memref_slice %arg3[%dma_wait3A_1970, %dma_wait3A_1971] : memref<1000000x64xf32, #tpu.memory_space<hbm>> -> memref<1000000x64xf32, #tpu.memory_space<hbm>>
    tpu.wait_indirect_dma semaphore(%arg7 : memref<!tpu.dma_semaphore, #tpu.memory_space<semaphore_mem>>) src(%dma_wait3A_1972 : memref<1000000x64xf32, #tpu.memory_space<hbm>>) dst(%dma_wait3A_1969 : memref<16x64xf32, #tpu.memory_space<vmem>>)
    %dma_wait3A_1973 = arith.constant 288 : i32
    %dma_wait3A_1974 = arith.constant 0 : i32
    %dma_wait3A_1975 = tpu.memref_slice %arg6[%dma_wait3A_1973, %dma_wait3A_1974] : memref<512x64xf32, #tpu.memory_space<vmem>> -> memref<16x64xf32, #tpu.memory_space<vmem>>
    %dma_wait3A_1976 = arith.constant 0 : i32
    %dma_wait3A_1977 = arith.constant 0 : i32
    %dma_wait3A_1978 = tpu.memref_slice %arg3[%dma_wait3A_1976, %dma_wait3A_1977] : memref<1000000x64xf32, #tpu.memory_space<hbm>> -> memref<1000000x64xf32, #tpu.memory_space<hbm>>
    tpu.wait_indirect_dma semaphore(%arg7 : memref<!tpu.dma_semaphore, #tpu.memory_space<semaphore_mem>>) src(%dma_wait3A_1978 : memref<1000000x64xf32, #tpu.memory_space<hbm>>) dst(%dma_wait3A_1975 : memref<16x64xf32, #tpu.memory_space<vmem>>)
    %dma_wait3A_1979 = arith.constant 304 : i32
    %dma_wait3A_1980 = arith.constant 0 : i32
    %dma_wait3A_1981 = tpu.memref_slice %arg6[%dma_wait3A_1979, %dma_wait3A_1980] : memref<512x64xf32, #tpu.memory_space<vmem>> -> memref<16x64xf32, #tpu.memory_space<vmem>>
    %dma_wait3A_1982 = arith.constant 0 : i32
    %dma_wait3A_1983 = arith.constant 0 : i32
    %dma_wait3A_1984 = tpu.memref_slice %arg3[%dma_wait3A_1982, %dma_wait3A_1983] : memref<1000000x64xf32, #tpu.memory_space<hbm>> -> memref<1000000x64xf32, #tpu.memory_space<hbm>>
    tpu.wait_indirect_dma semaphore(%arg7 : memref<!tpu.dma_semaphore, #tpu.memory_space<semaphore_mem>>) src(%dma_wait3A_1984 : memref<1000000x64xf32, #tpu.memory_space<hbm>>) dst(%dma_wait3A_1981 : memref<16x64xf32, #tpu.memory_space<vmem>>)
    %dma_wait3A_1985 = arith.constant 320 : i32
    %dma_wait3A_1986 = arith.constant 0 : i32
    %dma_wait3A_1987 = tpu.memref_slice %arg6[%dma_wait3A_1985, %dma_wait3A_1986] : memref<512x64xf32, #tpu.memory_space<vmem>> -> memref<16x64xf32, #tpu.memory_space<vmem>>
    %dma_wait3A_1988 = arith.constant 0 : i32
    %dma_wait3A_1989 = arith.constant 0 : i32
    %dma_wait3A_1990 = tpu.memref_slice %arg3[%dma_wait3A_1988, %dma_wait3A_1989] : memref<1000000x64xf32, #tpu.memory_space<hbm>> -> memref<1000000x64xf32, #tpu.memory_space<hbm>>
    tpu.wait_indirect_dma semaphore(%arg7 : memref<!tpu.dma_semaphore, #tpu.memory_space<semaphore_mem>>) src(%dma_wait3A_1990 : memref<1000000x64xf32, #tpu.memory_space<hbm>>) dst(%dma_wait3A_1987 : memref<16x64xf32, #tpu.memory_space<vmem>>)
    %dma_wait3A_1991 = arith.constant 336 : i32
    %dma_wait3A_1992 = arith.constant 0 : i32
    %dma_wait3A_1993 = tpu.memref_slice %arg6[%dma_wait3A_1991, %dma_wait3A_1992] : memref<512x64xf32, #tpu.memory_space<vmem>> -> memref<16x64xf32, #tpu.memory_space<vmem>>
    %dma_wait3A_1994 = arith.constant 0 : i32
    %dma_wait3A_1995 = arith.constant 0 : i32
    %dma_wait3A_1996 = tpu.memref_slice %arg3[%dma_wait3A_1994, %dma_wait3A_1995] : memref<1000000x64xf32, #tpu.memory_space<hbm>> -> memref<1000000x64xf32, #tpu.memory_space<hbm>>
    tpu.wait_indirect_dma semaphore(%arg7 : memref<!tpu.dma_semaphore, #tpu.memory_space<semaphore_mem>>) src(%dma_wait3A_1996 : memref<1000000x64xf32, #tpu.memory_space<hbm>>) dst(%dma_wait3A_1993 : memref<16x64xf32, #tpu.memory_space<vmem>>)
    %dma_wait3A_1997 = arith.constant 352 : i32
    %dma_wait3A_1998 = arith.constant 0 : i32
    %dma_wait3A_1999 = tpu.memref_slice %arg6[%dma_wait3A_1997, %dma_wait3A_1998] : memref<512x64xf32, #tpu.memory_space<vmem>> -> memref<16x64xf32, #tpu.memory_space<vmem>>
    %dma_wait3A_2000 = arith.constant 0 : i32
    %dma_wait3A_2001 = arith.constant 0 : i32
    %dma_wait3A_2002 = tpu.memref_slice %arg3[%dma_wait3A_2000, %dma_wait3A_2001] : memref<1000000x64xf32, #tpu.memory_space<hbm>> -> memref<1000000x64xf32, #tpu.memory_space<hbm>>
    tpu.wait_indirect_dma semaphore(%arg7 : memref<!tpu.dma_semaphore, #tpu.memory_space<semaphore_mem>>) src(%dma_wait3A_2002 : memref<1000000x64xf32, #tpu.memory_space<hbm>>) dst(%dma_wait3A_1999 : memref<16x64xf32, #tpu.memory_space<vmem>>)
    %dma_wait3A_2003 = arith.constant 368 : i32
    %dma_wait3A_2004 = arith.constant 0 : i32
    %dma_wait3A_2005 = tpu.memref_slice %arg6[%dma_wait3A_2003, %dma_wait3A_2004] : memref<512x64xf32, #tpu.memory_space<vmem>> -> memref<16x64xf32, #tpu.memory_space<vmem>>
    %dma_wait3A_2006 = arith.constant 0 : i32
    %dma_wait3A_2007 = arith.constant 0 : i32
    %dma_wait3A_2008 = tpu.memref_slice %arg3[%dma_wait3A_2006, %dma_wait3A_2007] : memref<1000000x64xf32, #tpu.memory_space<hbm>> -> memref<1000000x64xf32, #tpu.memory_space<hbm>>
    tpu.wait_indirect_dma semaphore(%arg7 : memref<!tpu.dma_semaphore, #tpu.memory_space<semaphore_mem>>) src(%dma_wait3A_2008 : memref<1000000x64xf32, #tpu.memory_space<hbm>>) dst(%dma_wait3A_2005 : memref<16x64xf32, #tpu.memory_space<vmem>>)
    %dma_wait3A_2009 = arith.constant 384 : i32
    %dma_wait3A_2010 = arith.constant 0 : i32
    %dma_wait3A_2011 = tpu.memref_slice %arg6[%dma_wait3A_2009, %dma_wait3A_2010] : memref<512x64xf32, #tpu.memory_space<vmem>> -> memref<16x64xf32, #tpu.memory_space<vmem>>
    %dma_wait3A_2012 = arith.constant 0 : i32
    %dma_wait3A_2013 = arith.constant 0 : i32
    %dma_wait3A_2014 = tpu.memref_slice %arg3[%dma_wait3A_2012, %dma_wait3A_2013] : memref<1000000x64xf32, #tpu.memory_space<hbm>> -> memref<1000000x64xf32, #tpu.memory_space<hbm>>
    tpu.wait_indirect_dma semaphore(%arg7 : memref<!tpu.dma_semaphore, #tpu.memory_space<semaphore_mem>>) src(%dma_wait3A_2014 : memref<1000000x64xf32, #tpu.memory_space<hbm>>) dst(%dma_wait3A_2011 : memref<16x64xf32, #tpu.memory_space<vmem>>)
    %dma_wait3A_2015 = arith.constant 400 : i32
    %dma_wait3A_2016 = arith.constant 0 : i32
    %dma_wait3A_2017 = tpu.memref_slice %arg6[%dma_wait3A_2015, %dma_wait3A_2016] : memref<512x64xf32, #tpu.memory_space<vmem>> -> memref<16x64xf32, #tpu.memory_space<vmem>>
    %dma_wait3A_2018 = arith.constant 0 : i32
    %dma_wait3A_2019 = arith.constant 0 : i32
    %dma_wait3A_2020 = tpu.memref_slice %arg3[%dma_wait3A_2018, %dma_wait3A_2019] : memref<1000000x64xf32, #tpu.memory_space<hbm>> -> memref<1000000x64xf32, #tpu.memory_space<hbm>>
    tpu.wait_indirect_dma semaphore(%arg7 : memref<!tpu.dma_semaphore, #tpu.memory_space<semaphore_mem>>) src(%dma_wait3A_2020 : memref<1000000x64xf32, #tpu.memory_space<hbm>>) dst(%dma_wait3A_2017 : memref<16x64xf32, #tpu.memory_space<vmem>>)
    %dma_wait3A_2021 = arith.constant 416 : i32
    %dma_wait3A_2022 = arith.constant 0 : i32
    %dma_wait3A_2023 = tpu.memref_slice %arg6[%dma_wait3A_2021, %dma_wait3A_2022] : memref<512x64xf32, #tpu.memory_space<vmem>> -> memref<16x64xf32, #tpu.memory_space<vmem>>
    %dma_wait3A_2024 = arith.constant 0 : i32
    %dma_wait3A_2025 = arith.constant 0 : i32
    %dma_wait3A_2026 = tpu.memref_slice %arg3[%dma_wait3A_2024, %dma_wait3A_2025] : memref<1000000x64xf32, #tpu.memory_space<hbm>> -> memref<1000000x64xf32, #tpu.memory_space<hbm>>
    tpu.wait_indirect_dma semaphore(%arg7 : memref<!tpu.dma_semaphore, #tpu.memory_space<semaphore_mem>>) src(%dma_wait3A_2026 : memref<1000000x64xf32, #tpu.memory_space<hbm>>) dst(%dma_wait3A_2023 : memref<16x64xf32, #tpu.memory_space<vmem>>)
    %dma_wait3A_2027 = arith.constant 432 : i32
    %dma_wait3A_2028 = arith.constant 0 : i32
    %dma_wait3A_2029 = tpu.memref_slice %arg6[%dma_wait3A_2027, %dma_wait3A_2028] : memref<512x64xf32, #tpu.memory_space<vmem>> -> memref<16x64xf32, #tpu.memory_space<vmem>>
    %dma_wait3A_2030 = arith.constant 0 : i32
    %dma_wait3A_2031 = arith.constant 0 : i32
    %dma_wait3A_2032 = tpu.memref_slice %arg3[%dma_wait3A_2030, %dma_wait3A_2031] : memref<1000000x64xf32, #tpu.memory_space<hbm>> -> memref<1000000x64xf32, #tpu.memory_space<hbm>>
    tpu.wait_indirect_dma semaphore(%arg7 : memref<!tpu.dma_semaphore, #tpu.memory_space<semaphore_mem>>) src(%dma_wait3A_2032 : memref<1000000x64xf32, #tpu.memory_space<hbm>>) dst(%dma_wait3A_2029 : memref<16x64xf32, #tpu.memory_space<vmem>>)
    %dma_wait3A_2033 = arith.constant 448 : i32
    %dma_wait3A_2034 = arith.constant 0 : i32
    %dma_wait3A_2035 = tpu.memref_slice %arg6[%dma_wait3A_2033, %dma_wait3A_2034] : memref<512x64xf32, #tpu.memory_space<vmem>> -> memref<16x64xf32, #tpu.memory_space<vmem>>
    %dma_wait3A_2036 = arith.constant 0 : i32
    %dma_wait3A_2037 = arith.constant 0 : i32
    %dma_wait3A_2038 = tpu.memref_slice %arg3[%dma_wait3A_2036, %dma_wait3A_2037] : memref<1000000x64xf32, #tpu.memory_space<hbm>> -> memref<1000000x64xf32, #tpu.memory_space<hbm>>
    tpu.wait_indirect_dma semaphore(%arg7 : memref<!tpu.dma_semaphore, #tpu.memory_space<semaphore_mem>>) src(%dma_wait3A_2038 : memref<1000000x64xf32, #tpu.memory_space<hbm>>) dst(%dma_wait3A_2035 : memref<16x64xf32, #tpu.memory_space<vmem>>)
    %dma_wait3A_2039 = arith.constant 464 : i32
    %dma_wait3A_2040 = arith.constant 0 : i32
    %dma_wait3A_2041 = tpu.memref_slice %arg6[%dma_wait3A_2039, %dma_wait3A_2040] : memref<512x64xf32, #tpu.memory_space<vmem>> -> memref<16x64xf32, #tpu.memory_space<vmem>>
    %dma_wait3A_2042 = arith.constant 0 : i32
    %dma_wait3A_2043 = arith.constant 0 : i32
    %dma_wait3A_2044 = tpu.memref_slice %arg3[%dma_wait3A_2042, %dma_wait3A_2043] : memref<1000000x64xf32, #tpu.memory_space<hbm>> -> memref<1000000x64xf32, #tpu.memory_space<hbm>>
    tpu.wait_indirect_dma semaphore(%arg7 : memref<!tpu.dma_semaphore, #tpu.memory_space<semaphore_mem>>) src(%dma_wait3A_2044 : memref<1000000x64xf32, #tpu.memory_space<hbm>>) dst(%dma_wait3A_2041 : memref<16x64xf32, #tpu.memory_space<vmem>>)
    %dma_wait3A_2045 = arith.constant 480 : i32
    %dma_wait3A_2046 = arith.constant 0 : i32
    %dma_wait3A_2047 = tpu.memref_slice %arg6[%dma_wait3A_2045, %dma_wait3A_2046] : memref<512x64xf32, #tpu.memory_space<vmem>> -> memref<16x64xf32, #tpu.memory_space<vmem>>
    %dma_wait3A_2048 = arith.constant 0 : i32
    %dma_wait3A_2049 = arith.constant 0 : i32
    %dma_wait3A_2050 = tpu.memref_slice %arg3[%dma_wait3A_2048, %dma_wait3A_2049] : memref<1000000x64xf32, #tpu.memory_space<hbm>> -> memref<1000000x64xf32, #tpu.memory_space<hbm>>
    tpu.wait_indirect_dma semaphore(%arg7 : memref<!tpu.dma_semaphore, #tpu.memory_space<semaphore_mem>>) src(%dma_wait3A_2050 : memref<1000000x64xf32, #tpu.memory_space<hbm>>) dst(%dma_wait3A_2047 : memref<16x64xf32, #tpu.memory_space<vmem>>)
    %dma_wait3A_2051 = arith.constant 496 : i32
    %dma_wait3A_2052 = arith.constant 0 : i32
    %dma_wait3A_2053 = tpu.memref_slice %arg6[%dma_wait3A_2051, %dma_wait3A_2052] : memref<512x64xf32, #tpu.memory_space<vmem>> -> memref<16x64xf32, #tpu.memory_space<vmem>>
    %dma_wait3A_2054 = arith.constant 0 : i32
    %dma_wait3A_2055 = arith.constant 0 : i32
    %dma_wait3A_2056 = tpu.memref_slice %arg3[%dma_wait3A_2054, %dma_wait3A_2055] : memref<1000000x64xf32, #tpu.memory_space<hbm>> -> memref<1000000x64xf32, #tpu.memory_space<hbm>>
    tpu.wait_indirect_dma semaphore(%arg7 : memref<!tpu.dma_semaphore, #tpu.memory_space<semaphore_mem>>) src(%dma_wait3A_2056 : memref<1000000x64xf32, #tpu.memory_space<hbm>>) dst(%dma_wait3A_2053 : memref<16x64xf32, #tpu.memory_space<vmem>>)
    "tpu.region"() ({
      %run_scoped3A = tpu.sem_alloc : memref<!tpu.dma_semaphore, #tpu.memory_space<semaphore_mem>>
      %dma_start3A_2057 = arith.constant 0 : i32
      %dma_start3A_2058 = tpu.memref_slice %arg4[%mul3A_2, %dma_start3A_2057] : memref<16384x64xf32, #tpu.memory_space<hbm>> -> memref<512x64xf32, #tpu.memory_space<hbm>>
      %dma_start3A_2059 = arith.constant 0 : i32
      %dma_start3A_2060 = tpu.memref_slice %arg4[%mul3A_2, %dma_start3A_2059] : memref<16384x64xf32, #tpu.memory_space<hbm>> -> memref<512x64xf32, #tpu.memory_space<hbm>>
      tpu.enqueue_dma source(%arg6 : memref<512x64xf32, #tpu.memory_space<vmem>>) target(%dma_start3A_2060 : memref<512x64xf32, #tpu.memory_space<hbm>>) target_semaphore(%run_scoped3A : memref<!tpu.dma_semaphore, #tpu.memory_space<semaphore_mem>>)
      %dma_wait3A_2061 = arith.constant 0 : i32
      %dma_wait3A_2062 = tpu.memref_slice %arg4[%mul3A_2, %dma_wait3A_2061] : memref<16384x64xf32, #tpu.memory_space<hbm>> -> memref<512x64xf32, #tpu.memory_space<hbm>>
      %dma_wait3A_2063 = arith.constant 0 : i32
      %dma_wait3A_2064 = tpu.memref_slice %arg4[%mul3A_2, %dma_wait3A_2063] : memref<16384x64xf32, #tpu.memory_space<hbm>> -> memref<512x64xf32, #tpu.memory_space<hbm>>
      tpu.wait_dma2 semaphore(%run_scoped3A : memref<!tpu.dma_semaphore, #tpu.memory_space<semaphore_mem>>) src(%arg6 : memref<512x64xf32, #tpu.memory_space<vmem>>) dst(%dma_wait3A_2064 : memref<512x64xf32, #tpu.memory_space<hbm>>)
      tpu.yield
    }) : () -> ()
    return
  }
}

</mosaic_0001>

<sc_bundles>
// kernel: kernel.3.cloned.1.call-start
scs
__scs_entry_jumppad:
0x0: {  	(pc) =	sbr.rel $0x88, $3  }
0x1: {  	(tag) =	ssettag $0x0;
	lr =	simm.s32 $0x1  }
0x2: {  	[smem:$0x3F9F] =	sst lr;
	_ =	strace $0xD0000000  }
0x3: {  	_ = 	snop  }
0x4: {  	_ = 	snop  }
0x5: {  	_ = 	snop  }
0x6: {  	_ = 	snop  }
0x7: {  	_ = 	snop  }
__scs_overlays_trampoline_lowered:
0x8: {  	[smem:$0x3FAE] =	sst s0  }
0x9: {  	[smem:$0x3FAF] =	sst s1  }
0xa: {  	[smem:$0x3FB0] =	sst s2  }
0xb: {  	[smem:$0x3FB1] =	sst s3  }
0xc: {  	[smem:$0x3FB2] =	sst s4  }
0xd: {  	[smem:$0x3FB3] =	sst s5  }
0xe: {  	[smem:$0x3FB4] =	sst s6  }
0xf: {  	[smem:$0x3FB5] =	sst s7  }
0x10: {  	[smem:$0x3FB6] =	sst s8  }
0x11: {  	[smem:$0x3FB7] =	sst s9;
	s0 =	simm.s32 @!p0 $0x0  }
0x12: {  	s1 =	sld [smem:$0x3F9D];
	s0 =	simm.s32 @p0 $0x1  }
0x13: {  	[smem:$0x3FB8] =	sst s0;
	s0 =	simm.s32 @!p1 $0x0  }
0x14: {  	s2 =	sld [smem:$0x3F9C];
	s0 =	simm.s32 @p1 $0x1  }
0x15: {  	[smem:$0x3FB9] =	sst s0;
	s0 =	simm.s32 @!p2 $0x0  }
0x16: {  	s3 =	sld [smem:$0x3FDB];
	s0 =	simm.s32 @p2 $0x1  }
0x17: {  	s4 =	simm.s32 $0x1BF5;
	[smem:$0x3FBB] =	sst s0  }
0x18: {  	s0 =	sld [smem:$0x3F9E];
	_ =	swait.ge [sflag:s4], $0x0  }
0x19: {  	s7 =	sld [smem:$0x3F9F]  }
0x1a: {  	s8 =	sadd.s32 $0xFFFFE003, lr  }
0x1b: {  	s9 =	sadd.s32 $0xFFFFFEF7, lr;
	s5 =	simm.s32 $0xFFFFFFFF;
	p2 =	slt.u32 s8, $0xFFFFF086  }
0x1c: {  	p1 =	slt.u32 s9, $0xF7A;
	s5 =	simm.s32 @!p2 $0x0  }
0x1d: {  	s5 =	simm.s32 @p1 $0x1;
	p0 =	seq.s32 s7, s2  }
0x1e: {  	s7 =	smul.u32 @!p0 $0xF7A, s2;
	p2 =	seq.s32 @!p0 s5, $0x0  }
0x1f: {  	s9 =	smul.u32 $0xF7A, s1;
	s8 =	simm.s32 @!p0 $0x1BF5;
	p2 =	por !p2, p0  }
0x20: {  	[sflag:s8] =	ssyncset.s32 @!p0 $0xFFFFF086;
	s6 =	sadd.s32 @!p0 s3, s7;
	s7 =	simm.s32 @!p0 $0x108  }
0x21: {  	s3 =	sadd.s32 s3, s9;
	s6 =	sadd.s32 @!p0 $0x88, s6;
	s7 =	simm.s32 @p2 $0x1082  }
0x22: {  	[simem:s7], [sflag:s8] =	dma.local @!p0 [hbm:s6], $0xF7A  }
0x23: {  	s9 =	sor.u32 $0xD0000000, s2;
	s6 =	simm.s32 $0x108;
	_ =	swait.ge @!p0 [sflag:s8], $0x0  }
0x24: {  	s3 =	sadd.s32 $0x88, s3;
	s6 =	simm.s32 @!p1 $0x1082;
	[sflag:s4] =	ssyncset.s32 $0xFFFFF086  }
0x25: {  	[simem:s6], [sflag:s4] =	dma.local [hbm:s3], $0xF7A  }
0x26: {  	[smem:$0x3F9F] =	sst s1;
	(tag) =	ssettag s2;
	_ =	strace s9  }
0x27: {  	s1 =	sld [smem:$0x3FAF]  }
0x28: {  	s2 =	sld [smem:$0x3FB0]  }
0x29: {  	s4 =	sld [smem:$0x3FB2]  }
0x2a: {  	p0 =	seq.s32 s5, $0x0;
	s5 =	sld [smem:$0x3FB3]  }
0x2b: {  	s6 =	sld [smem:$0x3FB4]  }
0x2c: {  	s7 =	sld [smem:$0x3FB5]  }
0x2d: {  	s3 =	simm.s32 $0x108;
	s8 =	sld [smem:$0x3FB6]  }
0x2e: {  	s3 =	simm.s32 @!p0 $0x1082;
	s9 =	sld [smem:$0x3FB7]  }
0x2f: {  	lr =	sadd.s32 s0, s3;
	s0 =	sld [smem:$0x3FAE]  }
0x30: {  	s3 =	sld [smem:$0x3FB1]  }
0x31: {  	[smem:$0x3FBA] =	sst s10  }
0x32: {  	s10 =	sld [smem:$0x3FB8];
	_ =	sdelay $0x3  }
0x33: {  	p0 =	seq.s32 s10, $0x1;
	s10 =	sld [smem:$0x3FBA];
	_ =	sdelay $0x3  }
0x34: {  	[smem:$0x3FBA] =	sst s10  }
0x35: {  	s10 =	sld [smem:$0x3FB9];
	_ =	sdelay $0x3  }
0x36: {  	p1 =	seq.s32 s10, $0x1;
	s10 =	sld [smem:$0x3FBA];
	_ =	sdelay $0x3  }
0x37: {  	[smem:$0x3FBA] =	sst s10  }
0x38: {  	s10 =	sld [smem:$0x3FBB]  }
0x39: {  	_ = 	snop;
	(pc) =	sbr.ind lr, $3  }
0x3a: {  	_ = 	snop  }
0x3b: {  	_ = 	snop  }
0x3c: {  	p2 =	seq.s32 s10, $0x1;
	s10 =	sld [smem:$0x3FBA]  }
0x3d: {  	_ =	shalt  }
0x3e: {  	_ =	shalt  }
0x3f: {  	_ =	shalt  }
0x40: {  	_ =	shalt  }
0x41: {  	_ =	shalt  }
0x42: {  	_ =	shalt  }
0x43: {  	_ =	shalt  }
0x44: {  	_ =	shalt  }
0x45: {  	_ =	shalt  }
0x46: {  	_ =	shalt  }
0x47: {  	_ =	shalt  }
0x48: {  	_ =	shalt  }
0x49: {  	_ =	shalt  }
0x4a: {  	_ =	shalt  }
0x4b: {  	_ =	shalt  }
0x4c: {  	_ =	shalt  }
0x4d: {  	_ =	shalt  }
0x4e: {  	_ =	shalt  }
0x4f: {  	_ =	shalt  }
0x50: {  	_ =	shalt  }
0x51: {  	_ =	shalt  }
0x52: {  	_ =	shalt  }
0x53: {  	_ =	shalt  }
0x54: {  	_ =	shalt  }
0x55: {  	_ =	shalt  }
0x56: {  	_ =	shalt  }
0x57: {  	_ =	shalt  }
0x58: {  	_ =	shalt  }
0x59: {  	_ =	shalt  }
0x5a: {  	_ =	shalt  }
0x5b: {  	_ =	shalt  }
0x5c: {  	_ =	shalt  }
0x5d: {  	_ =	shalt  }
0x5e: {  	_ =	shalt  }
0x5f: {  	_ =	shalt  }
0x60: {  	_ =	shalt  }
0x61: {  	_ =	shalt  }
0x62: {  	_ =	shalt  }
0x63: {  	_ =	shalt  }
0x64: {  	_ =	shalt  }
0x65: {  	_ =	shalt  }
0x66: {  	_ =	shalt  }
0x67: {  	_ =	shalt  }
0x68: {  	_ =	shalt  }
0x69: {  	_ =	shalt  }
0x6a: {  	_ =	shalt  }
0x6b: {  	_ =	shalt  }
0x6c: {  	_ =	shalt  }
0x6d: {  	_ =	shalt  }
0x6e: {  	_ =	shalt  }
0x6f: {  	_ =	shalt  }
0x70: {  	_ =	shalt  }
0x71: {  	_ =	shalt  }
0x72: {  	_ =	shalt  }
0x73: {  	_ =	shalt  }
0x74: {  	_ =	shalt  }
0x75: {  	_ =	shalt  }
0x76: {  	_ =	shalt  }
0x77: {  	_ =	shalt  }
0x78: {  	_ =	shalt  }
0x79: {  	_ =	shalt  }
0x7a: {  	_ =	shalt  }
0x7b: {  	_ =	shalt  }
0x7c: {  	_ =	shalt  }
0x7d: {  	_ =	shalt  }
0x7e: {  	_ =	shalt  }
0x7f: {  	_ =	shalt  }
0x80: {  	_ =	shalt  }
0x81: {  	_ =	shalt  }
0x82: {  	_ =	shalt  }
0x83: {  	_ =	shalt  }
0x84: {  	_ =	shalt  }
0x85: {  	_ =	shalt  }
0x86: {  	_ =	shalt  }
0x87: {  	_ =	shalt  }
.Lfunc_end0:
.L_simem_size_0:
called_computation_lowered:
.L_overlay_start_0:
0x88: {  	s2 =	sld [smem:$0x3FD9]  }
0x89: {  	s3 =	sld [smem:$0x3FFE];
	_ =	sdelay $0x1  }
0x8a: {  	s1 =	srdreg.scid  }
0x8b: {  	s0 =	sand.u32 $0x1, s1  }
0x8c: {  	s17 =	sshll.u32 s0, $0xA;
	s2 =	sadd.s32 s3, s2  }
0x8d: {  	s2 =	sadd.s32 s2, s17  }
0x8e: {  	[smem:$0x3FC6] =	sst s2  }
0x8f: {  	_ = 	snop  }
0x90: {  	s2 =	sld [smem:$0x3FD0];
	(tm) =	ssettm $0x1  }
0x91: {  	s18 =	sld [smem:$0x3FFB];
	_ =	sdelay $0x3  }
0x92: {  	_ =	strace s18  }
0x93: {  	s3 =	sld [smem:$0x3FFC];
	_ =	sdelay $0x3  }
0x94: {  	_ =	strace s3  }
0x95: {  	s3 =	sld [smem:$0x3FFD];
	_ =	sdelay $0x3  }
0x96: {  	_ =	strace s3  }
0x97: {  	_ =	strace $0x8FFFFFFF  }
0x98: {  	s19 =	sld [smem:$0x3FDB];
	_ =	sdelay $0x1  }
0x99: {  	s4 =	simm.s32 $_scs_section_size  }
0x9a: {  	s5 =	simm.s32 $_size__tile_overlayer_lowered;
	s6 =	simm.s32 $_tile_overlayer_lowered  }
0x9b: {  	s22 =	simm.s32 $0x1BFF;
	s21 =	sshll.u32 s6, $0x1;
	s3 =	sadd.s32 s4, s19  }
0x9c: {  	s7 =	simm.s32 $0x0;
	s20 =	sshll.u32 s5, $0x1;
	s5 =	sadd.s32 s21, s3  }
0x9d: {  	[timem:s7], [sflag:s22] =	dma.local [hbm:s5], s20  }
0x9e: {  	_ =	swait.ge [sflag:s22], s20  }
0x9f: {  	s4 =	ssub.s32 $0x0, s20;
	[sflag:s22] =	ssyncset.done $0x0  }
0xa0: {  	[sflag:s22] =	ssyncadd.s32 s4;
	_ =	sdelay $0x1  }
0xa1: {  	s23 =	simm.s32 $0x1B8B  }
0xa2: {  	_ =	swait.ge [sflag:s23], $0x1  }
0xa3: {  	[sflag:s23] =	ssyncset.done $0x0  }
0xa4: {  	s25 =	simm.s32 $0x1B8E;
	s24 =	sld [smem:$0x3FFE];
	[sflag:s23] =	ssyncadd.s32 $0xFFFFFFFF  }
0xa5: {  	s26 =	simm.s32 $execute0_lowered;
	[smem:$0x3FD2] =	sst s25  }
0xa6: {  	s5 =	sshll.u32 s26, $0x1;
	_ =	strace $0x80000046;
	[dreg:$0x1] =	wrdreg $0xFFFFFFFF  }
0xa7: {  	s28 =	simm.s32 $_size_execute0_lowered;
	s3 =	sadd.s32 s3, s5;
	[dreg:$0x0] =	wrdreg $0x0  }
0xa8: {  	s5 =	sshll.u32 s28, $0x1;
	[dreg:$0x2] =	wrdreg s3  }
0xa9: {  	[dreg:$0x3] =	wrdreg s5  }
0xaa: {  	[dreg:$0x4] =	wrdreg $0xC0  }
0xab: {  	_ =	task [dreg:s7], $0x5FFFF  }
0xac: {  	[dreg:$0x1] =	wrdreg $0xFFFFFFFF  }
0xad: {  	[dreg:$0x0] =	wrdreg $0x60  }
0xae: {  	[dreg:$0x2] =	wrdreg s24  }
0xaf: {  	[dreg:$0x3] =	wrdreg s2  }
0xb0: {  	[dreg:$0x4] =	wrdreg $0x9  }
0xb1: {  	_ =	task.clear_ibuf [dreg:s7], $0x5FFFF;
	_ =	strace $0x90000046  }
0xb2: {  	s29 =	simm.s32 $0x9;
	_ =	strace $0x80000048  }
0xb3: {  	_ =	swait.ge [sflag:s29], $0x1  }
0xb4: {  	[sflag:s29] =	ssyncadd.s32 $0xFFFFFFFF  }
0xb5: {  	_ =	strace $0x90000048  }
0xb6: {  	_ =	sfence  }
0xb7: {  	s30 =	sld [smem:$0x0];
	_ =	sdelay $0x2  }
0xb8: {  	s31 =	sshll.u32 s1, $0xD;
	s1 =	sshrl.u32 s1, $0x2  }
0xb9: {  	s3 =	sand.u32 $0x4000, s31;
	s1 =	sadd.s32 s1, s30  }
0xba: {  	s0 =	sor.u32 s3, s0;
	s1 =	sshll.u32 s1, $0x11  }
0xbb: {  	s0 =	sor.u32 s1, s0  }
0xbc: {  	s0 =	sadd.s32 $0x8F2B, s0  }
0xbd: {  	[sflag:s0] =	ssyncadd.remote.s32 $0x1  }
0xbe: {  	_ =	sfence.sel $0xFFFF  }
0xbf: {  	[dreg:$0x0] =	wrdreg $0xFFFFFFFF;
	(pc) =	sbr.abs _section_cstart, $3  }
0xc0: {  	[dreg:$0x1] =	wrdreg $0xFFFFFFFF  }
0xc1: {  	_ =	task.clear_ibuf [dreg:s7], $0x2FFFF;
	_ =	strace $0x9FFFFFFF  }
0xc2: {  	(tm) =	ssettm $0x7FFFFFFF  }
0xc3: {  	_ =	shalt  }
tec
execute0_lowered:
.L_overlay_start_1:
0x0: {  	(tag) =	ssettag $0x1  }
0x1: {  	s1 =	srdreg.scid  }
0x2: {  	s0 =	stileid.u32;
	s3 =	rddreg [dreg:$0x0]  }
0x3: {  	s4 =	rddreg [dreg:$0x1];
	s19 =	simm.s32 $0x800;
	s20 =	simm.s32 $0xC00  }
0x4: {  	s21 =	simm.s32 $0x1000;
	s23 =	simm.s32 $0x1400;
	s24 =	simm.s32 $0x1800  }
0x5: {  	s25 =	simm.s32 $0x1C00;
	s26 =	simm.s32 $0x2000;
	s7 =	simm.s32 $0x2400  }
0x6: {  	s8 =	simm.s32 $0x2800;
	s9 =	simm.s32 $0x2C00;
	s10 =	simm.s32 $0x3000  }
0x7: {  	s11 =	simm.s32 $0x3400;
	s12 =	simm.s32 $0x3800;
	s13 =	simm.s32 $0x3C00  }
0x8: {  	s14 =	simm.s32 $0x4000;
	s15 =	simm.s32 $0x4400;
	s16 =	simm.s32 $0x4800  }
0x9: {  	s17 =	simm.s32 $0x4C00;
	s1 =	sand.u32 $0x1, s1;
	s2 =	sshll.u32 s0, $0x1  }
0xa: {  	s18 =	simm.s32 $0x5000;
	s5 =	sor.u32 s1, s2;
	s2 =	simm.s32 $0x0  }
0xb: {  	s28 =	simm.s32 $0x7400;
	s29 =	simm.s32 $0x7800;
	[smem:$0x7FF] =	sst s2  }
0xc: {  	s30 =	simm.s32 $0x7C00;
	_ =	strace $0x80000047;
	[dreg:$0x5] =	wrdreg s19  }
0xd: {  	s31 =	simm.s32 $0x8000;
	s1 =	ssub.s32 $0x2, s1;
	[dreg:$0x6] =	wrdreg s20  }
0xe: {  	s6 =	sshll.u32 s5, $0x7;
	s5 =	sshll.u32 s5, $0xC;
	[dreg:$0x7] =	wrdreg s21  }
0xf: {  	s22 =	sshrl.u32 s1, $0x1;
	s6 =	sadd.s32 s6, s3;
	[dreg:$0x8] =	wrdreg s23  }
0x10: {  	s4 =	sadd.s32 s4, s5;
	s3 =	sadd.s32 $0xF42A00, s3;
	[dreg:$0x9] =	wrdreg s24  }
0x11: {  	s1 =	ssub.s32 s1, s22;
	s5 =	simm.s32 $0x2;
	[dreg:$0xa] =	wrdreg s25  }
0x12: {  	v0 =	vlaneseq.u32;
	[dreg:$0xb] =	wrdreg s26;
	s19 =	simm.s32 $0x5400;
	s20 =	simm.s32 $0x5800  }
0x13: {  	v0 =	vand.u32 $0x7, v0;
	s21 =	simm.s32 $0x5C00;
	s22 =	simm.s32 $0x6000;
	s23 =	simm.s32 $0x6400  }
0x14: {  	v0 =	vmul.u32 $0x2, v0;
	s24 =	simm.s32 $0x6800;
	s25 =	simm.s32 $0x6C00;
	s26 =	simm.s32 $0x7000  }
0x15: {  	s6 =	sadd.s32 $0x600, s6;
	[dreg:$0x4] =	wrdreg s4;
	s4 =	smax.u32 s1, $0x1  }
0x16: {  	vm0 =	vmmov $0xff;
	vm1 =	vmmov $0xffff;
	v1 =	vor.u32 $0x1, v0;
	s1 =	simm.s32 $0x1;
	[dreg:$0x3] =	wrdreg s6;
	s6 =	simm.s32 $0x400  }
.LBB2_1:
0x17: {  	s0 =	rddreg [dreg:$0x3]  }
0x18: {  	[tilespmem:s2], [sflag:$0x2] =	stream.linear.gather [hbm4b:s0+s2], $0x400, $0x38;
	[tilespmem:$0x8400] =	vst v63  }
0x19: {  	_ =	swait.ge [sflag:s5], $0x400  }
0x1a: {  	[sflag:s5] =	ssyncset.done $0x0  }
0x1b: {  	[sflag:s5] =	ssyncadd.s32 $0xFFFFFC00  }
0x1c: {  	v2 =	vld [tilespmem:$0x0]  }
0x1d: {  	v3 =	vld [tilespmem:$0x10];
	_ =	sdelay $0x4  }
0x1e: {  	v4 =	vperm.xlane v2, v0;
	v5 =	vperm.xlane v3, v0;
	_ =	sdelay $0x1  }
0x1f: {  	v2 =	vperm.xlane v2, v1;
	v3 =	vperm.xlane v3, v1;
	v4 =	vsel vm0, v4, v5  }
0x20: {  	v4 =	vmul.u32 $0x3E8, v4  }
0x21: {  	v2 =	vsel vm0, v2, v3  }
0x22: {  	v2 =	vadd.s32 v4, v2;
	_ =	sdelay $0x4  }
0x23: {  	[tilespmem:s6], [sflag:$0x1] =	stream.indirect_vreg.gather [hbm4b:s3+s2], $0x40, v2, vm1, $0xb8;
	[tilespmem:$0x8400] =	vst v63  }
0x24: {  	v2 =	vld [tilespmem:$0x20]  }
0x25: {  	v3 =	vld [tilespmem:$0x30];
	_ =	sdelay $0x4  }
0x26: {  	v58 =	vperm.xlane v2, v0;
	v59 =	vperm.xlane v3, v0;
	_ =	sdelay $0x1  }
0x27: {  	v2 =	vperm.xlane v2, v1;
	v3 =	vperm.xlane v3, v1;
	v4 =	vsel vm0, v58, v59  }
0x28: {  	v4 =	vmul.u32 $0x3E8, v4  }
0x29: {  	v2 =	vsel vm0, v2, v3  }
0x2a: {  	v2 =	vadd.s32 v4, v2;
	_ =	sdelay $0x3  }
0x2b: {  	s0 =	rddreg [dreg:$0x5]  }
0x2c: {  	[tilespmem:s0], [sflag:$0x1] =	stream.indirect_vreg.gather [hbm4b:s3+s2], $0x40, v2, vm1, $0xb8;
	[tilespmem:$0x8400] =	vst v63  }
0x2d: {  	v2 =	vld [tilespmem:$0x40]  }
0x2e: {  	v3 =	vld [tilespmem:$0x50];
	_ =	sdelay $0x4  }
0x2f: {  	v60 =	vperm.xlane v2, v0;
	v61 =	vperm.xlane v3, v0;
	_ =	sdelay $0x1  }
0x30: {  	v2 =	vperm.xlane v2, v1;
	v3 =	vperm.xlane v3, v1;
	v4 =	vsel vm0, v60, v61  }
0x31: {  	v4 =	vmul.u32 $0x3E8, v4  }
0x32: {  	v2 =	vsel vm0, v2, v3  }
0x33: {  	v2 =	vadd.s32 v4, v2;
	_ =	sdelay $0x3  }
0x34: {  	s0 =	rddreg [dreg:$0x6]  }
0x35: {  	[tilespmem:s0], [sflag:$0x1] =	stream.indirect_vreg.gather [hbm4b:s3+s2], $0x40, v2, vm1, $0xb8;
	[tilespmem:$0x8400] =	vst v63  }
0x36: {  	v2 =	vld [tilespmem:$0x60]  }
0x37: {  	v3 =	vld [tilespmem:$0x70];
	_ =	sdelay $0x4  }
0x38: {  	v62 =	vperm.xlane v2, v0;
	v63 =	vperm.xlane v3, v0;
	_ =	sdelay $0x1  }
0x39: {  	v2 =	vperm.xlane v2, v1;
	v3 =	vperm.xlane v3, v1;
	v4 =	vsel vm0, v62, v63  }
0x3a: {  	v4 =	vmul.u32 $0x3E8, v4  }
0x3b: {  	v2 =	vsel vm0, v2, v3  }
0x3c: {  	v2 =	vadd.s32 v4, v2;
	_ =	sdelay $0x3  }
0x3d: {  	s0 =	rddreg [dreg:$0x7]  }
0x3e: {  	[tilespmem:s0], [sflag:$0x1] =	stream.indirect_vreg.gather [hbm4b:s3+s2], $0x40, v2, vm1, $0xb8;
	[tilespmem:$0x8400] =	vst v63  }
0x3f: {  	v2 =	vld [tilespmem:$0x80]  }
0x40: {  	v3 =	vld [tilespmem:$0x90];
	_ =	sdelay $0x4  }
0x41: {  	v8 =	vperm.xlane v2, v0;
	v9 =	vperm.xlane v3, v0;
	_ =	sdelay $0x1  }
0x42: {  	v2 =	vperm.xlane v2, v1;
	v3 =	vperm.xlane v3, v1;
	v4 =	vsel vm0, v8, v9  }
0x43: {  	v4 =	vmul.u32 $0x3E8, v4  }
0x44: {  	v2 =	vsel vm0, v2, v3  }
0x45: {  	v2 =	vadd.s32 v4, v2;
	_ =	sdelay $0x3  }
0x46: {  	s0 =	rddreg [dreg:$0x8]  }
0x47: {  	[tilespmem:s0], [sflag:$0x1] =	stream.indirect_vreg.gather [hbm4b:s3+s2], $0x40, v2, vm1, $0xb8;
	[tilespmem:$0x8400] =	vst v63  }
0x48: {  	v2 =	vld [tilespmem:$0xA0]  }
0x49: {  	v3 =	vld [tilespmem:$0xB0];
	_ =	sdelay $0x4  }
0x4a: {  	v10 =	vperm.xlane v2, v0;
	v11 =	vperm.xlane v3, v0;
	_ =	sdelay $0x1  }
0x4b: {  	v2 =	vperm.xlane v2, v1;
	v3 =	vperm.xlane v3, v1;
	v4 =	vsel vm0, v10, v11  }
0x4c: {  	v4 =	vmul.u32 $0x3E8, v4  }
0x4d: {  	v2 =	vsel vm0, v2, v3  }
0x4e: {  	v2 =	vadd.s32 v4, v2;
	_ =	sdelay $0x3  }
0x4f: {  	s0 =	rddreg [dreg:$0x9]  }
0x50: {  	[tilespmem:s0], [sflag:$0x1] =	stream.indirect_vreg.gather [hbm4b:s3+s2], $0x40, v2, vm1, $0xb8;
	[tilespmem:$0x8400] =	vst v63  }
0x51: {  	v2 =	vld [tilespmem:$0xC0]  }
0x52: {  	v3 =	vld [tilespmem:$0xD0];
	_ =	sdelay $0x4  }
0x53: {  	v12 =	vperm.xlane v2, v0;
	v13 =	vperm.xlane v3, v0;
	_ =	sdelay $0x1  }
0x54: {  	v2 =	vperm.xlane v2, v1;
	v3 =	vperm.xlane v3, v1;
	v4 =	vsel vm0, v12, v13  }
0x55: {  	v4 =	vmul.u32 $0x3E8, v4  }
0x56: {  	v2 =	vsel vm0, v2, v3  }
0x57: {  	v2 =	vadd.s32 v4, v2;
	_ =	sdelay $0x3  }
0x58: {  	s0 =	rddreg [dreg:$0xa]  }
0x59: {  	[tilespmem:s0], [sflag:$0x1] =	stream.indirect_vreg.gather [hbm4b:s3+s2], $0x40, v2, vm1, $0xb8;
	[tilespmem:$0x8400] =	vst v63  }
0x5a: {  	v2 =	vld [tilespmem:$0xE0]  }
0x5b: {  	v3 =	vld [tilespmem:$0xF0];
	_ =	sdelay $0x4  }
0x5c: {  	v14 =	vperm.xlane v2, v0;
	v15 =	vperm.xlane v3, v0;
	_ =	sdelay $0x1  }
0x5d: {  	v2 =	vperm.xlane v2, v1;
	v3 =	vperm.xlane v3, v1;
	v4 =	vsel vm0, v14, v15  }
0x5e: {  	v4 =	vmul.u32 $0x3E8, v4  }
0x5f: {  	v2 =	vsel vm0, v2, v3  }
0x60: {  	v2 =	vadd.s32 v4, v2;
	_ =	sdelay $0x3  }
0x61: {  	s0 =	rddreg [dreg:$0xb]  }
0x62: {  	[tilespmem:s0], [sflag:$0x1] =	stream.indirect_vreg.gather [hbm4b:s3+s2], $0x40, v2, vm1, $0xb8;
	[tilespmem:$0x8400] =	vst v63  }
0x63: {  	v2 =	vld [tilespmem:$0x100]  }
0x64: {  	v3 =	vld [tilespmem:$0x110];
	_ =	sdelay $0x4  }
0x65: {  	v16 =	vperm.xlane v2, v0;
	v17 =	vperm.xlane v3, v0;
	_ =	sdelay $0x1  }
0x66: {  	v2 =	vperm.xlane v2, v1;
	v3 =	vperm.xlane v3, v1;
	v4 =	vsel vm0, v16, v17  }
0x67: {  	v4 =	vmul.u32 $0x3E8, v4  }
0x68: {  	v2 =	vsel vm0, v2, v3  }
0x69: {  	v2 =	vadd.s32 v4, v2;
	_ =	sdelay $0x4  }
0x6a: {  	[tilespmem:s7], [sflag:$0x1] =	stream.indirect_vreg.gather [hbm4b:s3+s2], $0x40, v2, vm1, $0xb8;
	[tilespmem:$0x8400] =	vst v63  }
0x6b: {  	v2 =	vld [tilespmem:$0x120]  }
0x6c: {  	v3 =	vld [tilespmem:$0x130];
	_ =	sdelay $0x4  }
0x6d: {  	v18 =	vperm.xlane v2, v0;
	v19 =	vperm.xlane v3, v0;
	_ =	sdelay $0x1  }
0x6e: {  	v2 =	vperm.xlane v2, v1;
	v3 =	vperm.xlane v3, v1;
	v4 =	vsel vm0, v18, v19  }
0x6f: {  	v4 =	vmul.u32 $0x3E8, v4  }
0x70: {  	v2 =	vsel vm0, v2, v3  }
0x71: {  	v2 =	vadd.s32 v4, v2;
	_ =	sdelay $0x4  }
0x72: {  	[tilespmem:s8], [sflag:$0x1] =	stream.indirect_vreg.gather [hbm4b:s3+s2], $0x40, v2, vm1, $0xb8;
	[tilespmem:$0x8400] =	vst v63  }
0x73: {  	v2 =	vld [tilespmem:$0x140]  }
0x74: {  	v3 =	vld [tilespmem:$0x150];
	_ =	sdelay $0x4  }
0x75: {  	v20 =	vperm.xlane v2, v0;
	v21 =	vperm.xlane v3, v0;
	_ =	sdelay $0x1  }
0x76: {  	v2 =	vperm.xlane v2, v1;
	v3 =	vperm.xlane v3, v1;
	v4 =	vsel vm0, v20, v21  }
0x77: {  	v4 =	vmul.u32 $0x3E8, v4  }
0x78: {  	v2 =	vsel vm0, v2, v3  }
0x79: {  	v2 =	vadd.s32 v4, v2;
	_ =	sdelay $0x4  }
0x7a: {  	[tilespmem:s9], [sflag:$0x1] =	stream.indirect_vreg.gather [hbm4b:s3+s2], $0x40, v2, vm1, $0xb8;
	[tilespmem:$0x8400] =	vst v63  }
0x7b: {  	v2 =	vld [tilespmem:$0x160]  }
0x7c: {  	v3 =	vld [tilespmem:$0x170];
	_ =	sdelay $0x4  }
0x7d: {  	v22 =	vperm.xlane v2, v0;
	v23 =	vperm.xlane v3, v0;
	_ =	sdelay $0x1  }
0x7e: {  	v2 =	vperm.xlane v2, v1;
	v3 =	vperm.xlane v3, v1;
	v4 =	vsel vm0, v22, v23  }
0x7f: {  	v4 =	vmul.u32 $0x3E8, v4  }
0x80: {  	v2 =	vsel vm0, v2, v3  }
0x81: {  	v2 =	vadd.s32 v4, v2;
	_ =	sdelay $0x4  }
0x82: {  	[tilespmem:s10], [sflag:$0x1] =	stream.indirect_vreg.gather [hbm4b:s3+s2], $0x40, v2, vm1, $0xb8;
	[tilespmem:$0x8400] =	vst v63  }
0x83: {  	v2 =	vld [tilespmem:$0x180]  }
0x84: {  	v3 =	vld [tilespmem:$0x190];
	_ =	sdelay $0x4  }
0x85: {  	v24 =	vperm.xlane v2, v0;
	v25 =	vperm.xlane v3, v0;
	_ =	sdelay $0x1  }
0x86: {  	v2 =	vperm.xlane v2, v1;
	v3 =	vperm.xlane v3, v1;
	v4 =	vsel vm0, v24, v25  }
0x87: {  	v4 =	vmul.u32 $0x3E8, v4  }
0x88: {  	v2 =	vsel vm0, v2, v3  }
0x89: {  	v2 =	vadd.s32 v4, v2;
	_ =	sdelay $0x4  }
0x8a: {  	[tilespmem:s11], [sflag:$0x1] =	stream.indirect_vreg.gather [hbm4b:s3+s2], $0x40, v2, vm1, $0xb8;
	[tilespmem:$0x8400] =	vst v63  }
0x8b: {  	v2 =	vld [tilespmem:$0x1A0]  }
0x8c: {  	v3 =	vld [tilespmem:$0x1B0];
	_ =	sdelay $0x4  }
0x8d: {  	v26 =	vperm.xlane v2, v0;
	v27 =	vperm.xlane v3, v0;
	_ =	sdelay $0x1  }
0x8e: {  	v2 =	vperm.xlane v2, v1;
	v3 =	vperm.xlane v3, v1;
	v4 =	vsel vm0, v26, v27  }
0x8f: {  	v4 =	vmul.u32 $0x3E8, v4  }
0x90: {  	v2 =	vsel vm0, v2, v3  }
0x91: {  	v2 =	vadd.s32 v4, v2;
	_ =	sdelay $0x4  }
0x92: {  	[tilespmem:s12], [sflag:$0x1] =	stream.indirect_vreg.gather [hbm4b:s3+s2], $0x40, v2, vm1, $0xb8;
	[tilespmem:$0x8400] =	vst v63  }
0x93: {  	v2 =	vld [tilespmem:$0x1C0]  }
0x94: {  	v3 =	vld [tilespmem:$0x1D0];
	_ =	sdelay $0x4  }
0x95: {  	v28 =	vperm.xlane v2, v0;
	v29 =	vperm.xlane v3, v0;
	_ =	sdelay $0x1  }
0x96: {  	v2 =	vperm.xlane v2, v1;
	v3 =	vperm.xlane v3, v1;
	v4 =	vsel vm0, v28, v29  }
0x97: {  	v4 =	vmul.u32 $0x3E8, v4  }
0x98: {  	v2 =	vsel vm0, v2, v3  }
0x99: {  	v2 =	vadd.s32 v4, v2;
	_ =	sdelay $0x4  }
0x9a: {  	[tilespmem:s13], [sflag:$0x1] =	stream.indirect_vreg.gather [hbm4b:s3+s2], $0x40, v2, vm1, $0xb8;
	[tilespmem:$0x8400] =	vst v63  }
0x9b: {  	v2 =	vld [tilespmem:$0x1E0]  }
0x9c: {  	v3 =	vld [tilespmem:$0x1F0];
	_ =	sdelay $0x4  }
0x9d: {  	v30 =	vperm.xlane v2, v0;
	v31 =	vperm.xlane v3, v0;
	_ =	sdelay $0x1  }
0x9e: {  	v2 =	vperm.xlane v2, v1;
	v3 =	vperm.xlane v3, v1;
	v4 =	vsel vm0, v30, v31  }
0x9f: {  	v4 =	vmul.u32 $0x3E8, v4  }
0xa0: {  	v2 =	vsel vm0, v2, v3  }
0xa1: {  	v2 =	vadd.s32 v4, v2;
	_ =	sdelay $0x4  }
0xa2: {  	[tilespmem:s14], [sflag:$0x1] =	stream.indirect_vreg.gather [hbm4b:s3+s2], $0x40, v2, vm1, $0xb8;
	[tilespmem:$0x8400] =	vst v63  }
0xa3: {  	v2 =	vld [tilespmem:$0x200]  }
0xa4: {  	v3 =	vld [tilespmem:$0x210];
	_ =	sdelay $0x4  }
0xa5: {  	v32 =	vperm.xlane v2, v0;
	v33 =	vperm.xlane v3, v0;
	_ =	sdelay $0x1  }
0xa6: {  	v2 =	vperm.xlane v2, v1;
	v3 =	vperm.xlane v3, v1;
	v4 =	vsel vm0, v32, v33  }
0xa7: {  	v4 =	vmul.u32 $0x3E8, v4  }
0xa8: {  	v2 =	vsel vm0, v2, v3  }
0xa9: {  	v2 =	vadd.s32 v4, v2;
	_ =	sdelay $0x4  }
0xaa: {  	[tilespmem:s15], [sflag:$0x1] =	stream.indirect_vreg.gather [hbm4b:s3+s2], $0x40, v2, vm1, $0xb8;
	[tilespmem:$0x8400] =	vst v63  }
0xab: {  	v2 =	vld [tilespmem:$0x220]  }
0xac: {  	v3 =	vld [tilespmem:$0x230];
	_ =	sdelay $0x4  }
0xad: {  	v34 =	vperm.xlane v2, v0;
	v35 =	vperm.xlane v3, v0;
	_ =	sdelay $0x1  }
0xae: {  	v2 =	vperm.xlane v2, v1;
	v3 =	vperm.xlane v3, v1;
	v4 =	vsel vm0, v34, v35  }
0xaf: {  	v4 =	vmul.u32 $0x3E8, v4  }
0xb0: {  	v2 =	vsel vm0, v2, v3  }
0xb1: {  	v2 =	vadd.s32 v4, v2;
	_ =	sdelay $0x4  }
0xb2: {  	[tilespmem:s16], [sflag:$0x1] =	stream.indirect_vreg.gather [hbm4b:s3+s2], $0x40, v2, vm1, $0xb8;
	[tilespmem:$0x8400] =	vst v63  }
0xb3: {  	v2 =	vld [tilespmem:$0x240]  }
0xb4: {  	v3 =	vld [tilespmem:$0x250];
	_ =	sdelay $0x4  }
0xb5: {  	v36 =	vperm.xlane v2, v0;
	v37 =	vperm.xlane v3, v0;
	_ =	sdelay $0x1  }
0xb6: {  	v2 =	vperm.xlane v2, v1;
	v3 =	vperm.xlane v3, v1;
	v4 =	vsel vm0, v36, v37  }
0xb7: {  	v4 =	vmul.u32 $0x3E8, v4  }
0xb8: {  	v2 =	vsel vm0, v2, v3  }
0xb9: {  	v2 =	vadd.s32 v4, v2;
	_ =	sdelay $0x4  }
0xba: {  	[tilespmem:s17], [sflag:$0x1] =	stream.indirect_vreg.gather [hbm4b:s3+s2], $0x40, v2, vm1, $0xb8;
	[tilespmem:$0x8400] =	vst v63  }
0xbb: {  	v2 =	vld [tilespmem:$0x260]  }
0xbc: {  	v3 =	vld [tilespmem:$0x270];
	_ =	sdelay $0x4  }
0xbd: {  	v38 =	vperm.xlane v2, v0;
	v39 =	vperm.xlane v3, v0;
	_ =	sdelay $0x1  }
0xbe: {  	v2 =	vperm.xlane v2, v1;
	v3 =	vperm.xlane v3, v1;
	v4 =	vsel vm0, v38, v39  }
0xbf: {  	v4 =	vmul.u32 $0x3E8, v4  }
0xc0: {  	v2 =	vsel vm0, v2, v3  }
0xc1: {  	v2 =	vadd.s32 v4, v2;
	_ =	sdelay $0x4  }
0xc2: {  	[tilespmem:s18], [sflag:$0x1] =	stream.indirect_vreg.gather [hbm4b:s3+s2], $0x40, v2, vm1, $0xb8;
	[tilespmem:$0x8400] =	vst v63  }
0xc3: {  	v2 =	vld [tilespmem:$0x280]  }
0xc4: {  	v3 =	vld [tilespmem:$0x290];
	_ =	sdelay $0x4  }
0xc5: {  	v40 =	vperm.xlane v2, v0;
	v41 =	vperm.xlane v3, v0;
	_ =	sdelay $0x1  }
0xc6: {  	v2 =	vperm.xlane v2, v1;
	v3 =	vperm.xlane v3, v1;
	v4 =	vsel vm0, v40, v41  }
0xc7: {  	v4 =	vmul.u32 $0x3E8, v4  }
0xc8: {  	v2 =	vsel vm0, v2, v3  }
0xc9: {  	v2 =	vadd.s32 v4, v2;
	_ =	sdelay $0x4  }
0xca: {  	[tilespmem:s19], [sflag:$0x1] =	stream.indirect_vreg.gather [hbm4b:s3+s2], $0x40, v2, vm1, $0xb8;
	[tilespmem:$0x8400] =	vst v63  }
0xcb: {  	v2 =	vld [tilespmem:$0x2A0]  }
0xcc: {  	v3 =	vld [tilespmem:$0x2B0];
	_ =	sdelay $0x4  }
0xcd: {  	v42 =	vperm.xlane v2, v0;
	v43 =	vperm.xlane v3, v0;
	_ =	sdelay $0x1  }
0xce: {  	v2 =	vperm.xlane v2, v1;
	v3 =	vperm.xlane v3, v1;
	v4 =	vsel vm0, v42, v43  }
0xcf: {  	v4 =	vmul.u32 $0x3E8, v4  }
0xd0: {  	v2 =	vsel vm0, v2, v3  }
0xd1: {  	v2 =	vadd.s32 v4, v2;
	_ =	sdelay $0x4  }
0xd2: {  	[tilespmem:s20], [sflag:$0x1] =	stream.indirect_vreg.gather [hbm4b:s3+s2], $0x40, v2, vm1, $0xb8;
	[tilespmem:$0x8400] =	vst v63  }
0xd3: {  	v2 =	vld [tilespmem:$0x2C0]  }
0xd4: {  	v3 =	vld [tilespmem:$0x2D0];
	_ =	sdelay $0x4  }
0xd5: {  	v44 =	vperm.xlane v2, v0;
	v45 =	vperm.xlane v3, v0;
	_ =	sdelay $0x1  }
0xd6: {  	v2 =	vperm.xlane v2, v1;
	v3 =	vperm.xlane v3, v1;
	v4 =	vsel vm0, v44, v45  }
0xd7: {  	v4 =	vmul.u32 $0x3E8, v4  }
0xd8: {  	v2 =	vsel vm0, v2, v3  }
0xd9: {  	v2 =	vadd.s32 v4, v2;
	_ =	sdelay $0x4  }
0xda: {  	[tilespmem:s21], [sflag:$0x1] =	stream.indirect_vreg.gather [hbm4b:s3+s2], $0x40, v2, vm1, $0xb8;
	[tilespmem:$0x8400] =	vst v63  }
0xdb: {  	v2 =	vld [tilespmem:$0x2E0]  }
0xdc: {  	v3 =	vld [tilespmem:$0x2F0];
	_ =	sdelay $0x4  }
0xdd: {  	v46 =	vperm.xlane v2, v0;
	v47 =	vperm.xlane v3, v0;
	_ =	sdelay $0x1  }
0xde: {  	v2 =	vperm.xlane v2, v1;
	v3 =	vperm.xlane v3, v1;
	v4 =	vsel vm0, v46, v47  }
0xdf: {  	v4 =	vmul.u32 $0x3E8, v4  }
0xe0: {  	v2 =	vsel vm0, v2, v3  }
0xe1: {  	v2 =	vadd.s32 v4, v2;
	_ =	sdelay $0x4  }
0xe2: {  	[tilespmem:s22], [sflag:$0x1] =	stream.indirect_vreg.gather [hbm4b:s3+s2], $0x40, v2, vm1, $0xb8;
	[tilespmem:$0x8400] =	vst v63  }
0xe3: {  	v2 =	vld [tilespmem:$0x300]  }
0xe4: {  	v3 =	vld [tilespmem:$0x310];
	_ =	sdelay $0x4  }
0xe5: {  	v48 =	vperm.xlane v2, v0;
	v49 =	vperm.xlane v3, v0;
	_ =	sdelay $0x1  }
0xe6: {  	v2 =	vperm.xlane v2, v1;
	v3 =	vperm.xlane v3, v1;
	v4 =	vsel vm0, v48, v49  }
0xe7: {  	v4 =	vmul.u32 $0x3E8, v4  }
0xe8: {  	v2 =	vsel vm0, v2, v3  }
0xe9: {  	v2 =	vadd.s32 v4, v2;
	_ =	sdelay $0x4  }
0xea: {  	[tilespmem:s23], [sflag:$0x1] =	stream.indirect_vreg.gather [hbm4b:s3+s2], $0x40, v2, vm1, $0xb8;
	[tilespmem:$0x8400] =	vst v63  }
0xeb: {  	v2 =	vld [tilespmem:$0x320]  }
0xec: {  	v3 =	vld [tilespmem:$0x330];
	_ =	sdelay $0x4  }
0xed: {  	v50 =	vperm.xlane v2, v0;
	v51 =	vperm.xlane v3, v0;
	_ =	sdelay $0x1  }
0xee: {  	v2 =	vperm.xlane v2, v1;
	v3 =	vperm.xlane v3, v1;
	v4 =	vsel vm0, v50, v51  }
0xef: {  	v4 =	vmul.u32 $0x3E8, v4  }
0xf0: {  	v2 =	vsel vm0, v2, v3  }
0xf1: {  	v2 =	vadd.s32 v4, v2;
	_ =	sdelay $0x4  }
0xf2: {  	[tilespmem:s24], [sflag:$0x1] =	stream.indirect_vreg.gather [hbm4b:s3+s2], $0x40, v2, vm1, $0xb8;
	[tilespmem:$0x8400] =	vst v63  }
0xf3: {  	v2 =	vld [tilespmem:$0x340]  }
0xf4: {  	v3 =	vld [tilespmem:$0x350];
	_ =	sdelay $0x4  }
0xf5: {  	v52 =	vperm.xlane v2, v0;
	v53 =	vperm.xlane v3, v0;
	_ =	sdelay $0x1  }
0xf6: {  	v2 =	vperm.xlane v2, v1;
	v3 =	vperm.xlane v3, v1;
	v4 =	vsel vm0, v52, v53  }
0xf7: {  	v4 =	vmul.u32 $0x3E8, v4  }
0xf8: {  	v2 =	vsel vm0, v2, v3  }
0xf9: {  	v2 =	vadd.s32 v4, v2;
	_ =	sdelay $0x4  }
0xfa: {  	[tilespmem:s25], [sflag:$0x1] =	stream.indirect_vreg.gather [hbm4b:s3+s2], $0x40, v2, vm1, $0xb8;
	[tilespmem:$0x8400] =	vst v63  }
0xfb: {  	v2 =	vld [tilespmem:$0x360]  }
0xfc: {  	v3 =	vld [tilespmem:$0x370];
	_ =	sdelay $0x4  }
0xfd: {  	v54 =	vperm.xlane v2, v0;
	v55 =	vperm.xlane v3, v0;
	_ =	sdelay $0x1  }
0xfe: {  	v2 =	vperm.xlane v2, v1;
	v3 =	vperm.xlane v3, v1;
	v4 =	vsel vm0, v54, v55  }
0xff: {  	v4 =	vmul.u32 $0x3E8, v4  }
0x100: {  	v2 =	vsel vm0, v2, v3  }
0x101: {  	v2 =	vadd.s32 v4, v2;
	_ =	sdelay $0x4  }
0x102: {  	[tilespmem:s26], [sflag:$0x1] =	stream.indirect_vreg.gather [hbm4b:s3+s2], $0x40, v2, vm1, $0xb8;
	[tilespmem:$0x8400] =	vst v63  }
0x103: {  	v2 =	vld [tilespmem:$0x380]  }
0x104: {  	v3 =	vld [tilespmem:$0x390];
	_ =	sdelay $0x4  }
0x105: {  	v56 =	vperm.xlane v2, v0;
	v57 =	vperm.xlane v3, v0;
	_ =	sdelay $0x1  }
0x106: {  	v2 =	vperm.xlane v2, v1;
	v3 =	vperm.xlane v3, v1;
	v4 =	vsel vm0, v56, v57  }
0x107: {  	v4 =	vmul.u32 $0x3E8, v4  }
0x108: {  	v2 =	vsel vm0, v2, v3  }
0x109: {  	v2 =	vadd.s32 v4, v2;
	_ =	sdelay $0x4  }
0x10a: {  	[tilespmem:s28], [sflag:$0x1] =	stream.indirect_vreg.gather [hbm4b:s3+s2], $0x40, v2, vm1, $0xb8;
	[tilespmem:$0x8400] =	vst v63  }
0x10b: {  	v2 =	vld [tilespmem:$0x3A0]  }
0x10c: {  	v3 =	vld [tilespmem:$0x3B0];
	_ =	sdelay $0x4  }
0x10d: {  	v58 =	vperm.xlane v2, v0;
	v59 =	vperm.xlane v3, v0;
	_ =	sdelay $0x1  }
0x10e: {  	v2 =	vperm.xlane v2, v1;
	v3 =	vperm.xlane v3, v1;
	v4 =	vsel vm0, v58, v59  }
0x10f: {  	v4 =	vmul.u32 $0x3E8, v4  }
0x110: {  	v2 =	vsel vm0, v2, v3  }
0x111: {  	v2 =	vadd.s32 v4, v2;
	_ =	sdelay $0x4  }
0x112: {  	[tilespmem:s29], [sflag:$0x1] =	stream.indirect_vreg.gather [hbm4b:s3+s2], $0x40, v2, vm1, $0xb8;
	[tilespmem:$0x8400] =	vst v63  }
0x113: {  	v2 =	vld [tilespmem:$0x3C0]  }
0x114: {  	v3 =	vld [tilespmem:$0x3D0];
	_ =	sdelay $0x4  }
0x115: {  	v60 =	vperm.xlane v2, v0;
	v61 =	vperm.xlane v3, v0;
	_ =	sdelay $0x1  }
0x116: {  	v2 =	vperm.xlane v2, v1;
	v3 =	vperm.xlane v3, v1;
	v4 =	vsel vm0, v60, v61  }
0x117: {  	v4 =	vmul.u32 $0x3E8, v4  }
0x118: {  	v2 =	vsel vm0, v2, v3  }
0x119: {  	v2 =	vadd.s32 v4, v2;
	_ =	sdelay $0x4  }
0x11a: {  	[tilespmem:s30], [sflag:$0x1] =	stream.indirect_vreg.gather [hbm4b:s3+s2], $0x40, v2, vm1, $0xb8;
	[tilespmem:$0x8400] =	vst v63  }
0x11b: {  	v2 =	vld [tilespmem:$0x3E0]  }
0x11c: {  	v3 =	vld [tilespmem:$0x3F0];
	_ =	sdelay $0x4  }
0x11d: {  	v62 =	vperm.xlane v2, v0;
	v63 =	vperm.xlane v3, v0;
	_ =	sdelay $0x1  }
0x11e: {  	v2 =	vperm.xlane v2, v1;
	v3 =	vperm.xlane v3, v1;
	v4 =	vsel vm0, v62, v63  }
0x11f: {  	v4 =	vmul.u32 $0x3E8, v4  }
0x120: {  	v2 =	vsel vm0, v2, v3  }
0x121: {  	v2 =	vadd.s32 v4, v2;
	_ =	sdelay $0x4  }
0x122: {  	[tilespmem:s31], [sflag:$0x1] =	stream.indirect_vreg.gather [hbm4b:s3+s2], $0x40, v2, vm1, $0xb8;
	[tilespmem:$0x8400] =	vst v63  }
0x123: {  	_ =	swait.ge [sflag:s1], $0x400  }
0x124: {  	[sflag:s1] =	ssyncset.done $0x0  }
0x125: {  	[sflag:s1] =	ssyncadd.s32 $0xFFFFFC00  }
0x126: {  	_ =	swait.ge [sflag:s1], $0x400  }
0x127: {  	[sflag:s1] =	ssyncset.done $0x0  }
0x128: {  	[sflag:s1] =	ssyncadd.s32 $0xFFFFFC00  }
0x129: {  	_ =	swait.ge [sflag:s1], $0x400  }
0x12a: {  	[sflag:s1] =	ssyncset.done $0x0  }
0x12b: {  	[sflag:s1] =	ssyncadd.s32 $0xFFFFFC00  }
0x12c: {  	_ =	swait.ge [sflag:s1], $0x400  }
0x12d: {  	[sflag:s1] =	ssyncset.done $0x0  }
0x12e: {  	[sflag:s1] =	ssyncadd.s32 $0xFFFFFC00  }
0x12f: {  	_ =	swait.ge [sflag:s1], $0x400  }
0x130: {  	[sflag:s1] =	ssyncset.done $0x0  }
0x131: {  	[sflag:s1] =	ssyncadd.s32 $0xFFFFFC00  }
0x132: {  	_ =	swait.ge [sflag:s1], $0x400  }
0x133: {  	[sflag:s1] =	ssyncset.done $0x0  }
0x134: {  	[sflag:s1] =	ssyncadd.s32 $0xFFFFFC00  }
0x135: {  	_ =	swait.ge [sflag:s1], $0x400  }
0x136: {  	[sflag:s1] =	ssyncset.done $0x0  }
0x137: {  	[sflag:s1] =	ssyncadd.s32 $0xFFFFFC00  }
0x138: {  	_ =	swait.ge [sflag:s1], $0x400  }
0x139: {  	[sflag:s1] =	ssyncset.done $0x0  }
0x13a: {  	[sflag:s1] =	ssyncadd.s32 $0xFFFFFC00  }
0x13b: {  	_ =	swait.ge [sflag:s1], $0x400  }
0x13c: {  	[sflag:s1] =	ssyncset.done $0x0  }
0x13d: {  	[sflag:s1] =	ssyncadd.s32 $0xFFFFFC00  }
0x13e: {  	_ =	swait.ge [sflag:s1], $0x400  }
0x13f: {  	[sflag:s1] =	ssyncset.done $0x0  }
0x140: {  	[sflag:s1] =	ssyncadd.s32 $0xFFFFFC00  }
0x141: {  	_ =	swait.ge [sflag:s1], $0x400  }
0x142: {  	[sflag:s1] =	ssyncset.done $0x0  }
0x143: {  	[sflag:s1] =	ssyncadd.s32 $0xFFFFFC00  }
0x144: {  	_ =	swait.ge [sflag:s1], $0x400  }
0x145: {  	[sflag:s1] =	ssyncset.done $0x0  }
0x146: {  	[sflag:s1] =	ssyncadd.s32 $0xFFFFFC00  }
0x147: {  	_ =	swait.ge [sflag:s1], $0x400  }
0x148: {  	[sflag:s1] =	ssyncset.done $0x0  }
0x149: {  	[sflag:s1] =	ssyncadd.s32 $0xFFFFFC00  }
0x14a: {  	_ =	swait.ge [sflag:s1], $0x400  }
0x14b: {  	[sflag:s1] =	ssyncset.done $0x0  }
0x14c: {  	[sflag:s1] =	ssyncadd.s32 $0xFFFFFC00  }
0x14d: {  	_ =	swait.ge [sflag:s1], $0x400  }
0x14e: {  	[sflag:s1] =	ssyncset.done $0x0  }
0x14f: {  	[sflag:s1] =	ssyncadd.s32 $0xFFFFFC00  }
0x150: {  	_ =	swait.ge [sflag:s1], $0x400  }
0x151: {  	[sflag:s1] =	ssyncset.done $0x0  }
0x152: {  	[sflag:s1] =	ssyncadd.s32 $0xFFFFFC00  }
0x153: {  	_ =	swait.ge [sflag:s1], $0x400  }
0x154: {  	[sflag:s1] =	ssyncset.done $0x0  }
0x155: {  	[sflag:s1] =	ssyncadd.s32 $0xFFFFFC00  }
0x156: {  	_ =	swait.ge [sflag:s1], $0x400  }
0x157: {  	[sflag:s1] =	ssyncset.done $0x0  }
0x158: {  	[sflag:s1] =	ssyncadd.s32 $0xFFFFFC00  }
0x159: {  	_ =	swait.ge [sflag:s1], $0x400  }
0x15a: {  	[sflag:s1] =	ssyncset.done $0x0  }
0x15b: {  	[sflag:s1] =	ssyncadd.s32 $0xFFFFFC00  }
0x15c: {  	_ =	swait.ge [sflag:s1], $0x400  }
0x15d: {  	[sflag:s1] =	ssyncset.done $0x0  }
0x15e: {  	[sflag:s1] =	ssyncadd.s32 $0xFFFFFC00  }
0x15f: {  	_ =	swait.ge [sflag:s1], $0x400  }
0x160: {  	[sflag:s1] =	ssyncset.done $0x0  }
0x161: {  	[sflag:s1] =	ssyncadd.s32 $0xFFFFFC00  }
0x162: {  	_ =	swait.ge [sflag:s1], $0x400  }
0x163: {  	[sflag:s1] =	ssyncset.done $0x0  }
0x164: {  	[sflag:s1] =	ssyncadd.s32 $0xFFFFFC00  }
0x165: {  	_ =	swait.ge [sflag:s1], $0x400  }
0x166: {  	[sflag:s1] =	ssyncset.done $0x0  }
0x167: {  	[sflag:s1] =	ssyncadd.s32 $0xFFFFFC00  }
0x168: {  	_ =	swait.ge [sflag:s1], $0x400  }
0x169: {  	[sflag:s1] =	ssyncset.done $0x0  }
0x16a: {  	[sflag:s1] =	ssyncadd.s32 $0xFFFFFC00  }
0x16b: {  	_ =	swait.ge [sflag:s1], $0x400  }
0x16c: {  	[sflag:s1] =	ssyncset.done $0x0  }
0x16d: {  	[sflag:s1] =	ssyncadd.s32 $0xFFFFFC00  }
0x16e: {  	_ =	swait.ge [sflag:s1], $0x400  }
0x16f: {  	[sflag:s1] =	ssyncset.done $0x0  }
0x170: {  	[sflag:s1] =	ssyncadd.s32 $0xFFFFFC00  }
0x171: {  	_ =	swait.ge [sflag:s1], $0x400  }
0x172: {  	[sflag:s1] =	ssyncset.done $0x0  }
0x173: {  	[sflag:s1] =	ssyncadd.s32 $0xFFFFFC00  }
0x174: {  	_ =	swait.ge [sflag:s1], $0x400  }
0x175: {  	[sflag:s1] =	ssyncset.done $0x0  }
0x176: {  	[sflag:s1] =	ssyncadd.s32 $0xFFFFFC00  }
0x177: {  	_ =	swait.ge [sflag:s1], $0x400  }
0x178: {  	[sflag:s1] =	ssyncset.done $0x0  }
0x179: {  	[sflag:s1] =	ssyncadd.s32 $0xFFFFFC00  }
0x17a: {  	_ =	swait.ge [sflag:s1], $0x400  }
0x17b: {  	[sflag:s1] =	ssyncset.done $0x0  }
0x17c: {  	[sflag:s1] =	ssyncadd.s32 $0xFFFFFC00  }
0x17d: {  	_ =	swait.ge [sflag:s1], $0x400  }
0x17e: {  	[sflag:s1] =	ssyncset.done $0x0  }
0x17f: {  	[sflag:s1] =	ssyncadd.s32 $0xFFFFFC00  }
0x180: {  	_ =	swait.ge [sflag:s1], $0x400  }
0x181: {  	p0 =	sne.s32 s4, $0x1;
	[sflag:s1] =	ssyncset.done $0x0  }
.Ltmp0:
0x182: {  	s0 =	rddreg [dreg:$0x4];
	[sflag:s1] =	ssyncadd.s32 $0xFFFFFC00;
	(pc) =	sbr.rel @p0 .LBB2_1-.Ltmp0, $4  }
0x183: {  	[hbm4b:s0+s2] =	stream.linear.scatter [tilespmem:s6], [sflag:$0x2], $0x8000, $0x38;
	[tilespmem:$0x8400] =	vst v63  }
0x184: {  	_ =	swait.ge [sflag:s5], $0x8000  }
0x185: {  	[sflag:s5] =	ssyncset.done $0x0  }
0x186: {  	s4 =	sadd.s32 $0xFFFFFFFF, s4;
	[sflag:s5] =	ssyncadd.s32 $0xFFFF8000  }
0x187: {  	_ =	sfence.sel $0x180000  }
0x188: {  	[bflag:$0x0] =	sbarrier.arrive $0xFFFF  }
0x189: {  	_ =	strace $0x90000047  }
0x18a: {  	s0 =	stileid.u32;
	[bflag:$0x2] =	sbarrier.arrive $0xFFFF  }
0x18b: {  	p0 =	sne.s32 s0, $0x0;
	s0 =	rddreg [dreg:$0x2]  }
0x18c: {  	s0 =	sadd.s32 @!p0 $0x100000, s0  }
0x18d: {  	[sflag:s0] =	ssyncadd.tile.s32 @!p0 $0x1;
	_ =	shalt  }
.Lfunc_end2:
_tile_overlayer_lowered:
.L_overlay_start_2:
0x18e: {  	(tag) =	ssettag $0x2  }
0x18f: {  	s0 =	rddreg [dreg:$0x0];
	s2 =	stileid.u32  }
0x190: {  	s1 =	rddreg [dreg:$0x1];
	p0 =	sne.s32 s2, $0x0  }
0x191: {  	s3 =	rddreg [dreg:$0x2];
	[bflag:$0x3] =	sbarrier.arrive $0xFFFF;
	s2 =	simm.s32 @!p0 $0x1C02  }
0x192: {  	[timem:s3], [sflag:s2] =	dma.local @!p0 [hbm:s0], s1  }
0x193: {  	s0 =	simm.s32 @!p0 $0x2  }
0x194: {  	_ =	swait.ge @!p0 [sflag:s0], s1  }
0x195: {  	s1 =	ssub.s32 @!p0 $0x0, s1;
	[sflag:s0] =	ssyncset.done @!p0 $0x0  }
0x196: {  	[sflag:s0] =	ssyncadd.s32 @!p0 s1  }
0x197: {  	[bflag:$0x3] =	sbarrier.arrive $0xFFFF  }
0x198: {  	_ =	shalt  }

</sc_bundles>
